<compile_context>
chip_gen: v7x
topology: tpu7x:2x2x1
jax: 0.10.2.dev20260603
libtpu: 0.0.44.dev20260713+nightly
codegen_flags: <defaults>
</compile_context>

<pallas_src>
import jax
import jax.numpy as jnp
from jax import lax
from jax.experimental import pallas as pl
from jax.experimental.pallas import tpu as pltpu
from jax.experimental.pallas import tpu_sc as plsc

B = 16384
D = 64
NC, NS = 2, 16
NW = NC * NS
BPW = B // NW
BS = 1024
CH = 256


def _gather_body(uidx_hbm, midx_hbm, utab_hbm, itab_hbm, uout_hbm, vout_hbm,
                 uidx_v, midx_v, urows_v, vrows_v, sem_u, sem_v):
    wid = lax.axis_index("s") * NC + lax.axis_index("c")
    base = wid * BPW
    pltpu.sync_copy(uidx_hbm.at[pl.ds(base, BPW)], uidx_v)
    pltpu.sync_copy(midx_hbm.at[pl.ds(base, BPW)], midx_v)
    lanes = lax.broadcasted_iota(jnp.int32, (16,), 0)

    for c in range(BPW // CH):
        off = c * CH

        def fire(k, _):
            vec_u = uidx_v[pl.ds(off + k * 16, 16)]
            vec_v = midx_v[pl.ds(off + k * 16, 16)]
            for l in range(16):
                iu = jnp.sum(jnp.where(lanes == l, vec_u, 0))
                iv = jnp.sum(jnp.where(lanes == l, vec_v, 0))
                pltpu.async_copy(utab_hbm.at[pl.ds(iu, 1), :],
                                 urows_v.at[pl.ds(k * 16 + l, 1), :], sem_u)
                pltpu.async_copy(itab_hbm.at[pl.ds(iv, 1), :],
                                 vrows_v.at[pl.ds(k * 16 + l, 1), :], sem_v)
            return 0

        lax.fori_loop(0, CH // 16, fire, 0)

        def drain(j, _):
            pltpu.make_async_copy(utab_hbm.at[pl.ds(0, 1), :],
                                  urows_v.at[pl.ds(j, 1), :], sem_u).wait()
            pltpu.make_async_copy(itab_hbm.at[pl.ds(0, 1), :],
                                  vrows_v.at[pl.ds(j, 1), :], sem_v).wait()
            return 0

        lax.fori_loop(0, CH, drain, 0)
        pltpu.sync_copy(urows_v, uout_hbm.at[pl.ds(base + off, CH)])
        pltpu.sync_copy(vrows_v, vout_hbm.at[pl.ds(base + off, CH)])


def _sc_gather(user_idx, movie_idx, user_emb, item_emb):
    mesh = plsc.VectorSubcoreMesh(core_axis_name="c", subcore_axis_name="s")
    f = pl.kernel(
        _gather_body,
        mesh=mesh,
        compiler_params=pltpu.CompilerParams(needs_layout_passes=False,
                                             use_tc_tiling_on_sc=True),
        out_type=[
            jax.ShapeDtypeStruct((B, D), jnp.float32),
            jax.ShapeDtypeStruct((B, D), jnp.float32),
        ],
        scratch_types=[
            pltpu.VMEM((BPW,), jnp.int32),
            pltpu.VMEM((BPW,), jnp.int32),
            pltpu.VMEM((CH, D), jnp.float32),
            pltpu.VMEM((CH, D), jnp.float32),
            pltpu.SemaphoreType.DMA,
            pltpu.SemaphoreType.DMA,
        ],
    )
    return f(user_idx, movie_idx, user_emb, item_emb)


def _mlp_body(u_ref, v_ref, w1_ref, b1_ref, w2_ref, b2_ref, w3_ref, b3_ref,
              o_ref):
    u = u_ref[...]
    v = v_ref[...]
    x = jnp.concatenate([u, v, u * v, jnp.abs(u - v)], axis=1)
    h = jnp.dot(x, w1_ref[...], preferred_element_type=jnp.float32) + b1_ref[...]
    h = jnp.maximum(h, 0.0)
    h = jnp.dot(h, w2_ref[...], preferred_element_type=jnp.float32) + b2_ref[...]
    h = jnp.maximum(h, 0.0)
    o_ref[...] = jnp.sum(h * w3_ref[...], axis=1) + b3_ref[0]


def _tc_mlp(u_g, v_g, w1t, b1, w2t, b2, w3, b3):
    grid = (B // BS,)
    return pl.pallas_call(
        _mlp_body,
        grid=grid,
        in_specs=[
            pl.BlockSpec((BS, D), lambda i: (i, 0)),
            pl.BlockSpec((BS, D), lambda i: (i, 0)),
            pl.BlockSpec((256, 256), lambda i: (0, 0)),
            pl.BlockSpec((1, 256), lambda i: (0, 0)),
            pl.BlockSpec((256, 64), lambda i: (0, 0)),
            pl.BlockSpec((1, 64), lambda i: (0, 0)),
            pl.BlockSpec((1, 64), lambda i: (0, 0)),
            pl.BlockSpec(memory_space=pltpu.SMEM),
        ],
        out_specs=pl.BlockSpec((BS,), lambda i: (i,)),
        out_shape=jax.ShapeDtypeStruct((B,), jnp.float32),
    )(u_g, v_g, w1t, b1, w2t, b2, w3, b3)


def kernel(user_idx, movie_idx, user_emb, item_emb, W1, b1, W2, b2, W3, b3):
    u_g, v_g = _sc_gather(user_idx, movie_idx, user_emb, item_emb)
    return _tc_mlp(u_g, v_g, W1.T, b1.reshape(1, 256), W2.T, b2.reshape(1, 64),
                   W3, b3)

# --- scband reference (transcript-rebuilt; emitter-appended) ---
"""Pipeline reference for scband-ncf-40621800685999 (READ-ONLY COPY).

The authoritative reference and input builder live on the scoring server;
editing this copy changes nothing except your own understanding.
"""

import jax, jax.numpy as jnp
import numpy as np

NUM_USERS = 1000000
NUM_ITEMS = 1000000
EMB_DIM = 64
BATCH = 16384
IN_DIM = 4 * EMB_DIM  # user_dim + emb_dim + emb_dim + emb_dim = 256


def setup_inputs(seed: int = 0) -> dict:
    key = jax.random.key(seed)
    ks = jax.random.split(key, 12)
    user_idx = jax.random.randint(ks[0], (BATCH,), 0, NUM_USERS, dtype=jnp.int64 if jax.config.jax_enable_x64 else jnp.int32)
    movie_idx = jax.random.randint(ks[1], (BATCH,), 0, NUM_ITEMS, dtype=jnp.int64 if jax.config.jax_enable_x64 else jnp.int32)
    user_emb = jax.random.normal(ks[2], (NUM_USERS, EMB_DIM), dtype=jnp.float32)
    item_emb = jax.random.normal(ks[3], (NUM_ITEMS, EMB_DIM), dtype=jnp.float32)
    # Linear layers: weight shape [out, in] like torch, bias [out]
    W1 = jax.random.normal(ks[4], (256, IN_DIM), dtype=jnp.float32) * (1.0 / np.sqrt(IN_DIM))
    b1 = jax.random.normal(ks[5], (256,), dtype=jnp.float32) * 0.01
    W2 = jax.random.normal(ks[6], (64, 256), dtype=jnp.float32) * (1.0 / np.sqrt(256))
    b2 = jax.random.normal(ks[7], (64,), dtype=jnp.float32) * 0.01
    W3 = jax.random.normal(ks[8], (1, 64), dtype=jnp.float32) * (1.0 / np.sqrt(64))
    b3 = jax.random.normal(ks[9], (1,), dtype=jnp.float32) * 0.01
    return {
        "user_idx": user_idx,
        "movie_idx": movie_idx,
        "user_emb": user_emb,
        "item_emb": item_emb,
        "W1": W1, "b1": b1,
        "W2": W2, "b2": b2,
        "W3": W3, "b3": b3,
    }


def reference(user_idx, movie_idx, user_emb, item_emb, W1, b1, W2, b2, W3, b3):
    u = jnp.take(user_emb, user_idx, axis=0)
    v = jnp.take(item_emb, movie_idx, axis=0)
    uv = u * v
    ud = jnp.abs(u - v)
    x = jnp.concatenate([u, v, uv, ud], axis=1)
    h = jax.nn.relu(x @ W1.T + b1)
    h = jax.nn.relu(h @ W2.T + b2)
    out = h @ W3.T + b3
    return jnp.squeeze(out, axis=1)

if __name__ == "__main__":
    import jax
    _d = setup_inputs()
    print(jax.jit(kernel)(*tuple(_d.values())))

</pallas_src>

<mosaic_0001>
#map = affine_map<(d0, d1) -> (0)>
#map1 = affine_map<(d0, d1) -> (0, 0)>
module attributes {stable_mosaic.version = 14 : i64} {
  func.func @_gather_body(%arg0: i32, %arg1: i32, %arg2: memref<16384xi32, #tpu.memory_space<hbm>>, %arg3: memref<16384xi32, #tpu.memory_space<hbm>>, %arg4: memref<1000000x64xf32, #tpu.memory_space<hbm>>, %arg5: memref<1000000x64xf32, #tpu.memory_space<hbm>>, %arg6: memref<16384x64xf32, #tpu.memory_space<hbm>>, %arg7: memref<16384x64xf32, #tpu.memory_space<hbm>>, %arg8: memref<512xi32, #tpu.memory_space<vmem>>, %arg9: memref<512xi32, #tpu.memory_space<vmem>>, %arg10: memref<256x64xf32, #tpu.memory_space<vmem>>, %arg11: memref<256x64xf32, #tpu.memory_space<vmem>>, %arg12: memref<!tpu.dma_semaphore, #tpu.memory_space<semaphore_mem>>, %arg13: memref<!tpu.dma_semaphore, #tpu.memory_space<semaphore_mem>>) attributes {dimension_semantics = [#tpu.dimension_semantics<core_parallel>, #tpu.dimension_semantics<subcore_parallel>], iteration_bounds = array<i64: 2, 16>, scalar_prefetch = 0 : i64, scratch_operands = 6 : i64, tpu.core_type = #tpu.core_type<sc_vector_subcore>, window_params = [{transform_indices = #map}, {transform_indices = #map}, {transform_indices = #map1}, {transform_indices = #map1}, {transform_indices = #map1}, {transform_indices = #map1}]} {
    %mul3A = arith.constant 2 : i32
    %mul3A_0 = arith.muli %arg1, %mul3A : i32
    %add3A = arith.addi %mul3A_0, %arg0 : i32
    %mul3A_1 = arith.constant 512 : i32
    %mul3A_2 = arith.muli %add3A, %mul3A_1 : i32
    "tpu.region"() ({
      %run_scoped3A = tpu.sem_alloc : memref<!tpu.dma_semaphore, #tpu.memory_space<semaphore_mem>>
      %dma_start3A = tpu.memref_slice %arg2[%mul3A_2] : memref<16384xi32, #tpu.memory_space<hbm>> -> memref<512xi32, #tpu.memory_space<hbm>>
      %dma_start3A_38 = tpu.memref_slice %arg2[%mul3A_2] : memref<16384xi32, #tpu.memory_space<hbm>> -> memref<512xi32, #tpu.memory_space<hbm>>
      tpu.enqueue_dma source(%dma_start3A_38 : memref<512xi32, #tpu.memory_space<hbm>>) target(%arg8 : memref<512xi32, #tpu.memory_space<vmem>>) target_semaphore(%run_scoped3A : memref<!tpu.dma_semaphore, #tpu.memory_space<semaphore_mem>>)
      %dma_wait3A = tpu.memref_slice %arg2[%mul3A_2] : memref<16384xi32, #tpu.memory_space<hbm>> -> memref<512xi32, #tpu.memory_space<hbm>>
      %dma_wait3A_39 = tpu.memref_slice %arg2[%mul3A_2] : memref<16384xi32, #tpu.memory_space<hbm>> -> memref<512xi32, #tpu.memory_space<hbm>>
      tpu.wait_dma2 semaphore(%run_scoped3A : memref<!tpu.dma_semaphore, #tpu.memory_space<semaphore_mem>>) src(%dma_wait3A_39 : memref<512xi32, #tpu.memory_space<hbm>>) dst(%arg8 : memref<512xi32, #tpu.memory_space<vmem>>)
      tpu.yield
    }) : () -> ()
    "tpu.region"() ({
      %run_scoped3A = tpu.sem_alloc : memref<!tpu.dma_semaphore, #tpu.memory_space<semaphore_mem>>
      %dma_start3A = tpu.memref_slice %arg3[%mul3A_2] : memref<16384xi32, #tpu.memory_space<hbm>> -> memref<512xi32, #tpu.memory_space<hbm>>
      %dma_start3A_38 = tpu.memref_slice %arg3[%mul3A_2] : memref<16384xi32, #tpu.memory_space<hbm>> -> memref<512xi32, #tpu.memory_space<hbm>>
      tpu.enqueue_dma source(%dma_start3A_38 : memref<512xi32, #tpu.memory_space<hbm>>) target(%arg9 : memref<512xi32, #tpu.memory_space<vmem>>) target_semaphore(%run_scoped3A : memref<!tpu.dma_semaphore, #tpu.memory_space<semaphore_mem>>)
      %dma_wait3A = tpu.memref_slice %arg3[%mul3A_2] : memref<16384xi32, #tpu.memory_space<hbm>> -> memref<512xi32, #tpu.memory_space<hbm>>
      %dma_wait3A_39 = tpu.memref_slice %arg3[%mul3A_2] : memref<16384xi32, #tpu.memory_space<hbm>> -> memref<512xi32, #tpu.memory_space<hbm>>
      tpu.wait_dma2 semaphore(%run_scoped3A : memref<!tpu.dma_semaphore, #tpu.memory_space<semaphore_mem>>) src(%dma_wait3A_39 : memref<512xi32, #tpu.memory_space<hbm>>) dst(%arg9 : memref<512xi32, #tpu.memory_space<vmem>>)
      tpu.yield
    }) : () -> ()
    %iota3A = tpu.iota {dimensions = array<i32: 0>} : vector<16xi32>
    %scan3A = arith.constant 0 : i32
    %scan3A_3 = arith.constant 0 : i32
    %scan3A_4 = arith.constant 16 : i32
    %scan3A_5 = arith.addi %scan3A_3, %scan3A_4 : i32
    %scan3A_6 = arith.constant 1 : i32
    %scan3A_7 = scf.for %scan3A_38 = %scan3A_3 to %scan3A_5 step %scan3A_6 iter_args(%scan3A_39 = %scan3A) -> (i32)  : i32 {
      %mul3A_40 = arith.constant 16 : i32
      %mul3A_41 = arith.muli %scan3A_38, %mul3A_40 : i32
      %add3A_42 = arith.constant 0 : i32
      %add3A_43 = arith.addi %add3A_42, %mul3A_41 : i32
      %get3A = arith.index_cast %add3A_43 : i32 to index
      %get3A_44 = tpu.vector_load %arg8[%get3A] {strides = array<i32>} : memref<512xi32, #tpu.memory_space<vmem>>, vector<16xi32>,
      %mul3A_45 = arith.constant 16 : i32
      %mul3A_46 = arith.muli %scan3A_38, %mul3A_45 : i32
      %add3A_47 = arith.constant 0 : i32
      %add3A_48 = arith.addi %add3A_47, %mul3A_46 : i32
      %get3A_49 = arith.index_cast %add3A_48 : i32 to index
      %get3A_50 = tpu.vector_load %arg9[%get3A_49] {strides = array<i32>} : memref<512xi32, #tpu.memory_space<vmem>>, vector<16xi32>,
      %eq3A = arith.constant 0 : i32
      %eq3A_51 = vector.broadcast %eq3A : i32 to vector<16xi32>
      %eq3A_52 = arith.cmpi eq, %iota3A, %eq3A_51 : vector<16xi32>
      %jit3A = arith.constant 0 : i32
      %broadcast_in_dim3A = vector.broadcast %jit3A : i32 to vector<16xi32>
      %select_n3A = arith.select %eq3A_52, %get3A_44, %broadcast_in_dim3A : vector<16xi1>, vector<16xi32>
      %reduce_sum3A = arith.constant true
      %reduce_sum3A_53 = vector.broadcast %reduce_sum3A : i1 to vector<16xi1>
      %reduce_sum3A_54 = tpu.scan <sum>, %select_n3A masked %reduce_sum3A_53 : vector<16xi32>, vector<16xi1> -> vector<16xi32>
      %reduce_sum3A_55 = vector.extract %reduce_sum3A_54[15] : i32 from vector<16xi32>
      %eq3A_56 = arith.constant 0 : i32
      %eq3A_57 = vector.broadcast %eq3A_56 : i32 to vector<16xi32>
      %eq3A_58 = arith.cmpi eq, %iota3A, %eq3A_57 : vector<16xi32>
      %jit3A_59 = arith.constant 0 : i32
      %broadcast_in_dim3A_60 = vector.broadcast %jit3A_59 : i32 to vector<16xi32>
      %select_n3A_61 = arith.select %eq3A_58, %get3A_50, %broadcast_in_dim3A_60 : vector<16xi1>, vector<16xi32>
      %reduce_sum3A_62 = arith.constant true
      %reduce_sum3A_63 = vector.broadcast %reduce_sum3A_62 : i1 to vector<16xi1>
      %reduce_sum3A_64 = tpu.scan <sum>, %select_n3A_61 masked %reduce_sum3A_63 : vector<16xi32>, vector<16xi1> -> vector<16xi32>
      %reduce_sum3A_65 = vector.extract %reduce_sum3A_64[15] : i32 from vector<16xi32>
      %mul3A_66 = arith.constant 16 : i32
      %mul3A_67 = arith.muli %scan3A_38, %mul3A_66 : i32
      %add3A_68 = arith.constant 0 : i32
      %add3A_69 = arith.addi %mul3A_67, %add3A_68 : i32
      %dma_start3A = arith.constant 0 : i32
      %dma_start3A_70 = tpu.memref_slice %arg10[%add3A_69, %dma_start3A] : memref<256x64xf32, #tpu.memory_space<vmem>> -> memref<1x64xf32, #tpu.memory_space<vmem>>
      %dma_start3A_71 = arith.constant 0 : i32
      %dma_start3A_72 = tpu.memref_slice %arg4[%reduce_sum3A_55, %dma_start3A_71] : memref<1000000x64xf32, #tpu.memory_space<hbm>> -> memref<1x64xf32, #tpu.memory_space<hbm>>
      %dma_start3A_73 = arith.constant 0 : i32
      %dma_start3A_74 = tpu.memref_slice %arg10[%add3A_69, %dma_start3A_73] : memref<256x64xf32, #tpu.memory_space<vmem>> -> memref<1x64xf32, #tpu.memory_space<vmem>>
      %dma_start3A_75 = arith.constant 0 : i32
      %dma_start3A_76 = tpu.memref_slice %arg4[%reduce_sum3A_55, %dma_start3A_75] : memref<1000000x64xf32, #tpu.memory_space<hbm>> -> memref<1x64xf32, #tpu.memory_space<hbm>>
      tpu.enqueue_dma source(%dma_start3A_76 : memref<1x64xf32, #tpu.memory_space<hbm>>) target(%dma_start3A_74 : memref<1x64xf32, #tpu.memory_space<vmem>>) target_semaphore(%arg12 : memref<!tpu.dma_semaphore, #tpu.memory_space<semaphore_mem>>)
      %mul3A_77 = arith.constant 16 : i32
      %mul3A_78 = arith.muli %scan3A_38, %mul3A_77 : i32
      %add3A_79 = arith.constant 0 : i32
      %add3A_80 = arith.addi %mul3A_78, %add3A_79 : i32
      %dma_start3A_81 = arith.constant 0 : i32
      %dma_start3A_82 = tpu.memref_slice %arg11[%add3A_80, %dma_start3A_81] : memref<256x64xf32, #tpu.memory_space<vmem>> -> memref<1x64xf32, #tpu.memory_space<vmem>>
      %dma_start3A_83 = arith.constant 0 : i32
      %dma_start3A_84 = tpu.memref_slice %arg5[%reduce_sum3A_65, %dma_start3A_83] : memref<1000000x64xf32, #tpu.memory_space<hbm>> -> memref<1x64xf32, #tpu.memory_space<hbm>>
      %dma_start3A_85 = arith.constant 0 : i32
      %dma_start3A_86 = tpu.memref_slice %arg11[%add3A_80, %dma_start3A_85] : memref<256x64xf32, #tpu.memory_space<vmem>> -> memref<1x64xf32, #tpu.memory_space<vmem>>
      %dma_start3A_87 = arith.constant 0 : i32
      %dma_start3A_88 = tpu.memref_slice %arg5[%reduce_sum3A_65, %dma_start3A_87] : memref<1000000x64xf32, #tpu.memory_space<hbm>> -> memref<1x64xf32, #tpu.memory_space<hbm>>
      tpu.enqueue_dma source(%dma_start3A_88 : memref<1x64xf32, #tpu.memory_space<hbm>>) target(%dma_start3A_86 : memref<1x64xf32, #tpu.memory_space<vmem>>) target_semaphore(%arg13 : memref<!tpu.dma_semaphore, #tpu.memory_space<semaphore_mem>>)
      %eq3A_89 = arith.constant 1 : i32
      %eq3A_90 = vector.broadcast %eq3A_89 : i32 to vector<16xi32>
      %eq3A_91 = arith.cmpi eq, %iota3A, %eq3A_90 : vector<16xi32>
      %jit3A_92 = arith.constant 0 : i32
      %broadcast_in_dim3A_93 = vector.broadcast %jit3A_92 : i32 to vector<16xi32>
      %select_n3A_94 = arith.select %eq3A_91, %get3A_44, %broadcast_in_dim3A_93 : vector<16xi1>, vector<16xi32>
      %reduce_sum3A_95 = arith.constant true
      %reduce_sum3A_96 = vector.broadcast %reduce_sum3A_95 : i1 to vector<16xi1>
      %reduce_sum3A_97 = tpu.scan <sum>, %select_n3A_94 masked %reduce_sum3A_96 : vector<16xi32>, vector<16xi1> -> vector<16xi32>
      %reduce_sum3A_98 = vector.extract %reduce_sum3A_97[15] : i32 from vector<16xi32>
      %eq3A_99 = arith.constant 1 : i32
      %eq3A_100 = vector.broadcast %eq3A_99 : i32 to vector<16xi32>
      %eq3A_101 = arith.cmpi eq, %iota3A, %eq3A_100 : vector<16xi32>
      %jit3A_102 = arith.constant 0 : i32
      %broadcast_in_dim3A_103 = vector.broadcast %jit3A_102 : i32 to vector<16xi32>
      %select_n3A_104 = arith.select %eq3A_101, %get3A_50, %broadcast_in_dim3A_103 : vector<16xi1>, vector<16xi32>
      %reduce_sum3A_105 = arith.constant true
      %reduce_sum3A_106 = vector.broadcast %reduce_sum3A_105 : i1 to vector<16xi1>
      %reduce_sum3A_107 = tpu.scan <sum>, %select_n3A_104 masked %reduce_sum3A_106 : vector<16xi32>, vector<16xi1> -> vector<16xi32>
      %reduce_sum3A_108 = vector.extract %reduce_sum3A_107[15] : i32 from vector<16xi32>
      %mul3A_109 = arith.constant 16 : i32
      %mul3A_110 = arith.muli %scan3A_38, %mul3A_109 : i32
      %add3A_111 = arith.constant 1 : i32
      %add3A_112 = arith.addi %mul3A_110, %add3A_111 : i32
      %dma_start3A_113 = arith.constant 0 : i32
      %dma_start3A_114 = tpu.memref_slice %arg10[%add3A_112, %dma_start3A_113] : memref<256x64xf32, #tpu.memory_space<vmem>> -> memref<1x64xf32, #tpu.memory_space<vmem>>
      %dma_start3A_115 = arith.constant 0 : i32
      %dma_start3A_116 = tpu.memref_slice %arg4[%reduce_sum3A_98, %dma_start3A_115] : memref<1000000x64xf32, #tpu.memory_space<hbm>> -> memref<1x64xf32, #tpu.memory_space<hbm>>
      %dma_start3A_117 = arith.constant 0 : i32
      %dma_start3A_118 = tpu.memref_slice %arg10[%add3A_112, %dma_start3A_117] : memref<256x64xf32, #tpu.memory_space<vmem>> -> memref<1x64xf32, #tpu.memory_space<vmem>>
      %dma_start3A_119 = arith.constant 0 : i32
      %dma_start3A_120 = tpu.memref_slice %arg4[%reduce_sum3A_98, %dma_start3A_119] : memref<1000000x64xf32, #tpu.memory_space<hbm>> -> memref<1x64xf32, #tpu.memory_space<hbm>>
      tpu.enqueue_dma source(%dma_start3A_120 : memref<1x64xf32, #tpu.memory_space<hbm>>) target(%dma_start3A_118 : memref<1x64xf32, #tpu.memory_space<vmem>>) target_semaphore(%arg12 : memref<!tpu.dma_semaphore, #tpu.memory_space<semaphore_mem>>)
      %mul3A_121 = arith.constant 16 : i32
      %mul3A_122 = arith.muli %scan3A_38, %mul3A_121 : i32
      %add3A_123 = arith.constant 1 : i32
      %add3A_124 = arith.addi %mul3A_122, %add3A_123 : i32
      %dma_start3A_125 = arith.constant 0 : i32
      %dma_start3A_126 = tpu.memref_slice %arg11[%add3A_124, %dma_start3A_125] : memref<256x64xf32, #tpu.memory_space<vmem>> -> memref<1x64xf32, #tpu.memory_space<vmem>>
      %dma_start3A_127 = arith.constant 0 : i32
      %dma_start3A_128 = tpu.memref_slice %arg5[%reduce_sum3A_108, %dma_start3A_127] : memref<1000000x64xf32, #tpu.memory_space<hbm>> -> memref<1x64xf32, #tpu.memory_space<hbm>>
      %dma_start3A_129 = arith.constant 0 : i32
      %dma_start3A_130 = tpu.memref_slice %arg11[%add3A_124, %dma_start3A_129] : memref<256x64xf32, #tpu.memory_space<vmem>> -> memref<1x64xf32, #tpu.memory_space<vmem>>
      %dma_start3A_131 = arith.constant 0 : i32
      %dma_start3A_132 = tpu.memref_slice %arg5[%reduce_sum3A_108, %dma_start3A_131] : memref<1000000x64xf32, #tpu.memory_space<hbm>> -> memref<1x64xf32, #tpu.memory_space<hbm>>
      tpu.enqueue_dma source(%dma_start3A_132 : memref<1x64xf32, #tpu.memory_space<hbm>>) target(%dma_start3A_130 : memref<1x64xf32, #tpu.memory_space<vmem>>) target_semaphore(%arg13 : memref<!tpu.dma_semaphore, #tpu.memory_space<semaphore_mem>>)
      %eq3A_133 = arith.constant 2 : i32
      %eq3A_134 = vector.broadcast %eq3A_133 : i32 to vector<16xi32>
      %eq3A_135 = arith.cmpi eq, %iota3A, %eq3A_134 : vector<16xi32>
      %jit3A_136 = arith.constant 0 : i32
      %broadcast_in_dim3A_137 = vector.broadcast %jit3A_136 : i32 to vector<16xi32>
      %select_n3A_138 = arith.select %eq3A_135, %get3A_44, %broadcast_in_dim3A_137 : vector<16xi1>, vector<16xi32>
      %reduce_sum3A_139 = arith.constant true
      %reduce_sum3A_140 = vector.broadcast %reduce_sum3A_139 : i1 to vector<16xi1>
      %reduce_sum3A_141 = tpu.scan <sum>, %select_n3A_138 masked %reduce_sum3A_140 : vector<16xi32>, vector<16xi1> -> vector<16xi32>
      %reduce_sum3A_142 = vector.extract %reduce_sum3A_141[15] : i32 from vector<16xi32>
      %eq3A_143 = arith.constant 2 : i32
      %eq3A_144 = vector.broadcast %eq3A_143 : i32 to vector<16xi32>
      %eq3A_145 = arith.cmpi eq, %iota3A, %eq3A_144 : vector<16xi32>
      %jit3A_146 = arith.constant 0 : i32
      %broadcast_in_dim3A_147 = vector.broadcast %jit3A_146 : i32 to vector<16xi32>
      %select_n3A_148 = arith.select %eq3A_145, %get3A_50, %broadcast_in_dim3A_147 : vector<16xi1>, vector<16xi32>
      %reduce_sum3A_149 = arith.constant true
      %reduce_sum3A_150 = vector.broadcast %reduce_sum3A_149 : i1 to vector<16xi1>
      %reduce_sum3A_151 = tpu.scan <sum>, %select_n3A_148 masked %reduce_sum3A_150 : vector<16xi32>, vector<16xi1> -> vector<16xi32>
      %reduce_sum3A_152 = vector.extract %reduce_sum3A_151[15] : i32 from vector<16xi32>
      %mul3A_153 = arith.constant 16 : i32
      %mul3A_154 = arith.muli %scan3A_38, %mul3A_153 : i32
      %add3A_155 = arith.constant 2 : i32
      %add3A_156 = arith.addi %mul3A_154, %add3A_155 : i32
      %dma_start3A_157 = arith.constant 0 : i32
      %dma_start3A_158 = tpu.memref_slice %arg10[%add3A_156, %dma_start3A_157] : memref<256x64xf32, #tpu.memory_space<vmem>> -> memref<1x64xf32, #tpu.memory_space<vmem>>
      %dma_start3A_159 = arith.constant 0 : i32
      %dma_start3A_160 = tpu.memref_slice %arg4[%reduce_sum3A_142, %dma_start3A_159] : memref<1000000x64xf32, #tpu.memory_space<hbm>> -> memref<1x64xf32, #tpu.memory_space<hbm>>
      %dma_start3A_161 = arith.constant 0 : i32
      %dma_start3A_162 = tpu.memref_slice %arg10[%add3A_156, %dma_start3A_161] : memref<256x64xf32, #tpu.memory_space<vmem>> -> memref<1x64xf32, #tpu.memory_space<vmem>>
      %dma_start3A_163 = arith.constant 0 : i32
      %dma_start3A_164 = tpu.memref_slice %arg4[%reduce_sum3A_142, %dma_start3A_163] : memref<1000000x64xf32, #tpu.memory_space<hbm>> -> memref<1x64xf32, #tpu.memory_space<hbm>>
      tpu.enqueue_dma source(%dma_start3A_164 : memref<1x64xf32, #tpu.memory_space<hbm>>) target(%dma_start3A_162 : memref<1x64xf32, #tpu.memory_space<vmem>>) target_semaphore(%arg12 : memref<!tpu.dma_semaphore, #tpu.memory_space<semaphore_mem>>)
      %mul3A_165 = arith.constant 16 : i32
      %mul3A_166 = arith.muli %scan3A_38, %mul3A_165 : i32
      %add3A_167 = arith.constant 2 : i32
      %add3A_168 = arith.addi %mul3A_166, %add3A_167 : i32
      %dma_start3A_169 = arith.constant 0 : i32
      %dma_start3A_170 = tpu.memref_slice %arg11[%add3A_168, %dma_start3A_169] : memref<256x64xf32, #tpu.memory_space<vmem>> -> memref<1x64xf32, #tpu.memory_space<vmem>>
      %dma_start3A_171 = arith.constant 0 : i32
      %dma_start3A_172 = tpu.memref_slice %arg5[%reduce_sum3A_152, %dma_start3A_171] : memref<1000000x64xf32, #tpu.memory_space<hbm>> -> memref<1x64xf32, #tpu.memory_space<hbm>>
      %dma_start3A_173 = arith.constant 0 : i32
      %dma_start3A_174 = tpu.memref_slice %arg11[%add3A_168, %dma_start3A_173] : memref<256x64xf32, #tpu.memory_space<vmem>> -> memref<1x64xf32, #tpu.memory_space<vmem>>
      %dma_start3A_175 = arith.constant 0 : i32
      %dma_start3A_176 = tpu.memref_slice %arg5[%reduce_sum3A_152, %dma_start3A_175] : memref<1000000x64xf32, #tpu.memory_space<hbm>> -> memref<1x64xf32, #tpu.memory_space<hbm>>
      tpu.enqueue_dma source(%dma_start3A_176 : memref<1x64xf32, #tpu.memory_space<hbm>>) target(%dma_start3A_174 : memref<1x64xf32, #tpu.memory_space<vmem>>) target_semaphore(%arg13 : memref<!tpu.dma_semaphore, #tpu.memory_space<semaphore_mem>>)
      %eq3A_177 = arith.constant 3 : i32
      %eq3A_178 = vector.broadcast %eq3A_177 : i32 to vector<16xi32>
      %eq3A_179 = arith.cmpi eq, %iota3A, %eq3A_178 : vector<16xi32>
      %jit3A_180 = arith.constant 0 : i32
      %broadcast_in_dim3A_181 = vector.broadcast %jit3A_180 : i32 to vector<16xi32>
      %select_n3A_182 = arith.select %eq3A_179, %get3A_44, %broadcast_in_dim3A_181 : vector<16xi1>, vector<16xi32>
      %reduce_sum3A_183 = arith.constant true
      %reduce_sum3A_184 = vector.broadcast %reduce_sum3A_183 : i1 to vector<16xi1>
      %reduce_sum3A_185 = tpu.scan <sum>, %select_n3A_182 masked %reduce_sum3A_184 : vector<16xi32>, vector<16xi1> -> vector<16xi32>
      %reduce_sum3A_186 = vector.extract %reduce_sum3A_185[15] : i32 from vector<16xi32>
      %eq3A_187 = arith.constant 3 : i32
      %eq3A_188 = vector.broadcast %eq3A_187 : i32 to vector<16xi32>
      %eq3A_189 = arith.cmpi eq, %iota3A, %eq3A_188 : vector<16xi32>
      %jit3A_190 = arith.constant 0 : i32
      %broadcast_in_dim3A_191 = vector.broadcast %jit3A_190 : i32 to vector<16xi32>
      %select_n3A_192 = arith.select %eq3A_189, %get3A_50, %broadcast_in_dim3A_191 : vector<16xi1>, vector<16xi32>
      %reduce_sum3A_193 = arith.constant true
      %reduce_sum3A_194 = vector.broadcast %reduce_sum3A_193 : i1 to vector<16xi1>
      %reduce_sum3A_195 = tpu.scan <sum>, %select_n3A_192 masked %reduce_sum3A_194 : vector<16xi32>, vector<16xi1> -> vector<16xi32>
      %reduce_sum3A_196 = vector.extract %reduce_sum3A_195[15] : i32 from vector<16xi32>
      %mul3A_197 = arith.constant 16 : i32
      %mul3A_198 = arith.muli %scan3A_38, %mul3A_197 : i32
      %add3A_199 = arith.constant 3 : i32
      %add3A_200 = arith.addi %mul3A_198, %add3A_199 : i32
      %dma_start3A_201 = arith.constant 0 : i32
      %dma_start3A_202 = tpu.memref_slice %arg10[%add3A_200, %dma_start3A_201] : memref<256x64xf32, #tpu.memory_space<vmem>> -> memref<1x64xf32, #tpu.memory_space<vmem>>
      %dma_start3A_203 = arith.constant 0 : i32
      %dma_start3A_204 = tpu.memref_slice %arg4[%reduce_sum3A_186, %dma_start3A_203] : memref<1000000x64xf32, #tpu.memory_space<hbm>> -> memref<1x64xf32, #tpu.memory_space<hbm>>
      %dma_start3A_205 = arith.constant 0 : i32
      %dma_start3A_206 = tpu.memref_slice %arg10[%add3A_200, %dma_start3A_205] : memref<256x64xf32, #tpu.memory_space<vmem>> -> memref<1x64xf32, #tpu.memory_space<vmem>>
      %dma_start3A_207 = arith.constant 0 : i32
      %dma_start3A_208 = tpu.memref_slice %arg4[%reduce_sum3A_186, %dma_start3A_207] : memref<1000000x64xf32, #tpu.memory_space<hbm>> -> memref<1x64xf32, #tpu.memory_space<hbm>>
      tpu.enqueue_dma source(%dma_start3A_208 : memref<1x64xf32, #tpu.memory_space<hbm>>) target(%dma_start3A_206 : memref<1x64xf32, #tpu.memory_space<vmem>>) target_semaphore(%arg12 : memref<!tpu.dma_semaphore, #tpu.memory_space<semaphore_mem>>)
      %mul3A_209 = arith.constant 16 : i32
      %mul3A_210 = arith.muli %scan3A_38, %mul3A_209 : i32
      %add3A_211 = arith.constant 3 : i32
      %add3A_212 = arith.addi %mul3A_210, %add3A_211 : i32
      %dma_start3A_213 = arith.constant 0 : i32
      %dma_start3A_214 = tpu.memref_slice %arg11[%add3A_212, %dma_start3A_213] : memref<256x64xf32, #tpu.memory_space<vmem>> -> memref<1x64xf32, #tpu.memory_space<vmem>>
      %dma_start3A_215 = arith.constant 0 : i32
      %dma_start3A_216 = tpu.memref_slice %arg5[%reduce_sum3A_196, %dma_start3A_215] : memref<1000000x64xf32, #tpu.memory_space<hbm>> -> memref<1x64xf32, #tpu.memory_space<hbm>>
      %dma_start3A_217 = arith.constant 0 : i32
      %dma_start3A_218 = tpu.memref_slice %arg11[%add3A_212, %dma_start3A_217] : memref<256x64xf32, #tpu.memory_space<vmem>> -> memref<1x64xf32, #tpu.memory_space<vmem>>
      %dma_start3A_219 = arith.constant 0 : i32
      %dma_start3A_220 = tpu.memref_slice %arg5[%reduce_sum3A_196, %dma_start3A_219] : memref<1000000x64xf32, #tpu.memory_space<hbm>> -> memref<1x64xf32, #tpu.memory_space<hbm>>
      tpu.enqueue_dma source(%dma_start3A_220 : memref<1x64xf32, #tpu.memory_space<hbm>>) target(%dma_start3A_218 : memref<1x64xf32, #tpu.memory_space<vmem>>) target_semaphore(%arg13 : memref<!tpu.dma_semaphore, #tpu.memory_space<semaphore_mem>>)
      %eq3A_221 = arith.constant 4 : i32
      %eq3A_222 = vector.broadcast %eq3A_221 : i32 to vector<16xi32>
      %eq3A_223 = arith.cmpi eq, %iota3A, %eq3A_222 : vector<16xi32>
      %jit3A_224 = arith.constant 0 : i32
      %broadcast_in_dim3A_225 = vector.broadcast %jit3A_224 : i32 to vector<16xi32>
      %select_n3A_226 = arith.select %eq3A_223, %get3A_44, %broadcast_in_dim3A_225 : vector<16xi1>, vector<16xi32>
      %reduce_sum3A_227 = arith.constant true
      %reduce_sum3A_228 = vector.broadcast %reduce_sum3A_227 : i1 to vector<16xi1>
      %reduce_sum3A_229 = tpu.scan <sum>, %select_n3A_226 masked %reduce_sum3A_228 : vector<16xi32>, vector<16xi1> -> vector<16xi32>
      %reduce_sum3A_230 = vector.extract %reduce_sum3A_229[15] : i32 from vector<16xi32>
      %eq3A_231 = arith.constant 4 : i32
      %eq3A_232 = vector.broadcast %eq3A_231 : i32 to vector<16xi32>
      %eq3A_233 = arith.cmpi eq, %iota3A, %eq3A_232 : vector<16xi32>
      %jit3A_234 = arith.constant 0 : i32
      %broadcast_in_dim3A_235 = vector.broadcast %jit3A_234 : i32 to vector<16xi32>
      %select_n3A_236 = arith.select %eq3A_233, %get3A_50, %broadcast_in_dim3A_235 : vector<16xi1>, vector<16xi32>
      %reduce_sum3A_237 = arith.constant true
      %reduce_sum3A_238 = vector.broadcast %reduce_sum3A_237 : i1 to vector<16xi1>
      %reduce_sum3A_239 = tpu.scan <sum>, %select_n3A_236 masked %reduce_sum3A_238 : vector<16xi32>, vector<16xi1> -> vector<16xi32>
      %reduce_sum3A_240 = vector.extract %reduce_sum3A_239[15] : i32 from vector<16xi32>
      %mul3A_241 = arith.constant 16 : i32
      %mul3A_242 = arith.muli %scan3A_38, %mul3A_241 : i32
      %add3A_243 = arith.constant 4 : i32
      %add3A_244 = arith.addi %mul3A_242, %add3A_243 : i32
      %dma_start3A_245 = arith.constant 0 : i32
      %dma_start3A_246 = tpu.memref_slice %arg10[%add3A_244, %dma_start3A_245] : memref<256x64xf32, #tpu.memory_space<vmem>> -> memref<1x64xf32, #tpu.memory_space<vmem>>
      %dma_start3A_247 = arith.constant 0 : i32
      %dma_start3A_248 = tpu.memref_slice %arg4[%reduce_sum3A_230, %dma_start3A_247] : memref<1000000x64xf32, #tpu.memory_space<hbm>> -> memref<1x64xf32, #tpu.memory_space<hbm>>
      %dma_start3A_249 = arith.constant 0 : i32
      %dma_start3A_250 = tpu.memref_slice %arg10[%add3A_244, %dma_start3A_249] : memref<256x64xf32, #tpu.memory_space<vmem>> -> memref<1x64xf32, #tpu.memory_space<vmem>>
      %dma_start3A_251 = arith.constant 0 : i32
      %dma_start3A_252 = tpu.memref_slice %arg4[%reduce_sum3A_230, %dma_start3A_251] : memref<1000000x64xf32, #tpu.memory_space<hbm>> -> memref<1x64xf32, #tpu.memory_space<hbm>>
      tpu.enqueue_dma source(%dma_start3A_252 : memref<1x64xf32, #tpu.memory_space<hbm>>) target(%dma_start3A_250 : memref<1x64xf32, #tpu.memory_space<vmem>>) target_semaphore(%arg12 : memref<!tpu.dma_semaphore, #tpu.memory_space<semaphore_mem>>)
      %mul3A_253 = arith.constant 16 : i32
      %mul3A_254 = arith.muli %scan3A_38, %mul3A_253 : i32
      %add3A_255 = arith.constant 4 : i32
      %add3A_256 = arith.addi %mul3A_254, %add3A_255 : i32
      %dma_start3A_257 = arith.constant 0 : i32
      %dma_start3A_258 = tpu.memref_slice %arg11[%add3A_256, %dma_start3A_257] : memref<256x64xf32, #tpu.memory_space<vmem>> -> memref<1x64xf32, #tpu.memory_space<vmem>>
      %dma_start3A_259 = arith.constant 0 : i32
      %dma_start3A_260 = tpu.memref_slice %arg5[%reduce_sum3A_240, %dma_start3A_259] : memref<1000000x64xf32, #tpu.memory_space<hbm>> -> memref<1x64xf32, #tpu.memory_space<hbm>>
      %dma_start3A_261 = arith.constant 0 : i32
      %dma_start3A_262 = tpu.memref_slice %arg11[%add3A_256, %dma_start3A_261] : memref<256x64xf32, #tpu.memory_space<vmem>> -> memref<1x64xf32, #tpu.memory_space<vmem>>
      %dma_start3A_263 = arith.constant 0 : i32
      %dma_start3A_264 = tpu.memref_slice %arg5[%reduce_sum3A_240, %dma_start3A_263] : memref<1000000x64xf32, #tpu.memory_space<hbm>> -> memref<1x64xf32, #tpu.memory_space<hbm>>
      tpu.enqueue_dma source(%dma_start3A_264 : memref<1x64xf32, #tpu.memory_space<hbm>>) target(%dma_start3A_262 : memref<1x64xf32, #tpu.memory_space<vmem>>) target_semaphore(%arg13 : memref<!tpu.dma_semaphore, #tpu.memory_space<semaphore_mem>>)
      %eq3A_265 = arith.constant 5 : i32
      %eq3A_266 = vector.broadcast %eq3A_265 : i32 to vector<16xi32>
      %eq3A_267 = arith.cmpi eq, %iota3A, %eq3A_266 : vector<16xi32>
      %jit3A_268 = arith.constant 0 : i32
      %broadcast_in_dim3A_269 = vector.broadcast %jit3A_268 : i32 to vector<16xi32>
      %select_n3A_270 = arith.select %eq3A_267, %get3A_44, %broadcast_in_dim3A_269 : vector<16xi1>, vector<16xi32>
      %reduce_sum3A_271 = arith.constant true
      %reduce_sum3A_272 = vector.broadcast %reduce_sum3A_271 : i1 to vector<16xi1>
      %reduce_sum3A_273 = tpu.scan <sum>, %select_n3A_270 masked %reduce_sum3A_272 : vector<16xi32>, vector<16xi1> -> vector<16xi32>
      %reduce_sum3A_274 = vector.extract %reduce_sum3A_273[15] : i32 from vector<16xi32>
      %eq3A_275 = arith.constant 5 : i32
      %eq3A_276 = vector.broadcast %eq3A_275 : i32 to vector<16xi32>
      %eq3A_277 = arith.cmpi eq, %iota3A, %eq3A_276 : vector<16xi32>
      %jit3A_278 = arith.constant 0 : i32
      %broadcast_in_dim3A_279 = vector.broadcast %jit3A_278 : i32 to vector<16xi32>
      %select_n3A_280 = arith.select %eq3A_277, %get3A_50, %broadcast_in_dim3A_279 : vector<16xi1>, vector<16xi32>
      %reduce_sum3A_281 = arith.constant true
      %reduce_sum3A_282 = vector.broadcast %reduce_sum3A_281 : i1 to vector<16xi1>
      %reduce_sum3A_283 = tpu.scan <sum>, %select_n3A_280 masked %reduce_sum3A_282 : vector<16xi32>, vector<16xi1> -> vector<16xi32>
      %reduce_sum3A_284 = vector.extract %reduce_sum3A_283[15] : i32 from vector<16xi32>
      %mul3A_285 = arith.constant 16 : i32
      %mul3A_286 = arith.muli %scan3A_38, %mul3A_285 : i32
      %add3A_287 = arith.constant 5 : i32
      %add3A_288 = arith.addi %mul3A_286, %add3A_287 : i32
      %dma_start3A_289 = arith.constant 0 : i32
      %dma_start3A_290 = tpu.memref_slice %arg10[%add3A_288, %dma_start3A_289] : memref<256x64xf32, #tpu.memory_space<vmem>> -> memref<1x64xf32, #tpu.memory_space<vmem>>
      %dma_start3A_291 = arith.constant 0 : i32
      %dma_start3A_292 = tpu.memref_slice %arg4[%reduce_sum3A_274, %dma_start3A_291] : memref<1000000x64xf32, #tpu.memory_space<hbm>> -> memref<1x64xf32, #tpu.memory_space<hbm>>
      %dma_start3A_293 = arith.constant 0 : i32
      %dma_start3A_294 = tpu.memref_slice %arg10[%add3A_288, %dma_start3A_293] : memref<256x64xf32, #tpu.memory_space<vmem>> -> memref<1x64xf32, #tpu.memory_space<vmem>>
      %dma_start3A_295 = arith.constant 0 : i32
      %dma_start3A_296 = tpu.memref_slice %arg4[%reduce_sum3A_274, %dma_start3A_295] : memref<1000000x64xf32, #tpu.memory_space<hbm>> -> memref<1x64xf32, #tpu.memory_space<hbm>>
      tpu.enqueue_dma source(%dma_start3A_296 : memref<1x64xf32, #tpu.memory_space<hbm>>) target(%dma_start3A_294 : memref<1x64xf32, #tpu.memory_space<vmem>>) target_semaphore(%arg12 : memref<!tpu.dma_semaphore, #tpu.memory_space<semaphore_mem>>)
      %mul3A_297 = arith.constant 16 : i32
      %mul3A_298 = arith.muli %scan3A_38, %mul3A_297 : i32
      %add3A_299 = arith.constant 5 : i32
      %add3A_300 = arith.addi %mul3A_298, %add3A_299 : i32
      %dma_start3A_301 = arith.constant 0 : i32
      %dma_start3A_302 = tpu.memref_slice %arg11[%add3A_300, %dma_start3A_301] : memref<256x64xf32, #tpu.memory_space<vmem>> -> memref<1x64xf32, #tpu.memory_space<vmem>>
      %dma_start3A_303 = arith.constant 0 : i32
      %dma_start3A_304 = tpu.memref_slice %arg5[%reduce_sum3A_284, %dma_start3A_303] : memref<1000000x64xf32, #tpu.memory_space<hbm>> -> memref<1x64xf32, #tpu.memory_space<hbm>>
      %dma_start3A_305 = arith.constant 0 : i32
      %dma_start3A_306 = tpu.memref_slice %arg11[%add3A_300, %dma_start3A_305] : memref<256x64xf32, #tpu.memory_space<vmem>> -> memref<1x64xf32, #tpu.memory_space<vmem>>
      %dma_start3A_307 = arith.constant 0 : i32
      %dma_start3A_308 = tpu.memref_slice %arg5[%reduce_sum3A_284, %dma_start3A_307] : memref<1000000x64xf32, #tpu.memory_space<hbm>> -> memref<1x64xf32, #tpu.memory_space<hbm>>
      tpu.enqueue_dma source(%dma_start3A_308 : memref<1x64xf32, #tpu.memory_space<hbm>>) target(%dma_start3A_306 : memref<1x64xf32, #tpu.memory_space<vmem>>) target_semaphore(%arg13 : memref<!tpu.dma_semaphore, #tpu.memory_space<semaphore_mem>>)
      %eq3A_309 = arith.constant 6 : i32
      %eq3A_310 = vector.broadcast %eq3A_309 : i32 to vector<16xi32>
      %eq3A_311 = arith.cmpi eq, %iota3A, %eq3A_310 : vector<16xi32>
      %jit3A_312 = arith.constant 0 : i32
      %broadcast_in_dim3A_313 = vector.broadcast %jit3A_312 : i32 to vector<16xi32>
      %select_n3A_314 = arith.select %eq3A_311, %get3A_44, %broadcast_in_dim3A_313 : vector<16xi1>, vector<16xi32>
      %reduce_sum3A_315 = arith.constant true
      %reduce_sum3A_316 = vector.broadcast %reduce_sum3A_315 : i1 to vector<16xi1>
      %reduce_sum3A_317 = tpu.scan <sum>, %select_n3A_314 masked %reduce_sum3A_316 : vector<16xi32>, vector<16xi1> -> vector<16xi32>
      %reduce_sum3A_318 = vector.extract %reduce_sum3A_317[15] : i32 from vector<16xi32>
      %eq3A_319 = arith.constant 6 : i32
      %eq3A_320 = vector.broadcast %eq3A_319 : i32 to vector<16xi32>
      %eq3A_321 = arith.cmpi eq, %iota3A, %eq3A_320 : vector<16xi32>
      %jit3A_322 = arith.constant 0 : i32
      %broadcast_in_dim3A_323 = vector.broadcast %jit3A_322 : i32 to vector<16xi32>
      %select_n3A_324 = arith.select %eq3A_321, %get3A_50, %broadcast_in_dim3A_323 : vector<16xi1>, vector<16xi32>
      %reduce_sum3A_325 = arith.constant true
      %reduce_sum3A_326 = vector.broadcast %reduce_sum3A_325 : i1 to vector<16xi1>
      %reduce_sum3A_327 = tpu.scan <sum>, %select_n3A_324 masked %reduce_sum3A_326 : vector<16xi32>, vector<16xi1> -> vector<16xi32>
      %reduce_sum3A_328 = vector.extract %reduce_sum3A_327[15] : i32 from vector<16xi32>
      %mul3A_329 = arith.constant 16 : i32
      %mul3A_330 = arith.muli %scan3A_38, %mul3A_329 : i32
      %add3A_331 = arith.constant 6 : i32
      %add3A_332 = arith.addi %mul3A_330, %add3A_331 : i32
      %dma_start3A_333 = arith.constant 0 : i32
      %dma_start3A_334 = tpu.memref_slice %arg10[%add3A_332, %dma_start3A_333] : memref<256x64xf32, #tpu.memory_space<vmem>> -> memref<1x64xf32, #tpu.memory_space<vmem>>
      %dma_start3A_335 = arith.constant 0 : i32
      %dma_start3A_336 = tpu.memref_slice %arg4[%reduce_sum3A_318, %dma_start3A_335] : memref<1000000x64xf32, #tpu.memory_space<hbm>> -> memref<1x64xf32, #tpu.memory_space<hbm>>
      %dma_start3A_337 = arith.constant 0 : i32
      %dma_start3A_338 = tpu.memref_slice %arg10[%add3A_332, %dma_start3A_337] : memref<256x64xf32, #tpu.memory_space<vmem>> -> memref<1x64xf32, #tpu.memory_space<vmem>>
      %dma_start3A_339 = arith.constant 0 : i32
      %dma_start3A_340 = tpu.memref_slice %arg4[%reduce_sum3A_318, %dma_start3A_339] : memref<1000000x64xf32, #tpu.memory_space<hbm>> -> memref<1x64xf32, #tpu.memory_space<hbm>>
      tpu.enqueue_dma source(%dma_start3A_340 : memref<1x64xf32, #tpu.memory_space<hbm>>) target(%dma_start3A_338 : memref<1x64xf32, #tpu.memory_space<vmem>>) target_semaphore(%arg12 : memref<!tpu.dma_semaphore, #tpu.memory_space<semaphore_mem>>)
      %mul3A_341 = arith.constant 16 : i32
      %mul3A_342 = arith.muli %scan3A_38, %mul3A_341 : i32
      %add3A_343 = arith.constant 6 : i32
      %add3A_344 = arith.addi %mul3A_342, %add3A_343 : i32
      %dma_start3A_345 = arith.constant 0 : i32
      %dma_start3A_346 = tpu.memref_slice %arg11[%add3A_344, %dma_start3A_345] : memref<256x64xf32, #tpu.memory_space<vmem>> -> memref<1x64xf32, #tpu.memory_space<vmem>>
      %dma_start3A_347 = arith.constant 0 : i32
      %dma_start3A_348 = tpu.memref_slice %arg5[%reduce_sum3A_328, %dma_start3A_347] : memref<1000000x64xf32, #tpu.memory_space<hbm>> -> memref<1x64xf32, #tpu.memory_space<hbm>>
      %dma_start3A_349 = arith.constant 0 : i32
      %dma_start3A_350 = tpu.memref_slice %arg11[%add3A_344, %dma_start3A_349] : memref<256x64xf32, #tpu.memory_space<vmem>> -> memref<1x64xf32, #tpu.memory_space<vmem>>
      %dma_start3A_351 = arith.constant 0 : i32
      %dma_start3A_352 = tpu.memref_slice %arg5[%reduce_sum3A_328, %dma_start3A_351] : memref<1000000x64xf32, #tpu.memory_space<hbm>> -> memref<1x64xf32, #tpu.memory_space<hbm>>
      tpu.enqueue_dma source(%dma_start3A_352 : memref<1x64xf32, #tpu.memory_space<hbm>>) target(%dma_start3A_350 : memref<1x64xf32, #tpu.memory_space<vmem>>) target_semaphore(%arg13 : memref<!tpu.dma_semaphore, #tpu.memory_space<semaphore_mem>>)
      %eq3A_353 = arith.constant 7 : i32
      %eq3A_354 = vector.broadcast %eq3A_353 : i32 to vector<16xi32>
      %eq3A_355 = arith.cmpi eq, %iota3A, %eq3A_354 : vector<16xi32>
      %jit3A_356 = arith.constant 0 : i32
      %broadcast_in_dim3A_357 = vector.broadcast %jit3A_356 : i32 to vector<16xi32>
      %select_n3A_358 = arith.select %eq3A_355, %get3A_44, %broadcast_in_dim3A_357 : vector<16xi1>, vector<16xi32>
      %reduce_sum3A_359 = arith.constant true
      %reduce_sum3A_360 = vector.broadcast %reduce_sum3A_359 : i1 to vector<16xi1>
      %reduce_sum3A_361 = tpu.scan <sum>, %select_n3A_358 masked %reduce_sum3A_360 : vector<16xi32>, vector<16xi1> -> vector<16xi32>
      %reduce_sum3A_362 = vector.extract %reduce_sum3A_361[15] : i32 from vector<16xi32>
      %eq3A_363 = arith.constant 7 : i32
      %eq3A_364 = vector.broadcast %eq3A_363 : i32 to vector<16xi32>
      %eq3A_365 = arith.cmpi eq, %iota3A, %eq3A_364 : vector<16xi32>
      %jit3A_366 = arith.constant 0 : i32
      %broadcast_in_dim3A_367 = vector.broadcast %jit3A_366 : i32 to vector<16xi32>
      %select_n3A_368 = arith.select %eq3A_365, %get3A_50, %broadcast_in_dim3A_367 : vector<16xi1>, vector<16xi32>
      %reduce_sum3A_369 = arith.constant true
      %reduce_sum3A_370 = vector.broadcast %reduce_sum3A_369 : i1 to vector<16xi1>
      %reduce_sum3A_371 = tpu.scan <sum>, %select_n3A_368 masked %reduce_sum3A_370 : vector<16xi32>, vector<16xi1> -> vector<16xi32>
      %reduce_sum3A_372 = vector.extract %reduce_sum3A_371[15] : i32 from vector<16xi32>
      %mul3A_373 = arith.constant 16 : i32
      %mul3A_374 = arith.muli %scan3A_38, %mul3A_373 : i32
      %add3A_375 = arith.constant 7 : i32
      %add3A_376 = arith.addi %mul3A_374, %add3A_375 : i32
      %dma_start3A_377 = arith.constant 0 : i32
      %dma_start3A_378 = tpu.memref_slice %arg10[%add3A_376, %dma_start3A_377] : memref<256x64xf32, #tpu.memory_space<vmem>> -> memref<1x64xf32, #tpu.memory_space<vmem>>
      %dma_start3A_379 = arith.constant 0 : i32
      %dma_start3A_380 = tpu.memref_slice %arg4[%reduce_sum3A_362, %dma_start3A_379] : memref<1000000x64xf32, #tpu.memory_space<hbm>> -> memref<1x64xf32, #tpu.memory_space<hbm>>
      %dma_start3A_381 = arith.constant 0 : i32
      %dma_start3A_382 = tpu.memref_slice %arg10[%add3A_376, %dma_start3A_381] : memref<256x64xf32, #tpu.memory_space<vmem>> -> memref<1x64xf32, #tpu.memory_space<vmem>>
      %dma_start3A_383 = arith.constant 0 : i32
      %dma_start3A_384 = tpu.memref_slice %arg4[%reduce_sum3A_362, %dma_start3A_383] : memref<1000000x64xf32, #tpu.memory_space<hbm>> -> memref<1x64xf32, #tpu.memory_space<hbm>>
      tpu.enqueue_dma source(%dma_start3A_384 : memref<1x64xf32, #tpu.memory_space<hbm>>) target(%dma_start3A_382 : memref<1x64xf32, #tpu.memory_space<vmem>>) target_semaphore(%arg12 : memref<!tpu.dma_semaphore, #tpu.memory_space<semaphore_mem>>)
      %mul3A_385 = arith.constant 16 : i32
      %mul3A_386 = arith.muli %scan3A_38, %mul3A_385 : i32
      %add3A_387 = arith.constant 7 : i32
      %add3A_388 = arith.addi %mul3A_386, %add3A_387 : i32
      %dma_start3A_389 = arith.constant 0 : i32
      %dma_start3A_390 = tpu.memref_slice %arg11[%add3A_388, %dma_start3A_389] : memref<256x64xf32, #tpu.memory_space<vmem>> -> memref<1x64xf32, #tpu.memory_space<vmem>>
      %dma_start3A_391 = arith.constant 0 : i32
      %dma_start3A_392 = tpu.memref_slice %arg5[%reduce_sum3A_372, %dma_start3A_391] : memref<1000000x64xf32, #tpu.memory_space<hbm>> -> memref<1x64xf32, #tpu.memory_space<hbm>>
      %dma_start3A_393 = arith.constant 0 : i32
      %dma_start3A_394 = tpu.memref_slice %arg11[%add3A_388, %dma_start3A_393] : memref<256x64xf32, #tpu.memory_space<vmem>> -> memref<1x64xf32, #tpu.memory_space<vmem>>
      %dma_start3A_395 = arith.constant 0 : i32
      %dma_start3A_396 = tpu.memref_slice %arg5[%reduce_sum3A_372, %dma_start3A_395] : memref<1000000x64xf32, #tpu.memory_space<hbm>> -> memref<1x64xf32, #tpu.memory_space<hbm>>
      tpu.enqueue_dma source(%dma_start3A_396 : memref<1x64xf32, #tpu.memory_space<hbm>>) target(%dma_start3A_394 : memref<1x64xf32, #tpu.memory_space<vmem>>) target_semaphore(%arg13 : memref<!tpu.dma_semaphore, #tpu.memory_space<semaphore_mem>>)
      %eq3A_397 = arith.constant 8 : i32
      %eq3A_398 = vector.broadcast %eq3A_397 : i32 to vector<16xi32>
      %eq3A_399 = arith.cmpi eq, %iota3A, %eq3A_398 : vector<16xi32>
      %jit3A_400 = arith.constant 0 : i32
      %broadcast_in_dim3A_401 = vector.broadcast %jit3A_400 : i32 to vector<16xi32>
      %select_n3A_402 = arith.select %eq3A_399, %get3A_44, %broadcast_in_dim3A_401 : vector<16xi1>, vector<16xi32>
      %reduce_sum3A_403 = arith.constant true
      %reduce_sum3A_404 = vector.broadcast %reduce_sum3A_403 : i1 to vector<16xi1>
      %reduce_sum3A_405 = tpu.scan <sum>, %select_n3A_402 masked %reduce_sum3A_404 : vector<16xi32>, vector<16xi1> -> vector<16xi32>
      %reduce_sum3A_406 = vector.extract %reduce_sum3A_405[15] : i32 from vector<16xi32>
      %eq3A_407 = arith.constant 8 : i32
      %eq3A_408 = vector.broadcast %eq3A_407 : i32 to vector<16xi32>
      %eq3A_409 = arith.cmpi eq, %iota3A, %eq3A_408 : vector<16xi32>
      %jit3A_410 = arith.constant 0 : i32
      %broadcast_in_dim3A_411 = vector.broadcast %jit3A_410 : i32 to vector<16xi32>
      %select_n3A_412 = arith.select %eq3A_409, %get3A_50, %broadcast_in_dim3A_411 : vector<16xi1>, vector<16xi32>
      %reduce_sum3A_413 = arith.constant true
      %reduce_sum3A_414 = vector.broadcast %reduce_sum3A_413 : i1 to vector<16xi1>
      %reduce_sum3A_415 = tpu.scan <sum>, %select_n3A_412 masked %reduce_sum3A_414 : vector<16xi32>, vector<16xi1> -> vector<16xi32>
      %reduce_sum3A_416 = vector.extract %reduce_sum3A_415[15] : i32 from vector<16xi32>
      %mul3A_417 = arith.constant 16 : i32
      %mul3A_418 = arith.muli %scan3A_38, %mul3A_417 : i32
      %add3A_419 = arith.constant 8 : i32
      %add3A_420 = arith.addi %mul3A_418, %add3A_419 : i32
      %dma_start3A_421 = arith.constant 0 : i32
      %dma_start3A_422 = tpu.memref_slice %arg10[%add3A_420, %dma_start3A_421] : memref<256x64xf32, #tpu.memory_space<vmem>> -> memref<1x64xf32, #tpu.memory_space<vmem>>
      %dma_start3A_423 = arith.constant 0 : i32
      %dma_start3A_424 = tpu.memref_slice %arg4[%reduce_sum3A_406, %dma_start3A_423] : memref<1000000x64xf32, #tpu.memory_space<hbm>> -> memref<1x64xf32, #tpu.memory_space<hbm>>
      %dma_start3A_425 = arith.constant 0 : i32
      %dma_start3A_426 = tpu.memref_slice %arg10[%add3A_420, %dma_start3A_425] : memref<256x64xf32, #tpu.memory_space<vmem>> -> memref<1x64xf32, #tpu.memory_space<vmem>>
      %dma_start3A_427 = arith.constant 0 : i32
      %dma_start3A_428 = tpu.memref_slice %arg4[%reduce_sum3A_406, %dma_start3A_427] : memref<1000000x64xf32, #tpu.memory_space<hbm>> -> memref<1x64xf32, #tpu.memory_space<hbm>>
      tpu.enqueue_dma source(%dma_start3A_428 : memref<1x64xf32, #tpu.memory_space<hbm>>) target(%dma_start3A_426 : memref<1x64xf32, #tpu.memory_space<vmem>>) target_semaphore(%arg12 : memref<!tpu.dma_semaphore, #tpu.memory_space<semaphore_mem>>)
      %mul3A_429 = arith.constant 16 : i32
      %mul3A_430 = arith.muli %scan3A_38, %mul3A_429 : i32
      %add3A_431 = arith.constant 8 : i32
      %add3A_432 = arith.addi %mul3A_430, %add3A_431 : i32
      %dma_start3A_433 = arith.constant 0 : i32
      %dma_start3A_434 = tpu.memref_slice %arg11[%add3A_432, %dma_start3A_433] : memref<256x64xf32, #tpu.memory_space<vmem>> -> memref<1x64xf32, #tpu.memory_space<vmem>>
      %dma_start3A_435 = arith.constant 0 : i32
      %dma_start3A_436 = tpu.memref_slice %arg5[%reduce_sum3A_416, %dma_start3A_435] : memref<1000000x64xf32, #tpu.memory_space<hbm>> -> memref<1x64xf32, #tpu.memory_space<hbm>>
      %dma_start3A_437 = arith.constant 0 : i32
      %dma_start3A_438 = tpu.memref_slice %arg11[%add3A_432, %dma_start3A_437] : memref<256x64xf32, #tpu.memory_space<vmem>> -> memref<1x64xf32, #tpu.memory_space<vmem>>
      %dma_start3A_439 = arith.constant 0 : i32
      %dma_start3A_440 = tpu.memref_slice %arg5[%reduce_sum3A_416, %dma_start3A_439] : memref<1000000x64xf32, #tpu.memory_space<hbm>> -> memref<1x64xf32, #tpu.memory_space<hbm>>
      tpu.enqueue_dma source(%dma_start3A_440 : memref<1x64xf32, #tpu.memory_space<hbm>>) target(%dma_start3A_438 : memref<1x64xf32, #tpu.memory_space<vmem>>) target_semaphore(%arg13 : memref<!tpu.dma_semaphore, #tpu.memory_space<semaphore_mem>>)
      %eq3A_441 = arith.constant 9 : i32
      %eq3A_442 = vector.broadcast %eq3A_441 : i32 to vector<16xi32>
      %eq3A_443 = arith.cmpi eq, %iota3A, %eq3A_442 : vector<16xi32>
      %jit3A_444 = arith.constant 0 : i32
      %broadcast_in_dim3A_445 = vector.broadcast %jit3A_444 : i32 to vector<16xi32>
      %select_n3A_446 = arith.select %eq3A_443, %get3A_44, %broadcast_in_dim3A_445 : vector<16xi1>, vector<16xi32>
      %reduce_sum3A_447 = arith.constant true
      %reduce_sum3A_448 = vector.broadcast %reduce_sum3A_447 : i1 to vector<16xi1>
      %reduce_sum3A_449 = tpu.scan <sum>, %select_n3A_446 masked %reduce_sum3A_448 : vector<16xi32>, vector<16xi1> -> vector<16xi32>
      %reduce_sum3A_450 = vector.extract %reduce_sum3A_449[15] : i32 from vector<16xi32>
      %eq3A_451 = arith.constant 9 : i32
      %eq3A_452 = vector.broadcast %eq3A_451 : i32 to vector<16xi32>
      %eq3A_453 = arith.cmpi eq, %iota3A, %eq3A_452 : vector<16xi32>
      %jit3A_454 = arith.constant 0 : i32
      %broadcast_in_dim3A_455 = vector.broadcast %jit3A_454 : i32 to vector<16xi32>
      %select_n3A_456 = arith.select %eq3A_453, %get3A_50, %broadcast_in_dim3A_455 : vector<16xi1>, vector<16xi32>
      %reduce_sum3A_457 = arith.constant true
      %reduce_sum3A_458 = vector.broadcast %reduce_sum3A_457 : i1 to vector<16xi1>
      %reduce_sum3A_459 = tpu.scan <sum>, %select_n3A_456 masked %reduce_sum3A_458 : vector<16xi32>, vector<16xi1> -> vector<16xi32>
      %reduce_sum3A_460 = vector.extract %reduce_sum3A_459[15] : i32 from vector<16xi32>
      %mul3A_461 = arith.constant 16 : i32
      %mul3A_462 = arith.muli %scan3A_38, %mul3A_461 : i32
      %add3A_463 = arith.constant 9 : i32
      %add3A_464 = arith.addi %mul3A_462, %add3A_463 : i32
      %dma_start3A_465 = arith.constant 0 : i32
      %dma_start3A_466 = tpu.memref_slice %arg10[%add3A_464, %dma_start3A_465] : memref<256x64xf32, #tpu.memory_space<vmem>> -> memref<1x64xf32, #tpu.memory_space<vmem>>
      %dma_start3A_467 = arith.constant 0 : i32
      %dma_start3A_468 = tpu.memref_slice %arg4[%reduce_sum3A_450, %dma_start3A_467] : memref<1000000x64xf32, #tpu.memory_space<hbm>> -> memref<1x64xf32, #tpu.memory_space<hbm>>
      %dma_start3A_469 = arith.constant 0 : i32
      %dma_start3A_470 = tpu.memref_slice %arg10[%add3A_464, %dma_start3A_469] : memref<256x64xf32, #tpu.memory_space<vmem>> -> memref<1x64xf32, #tpu.memory_space<vmem>>
      %dma_start3A_471 = arith.constant 0 : i32
      %dma_start3A_472 = tpu.memref_slice %arg4[%reduce_sum3A_450, %dma_start3A_471] : memref<1000000x64xf32, #tpu.memory_space<hbm>> -> memref<1x64xf32, #tpu.memory_space<hbm>>
      tpu.enqueue_dma source(%dma_start3A_472 : memref<1x64xf32, #tpu.memory_space<hbm>>) target(%dma_start3A_470 : memref<1x64xf32, #tpu.memory_space<vmem>>) target_semaphore(%arg12 : memref<!tpu.dma_semaphore, #tpu.memory_space<semaphore_mem>>)
      %mul3A_473 = arith.constant 16 : i32
      %mul3A_474 = arith.muli %scan3A_38, %mul3A_473 : i32
      %add3A_475 = arith.constant 9 : i32
      %add3A_476 = arith.addi %mul3A_474, %add3A_475 : i32
      %dma_start3A_477 = arith.constant 0 : i32
      %dma_start3A_478 = tpu.memref_slice %arg11[%add3A_476, %dma_start3A_477] : memref<256x64xf32, #tpu.memory_space<vmem>> -> memref<1x64xf32, #tpu.memory_space<vmem>>
      %dma_start3A_479 = arith.constant 0 : i32
      %dma_start3A_480 = tpu.memref_slice %arg5[%reduce_sum3A_460, %dma_start3A_479] : memref<1000000x64xf32, #tpu.memory_space<hbm>> -> memref<1x64xf32, #tpu.memory_space<hbm>>
      %dma_start3A_481 = arith.constant 0 : i32
      %dma_start3A_482 = tpu.memref_slice %arg11[%add3A_476, %dma_start3A_481] : memref<256x64xf32, #tpu.memory_space<vmem>> -> memref<1x64xf32, #tpu.memory_space<vmem>>
      %dma_start3A_483 = arith.constant 0 : i32
      %dma_start3A_484 = tpu.memref_slice %arg5[%reduce_sum3A_460, %dma_start3A_483] : memref<1000000x64xf32, #tpu.memory_space<hbm>> -> memref<1x64xf32, #tpu.memory_space<hbm>>
      tpu.enqueue_dma source(%dma_start3A_484 : memref<1x64xf32, #tpu.memory_space<hbm>>) target(%dma_start3A_482 : memref<1x64xf32, #tpu.memory_space<vmem>>) target_semaphore(%arg13 : memref<!tpu.dma_semaphore, #tpu.memory_space<semaphore_mem>>)
      %eq3A_485 = arith.constant 10 : i32
      %eq3A_486 = vector.broadcast %eq3A_485 : i32 to vector<16xi32>
      %eq3A_487 = arith.cmpi eq, %iota3A, %eq3A_486 : vector<16xi32>
      %jit3A_488 = arith.constant 0 : i32
      %broadcast_in_dim3A_489 = vector.broadcast %jit3A_488 : i32 to vector<16xi32>
      %select_n3A_490 = arith.select %eq3A_487, %get3A_44, %broadcast_in_dim3A_489 : vector<16xi1>, vector<16xi32>
      %reduce_sum3A_491 = arith.constant true
      %reduce_sum3A_492 = vector.broadcast %reduce_sum3A_491 : i1 to vector<16xi1>
      %reduce_sum3A_493 = tpu.scan <sum>, %select_n3A_490 masked %reduce_sum3A_492 : vector<16xi32>, vector<16xi1> -> vector<16xi32>
      %reduce_sum3A_494 = vector.extract %reduce_sum3A_493[15] : i32 from vector<16xi32>
      %eq3A_495 = arith.constant 10 : i32
      %eq3A_496 = vector.broadcast %eq3A_495 : i32 to vector<16xi32>
      %eq3A_497 = arith.cmpi eq, %iota3A, %eq3A_496 : vector<16xi32>
      %jit3A_498 = arith.constant 0 : i32
      %broadcast_in_dim3A_499 = vector.broadcast %jit3A_498 : i32 to vector<16xi32>
      %select_n3A_500 = arith.select %eq3A_497, %get3A_50, %broadcast_in_dim3A_499 : vector<16xi1>, vector<16xi32>
      %reduce_sum3A_501 = arith.constant true
      %reduce_sum3A_502 = vector.broadcast %reduce_sum3A_501 : i1 to vector<16xi1>
      %reduce_sum3A_503 = tpu.scan <sum>, %select_n3A_500 masked %reduce_sum3A_502 : vector<16xi32>, vector<16xi1> -> vector<16xi32>
      %reduce_sum3A_504 = vector.extract %reduce_sum3A_503[15] : i32 from vector<16xi32>
      %mul3A_505 = arith.constant 16 : i32
      %mul3A_506 = arith.muli %scan3A_38, %mul3A_505 : i32
      %add3A_507 = arith.constant 10 : i32
      %add3A_508 = arith.addi %mul3A_506, %add3A_507 : i32
      %dma_start3A_509 = arith.constant 0 : i32
      %dma_start3A_510 = tpu.memref_slice %arg10[%add3A_508, %dma_start3A_509] : memref<256x64xf32, #tpu.memory_space<vmem>> -> memref<1x64xf32, #tpu.memory_space<vmem>>
      %dma_start3A_511 = arith.constant 0 : i32
      %dma_start3A_512 = tpu.memref_slice %arg4[%reduce_sum3A_494, %dma_start3A_511] : memref<1000000x64xf32, #tpu.memory_space<hbm>> -> memref<1x64xf32, #tpu.memory_space<hbm>>
      %dma_start3A_513 = arith.constant 0 : i32
      %dma_start3A_514 = tpu.memref_slice %arg10[%add3A_508, %dma_start3A_513] : memref<256x64xf32, #tpu.memory_space<vmem>> -> memref<1x64xf32, #tpu.memory_space<vmem>>
      %dma_start3A_515 = arith.constant 0 : i32
      %dma_start3A_516 = tpu.memref_slice %arg4[%reduce_sum3A_494, %dma_start3A_515] : memref<1000000x64xf32, #tpu.memory_space<hbm>> -> memref<1x64xf32, #tpu.memory_space<hbm>>
      tpu.enqueue_dma source(%dma_start3A_516 : memref<1x64xf32, #tpu.memory_space<hbm>>) target(%dma_start3A_514 : memref<1x64xf32, #tpu.memory_space<vmem>>) target_semaphore(%arg12 : memref<!tpu.dma_semaphore, #tpu.memory_space<semaphore_mem>>)
      %mul3A_517 = arith.constant 16 : i32
      %mul3A_518 = arith.muli %scan3A_38, %mul3A_517 : i32
      %add3A_519 = arith.constant 10 : i32
      %add3A_520 = arith.addi %mul3A_518, %add3A_519 : i32
      %dma_start3A_521 = arith.constant 0 : i32
      %dma_start3A_522 = tpu.memref_slice %arg11[%add3A_520, %dma_start3A_521] : memref<256x64xf32, #tpu.memory_space<vmem>> -> memref<1x64xf32, #tpu.memory_space<vmem>>
      %dma_start3A_523 = arith.constant 0 : i32
      %dma_start3A_524 = tpu.memref_slice %arg5[%reduce_sum3A_504, %dma_start3A_523] : memref<1000000x64xf32, #tpu.memory_space<hbm>> -> memref<1x64xf32, #tpu.memory_space<hbm>>
      %dma_start3A_525 = arith.constant 0 : i32
      %dma_start3A_526 = tpu.memref_slice %arg11[%add3A_520, %dma_start3A_525] : memref<256x64xf32, #tpu.memory_space<vmem>> -> memref<1x64xf32, #tpu.memory_space<vmem>>
      %dma_start3A_527 = arith.constant 0 : i32
      %dma_start3A_528 = tpu.memref_slice %arg5[%reduce_sum3A_504, %dma_start3A_527] : memref<1000000x64xf32, #tpu.memory_space<hbm>> -> memref<1x64xf32, #tpu.memory_space<hbm>>
      tpu.enqueue_dma source(%dma_start3A_528 : memref<1x64xf32, #tpu.memory_space<hbm>>) target(%dma_start3A_526 : memref<1x64xf32, #tpu.memory_space<vmem>>) target_semaphore(%arg13 : memref<!tpu.dma_semaphore, #tpu.memory_space<semaphore_mem>>)
      %eq3A_529 = arith.constant 11 : i32
      %eq3A_530 = vector.broadcast %eq3A_529 : i32 to vector<16xi32>
      %eq3A_531 = arith.cmpi eq, %iota3A, %eq3A_530 : vector<16xi32>
      %jit3A_532 = arith.constant 0 : i32
      %broadcast_in_dim3A_533 = vector.broadcast %jit3A_532 : i32 to vector<16xi32>
      %select_n3A_534 = arith.select %eq3A_531, %get3A_44, %broadcast_in_dim3A_533 : vector<16xi1>, vector<16xi32>
      %reduce_sum3A_535 = arith.constant true
      %reduce_sum3A_536 = vector.broadcast %reduce_sum3A_535 : i1 to vector<16xi1>
      %reduce_sum3A_537 = tpu.scan <sum>, %select_n3A_534 masked %reduce_sum3A_536 : vector<16xi32>, vector<16xi1> -> vector<16xi32>
      %reduce_sum3A_538 = vector.extract %reduce_sum3A_537[15] : i32 from vector<16xi32>
      %eq3A_539 = arith.constant 11 : i32
      %eq3A_540 = vector.broadcast %eq3A_539 : i32 to vector<16xi32>
      %eq3A_541 = arith.cmpi eq, %iota3A, %eq3A_540 : vector<16xi32>
      %jit3A_542 = arith.constant 0 : i32
      %broadcast_in_dim3A_543 = vector.broadcast %jit3A_542 : i32 to vector<16xi32>
      %select_n3A_544 = arith.select %eq3A_541, %get3A_50, %broadcast_in_dim3A_543 : vector<16xi1>, vector<16xi32>
      %reduce_sum3A_545 = arith.constant true
      %reduce_sum3A_546 = vector.broadcast %reduce_sum3A_545 : i1 to vector<16xi1>
      %reduce_sum3A_547 = tpu.scan <sum>, %select_n3A_544 masked %reduce_sum3A_546 : vector<16xi32>, vector<16xi1> -> vector<16xi32>
      %reduce_sum3A_548 = vector.extract %reduce_sum3A_547[15] : i32 from vector<16xi32>
      %mul3A_549 = arith.constant 16 : i32
      %mul3A_550 = arith.muli %scan3A_38, %mul3A_549 : i32
      %add3A_551 = arith.constant 11 : i32
      %add3A_552 = arith.addi %mul3A_550, %add3A_551 : i32
      %dma_start3A_553 = arith.constant 0 : i32
      %dma_start3A_554 = tpu.memref_slice %arg10[%add3A_552, %dma_start3A_553] : memref<256x64xf32, #tpu.memory_space<vmem>> -> memref<1x64xf32, #tpu.memory_space<vmem>>
      %dma_start3A_555 = arith.constant 0 : i32
      %dma_start3A_556 = tpu.memref_slice %arg4[%reduce_sum3A_538, %dma_start3A_555] : memref<1000000x64xf32, #tpu.memory_space<hbm>> -> memref<1x64xf32, #tpu.memory_space<hbm>>
      %dma_start3A_557 = arith.constant 0 : i32
      %dma_start3A_558 = tpu.memref_slice %arg10[%add3A_552, %dma_start3A_557] : memref<256x64xf32, #tpu.memory_space<vmem>> -> memref<1x64xf32, #tpu.memory_space<vmem>>
      %dma_start3A_559 = arith.constant 0 : i32
      %dma_start3A_560 = tpu.memref_slice %arg4[%reduce_sum3A_538, %dma_start3A_559] : memref<1000000x64xf32, #tpu.memory_space<hbm>> -> memref<1x64xf32, #tpu.memory_space<hbm>>
      tpu.enqueue_dma source(%dma_start3A_560 : memref<1x64xf32, #tpu.memory_space<hbm>>) target(%dma_start3A_558 : memref<1x64xf32, #tpu.memory_space<vmem>>) target_semaphore(%arg12 : memref<!tpu.dma_semaphore, #tpu.memory_space<semaphore_mem>>)
      %mul3A_561 = arith.constant 16 : i32
      %mul3A_562 = arith.muli %scan3A_38, %mul3A_561 : i32
      %add3A_563 = arith.constant 11 : i32
      %add3A_564 = arith.addi %mul3A_562, %add3A_563 : i32
      %dma_start3A_565 = arith.constant 0 : i32
      %dma_start3A_566 = tpu.memref_slice %arg11[%add3A_564, %dma_start3A_565] : memref<256x64xf32, #tpu.memory_space<vmem>> -> memref<1x64xf32, #tpu.memory_space<vmem>>
      %dma_start3A_567 = arith.constant 0 : i32
      %dma_start3A_568 = tpu.memref_slice %arg5[%reduce_sum3A_548, %dma_start3A_567] : memref<1000000x64xf32, #tpu.memory_space<hbm>> -> memref<1x64xf32, #tpu.memory_space<hbm>>
      %dma_start3A_569 = arith.constant 0 : i32
      %dma_start3A_570 = tpu.memref_slice %arg11[%add3A_564, %dma_start3A_569] : memref<256x64xf32, #tpu.memory_space<vmem>> -> memref<1x64xf32, #tpu.memory_space<vmem>>
      %dma_start3A_571 = arith.constant 0 : i32
      %dma_start3A_572 = tpu.memref_slice %arg5[%reduce_sum3A_548, %dma_start3A_571] : memref<1000000x64xf32, #tpu.memory_space<hbm>> -> memref<1x64xf32, #tpu.memory_space<hbm>>
      tpu.enqueue_dma source(%dma_start3A_572 : memref<1x64xf32, #tpu.memory_space<hbm>>) target(%dma_start3A_570 : memref<1x64xf32, #tpu.memory_space<vmem>>) target_semaphore(%arg13 : memref<!tpu.dma_semaphore, #tpu.memory_space<semaphore_mem>>)
      %eq3A_573 = arith.constant 12 : i32
      %eq3A_574 = vector.broadcast %eq3A_573 : i32 to vector<16xi32>
      %eq3A_575 = arith.cmpi eq, %iota3A, %eq3A_574 : vector<16xi32>
      %jit3A_576 = arith.constant 0 : i32
      %broadcast_in_dim3A_577 = vector.broadcast %jit3A_576 : i32 to vector<16xi32>
      %select_n3A_578 = arith.select %eq3A_575, %get3A_44, %broadcast_in_dim3A_577 : vector<16xi1>, vector<16xi32>
      %reduce_sum3A_579 = arith.constant true
      %reduce_sum3A_580 = vector.broadcast %reduce_sum3A_579 : i1 to vector<16xi1>
      %reduce_sum3A_581 = tpu.scan <sum>, %select_n3A_578 masked %reduce_sum3A_580 : vector<16xi32>, vector<16xi1> -> vector<16xi32>
      %reduce_sum3A_582 = vector.extract %reduce_sum3A_581[15] : i32 from vector<16xi32>
      %eq3A_583 = arith.constant 12 : i32
      %eq3A_584 = vector.broadcast %eq3A_583 : i32 to vector<16xi32>
      %eq3A_585 = arith.cmpi eq, %iota3A, %eq3A_584 : vector<16xi32>
      %jit3A_586 = arith.constant 0 : i32
      %broadcast_in_dim3A_587 = vector.broadcast %jit3A_586 : i32 to vector<16xi32>
      %select_n3A_588 = arith.select %eq3A_585, %get3A_50, %broadcast_in_dim3A_587 : vector<16xi1>, vector<16xi32>
      %reduce_sum3A_589 = arith.constant true
      %reduce_sum3A_590 = vector.broadcast %reduce_sum3A_589 : i1 to vector<16xi1>
      %reduce_sum3A_591 = tpu.scan <sum>, %select_n3A_588 masked %reduce_sum3A_590 : vector<16xi32>, vector<16xi1> -> vector<16xi32>
      %reduce_sum3A_592 = vector.extract %reduce_sum3A_591[15] : i32 from vector<16xi32>
      %mul3A_593 = arith.constant 16 : i32
      %mul3A_594 = arith.muli %scan3A_38, %mul3A_593 : i32
      %add3A_595 = arith.constant 12 : i32
      %add3A_596 = arith.addi %mul3A_594, %add3A_595 : i32
      %dma_start3A_597 = arith.constant 0 : i32
      %dma_start3A_598 = tpu.memref_slice %arg10[%add3A_596, %dma_start3A_597] : memref<256x64xf32, #tpu.memory_space<vmem>> -> memref<1x64xf32, #tpu.memory_space<vmem>>
      %dma_start3A_599 = arith.constant 0 : i32
      %dma_start3A_600 = tpu.memref_slice %arg4[%reduce_sum3A_582, %dma_start3A_599] : memref<1000000x64xf32, #tpu.memory_space<hbm>> -> memref<1x64xf32, #tpu.memory_space<hbm>>
      %dma_start3A_601 = arith.constant 0 : i32
      %dma_start3A_602 = tpu.memref_slice %arg10[%add3A_596, %dma_start3A_601] : memref<256x64xf32, #tpu.memory_space<vmem>> -> memref<1x64xf32, #tpu.memory_space<vmem>>
      %dma_start3A_603 = arith.constant 0 : i32
      %dma_start3A_604 = tpu.memref_slice %arg4[%reduce_sum3A_582, %dma_start3A_603] : memref<1000000x64xf32, #tpu.memory_space<hbm>> -> memref<1x64xf32, #tpu.memory_space<hbm>>
      tpu.enqueue_dma source(%dma_start3A_604 : memref<1x64xf32, #tpu.memory_space<hbm>>) target(%dma_start3A_602 : memref<1x64xf32, #tpu.memory_space<vmem>>) target_semaphore(%arg12 : memref<!tpu.dma_semaphore, #tpu.memory_space<semaphore_mem>>)
      %mul3A_605 = arith.constant 16 : i32
      %mul3A_606 = arith.muli %scan3A_38, %mul3A_605 : i32
      %add3A_607 = arith.constant 12 : i32
      %add3A_608 = arith.addi %mul3A_606, %add3A_607 : i32
      %dma_start3A_609 = arith.constant 0 : i32
      %dma_start3A_610 = tpu.memref_slice %arg11[%add3A_608, %dma_start3A_609] : memref<256x64xf32, #tpu.memory_space<vmem>> -> memref<1x64xf32, #tpu.memory_space<vmem>>
      %dma_start3A_611 = arith.constant 0 : i32
      %dma_start3A_612 = tpu.memref_slice %arg5[%reduce_sum3A_592, %dma_start3A_611] : memref<1000000x64xf32, #tpu.memory_space<hbm>> -> memref<1x64xf32, #tpu.memory_space<hbm>>
      %dma_start3A_613 = arith.constant 0 : i32
      %dma_start3A_614 = tpu.memref_slice %arg11[%add3A_608, %dma_start3A_613] : memref<256x64xf32, #tpu.memory_space<vmem>> -> memref<1x64xf32, #tpu.memory_space<vmem>>
      %dma_start3A_615 = arith.constant 0 : i32
      %dma_start3A_616 = tpu.memref_slice %arg5[%reduce_sum3A_592, %dma_start3A_615] : memref<1000000x64xf32, #tpu.memory_space<hbm>> -> memref<1x64xf32, #tpu.memory_space<hbm>>
      tpu.enqueue_dma source(%dma_start3A_616 : memref<1x64xf32, #tpu.memory_space<hbm>>) target(%dma_start3A_614 : memref<1x64xf32, #tpu.memory_space<vmem>>) target_semaphore(%arg13 : memref<!tpu.dma_semaphore, #tpu.memory_space<semaphore_mem>>)
      %eq3A_617 = arith.constant 13 : i32
      %eq3A_618 = vector.broadcast %eq3A_617 : i32 to vector<16xi32>
      %eq3A_619 = arith.cmpi eq, %iota3A, %eq3A_618 : vector<16xi32>
      %jit3A_620 = arith.constant 0 : i32
      %broadcast_in_dim3A_621 = vector.broadcast %jit3A_620 : i32 to vector<16xi32>
      %select_n3A_622 = arith.select %eq3A_619, %get3A_44, %broadcast_in_dim3A_621 : vector<16xi1>, vector<16xi32>
      %reduce_sum3A_623 = arith.constant true
      %reduce_sum3A_624 = vector.broadcast %reduce_sum3A_623 : i1 to vector<16xi1>
      %reduce_sum3A_625 = tpu.scan <sum>, %select_n3A_622 masked %reduce_sum3A_624 : vector<16xi32>, vector<16xi1> -> vector<16xi32>
      %reduce_sum3A_626 = vector.extract %reduce_sum3A_625[15] : i32 from vector<16xi32>
      %eq3A_627 = arith.constant 13 : i32
      %eq3A_628 = vector.broadcast %eq3A_627 : i32 to vector<16xi32>
      %eq3A_629 = arith.cmpi eq, %iota3A, %eq3A_628 : vector<16xi32>
      %jit3A_630 = arith.constant 0 : i32
      %broadcast_in_dim3A_631 = vector.broadcast %jit3A_630 : i32 to vector<16xi32>
      %select_n3A_632 = arith.select %eq3A_629, %get3A_50, %broadcast_in_dim3A_631 : vector<16xi1>, vector<16xi32>
      %reduce_sum3A_633 = arith.constant true
      %reduce_sum3A_634 = vector.broadcast %reduce_sum3A_633 : i1 to vector<16xi1>
      %reduce_sum3A_635 = tpu.scan <sum>, %select_n3A_632 masked %reduce_sum3A_634 : vector<16xi32>, vector<16xi1> -> vector<16xi32>
      %reduce_sum3A_636 = vector.extract %reduce_sum3A_635[15] : i32 from vector<16xi32>
      %mul3A_637 = arith.constant 16 : i32
      %mul3A_638 = arith.muli %scan3A_38, %mul3A_637 : i32
      %add3A_639 = arith.constant 13 : i32
      %add3A_640 = arith.addi %mul3A_638, %add3A_639 : i32
      %dma_start3A_641 = arith.constant 0 : i32
      %dma_start3A_642 = tpu.memref_slice %arg10[%add3A_640, %dma_start3A_641] : memref<256x64xf32, #tpu.memory_space<vmem>> -> memref<1x64xf32, #tpu.memory_space<vmem>>
      %dma_start3A_643 = arith.constant 0 : i32
      %dma_start3A_644 = tpu.memref_slice %arg4[%reduce_sum3A_626, %dma_start3A_643] : memref<1000000x64xf32, #tpu.memory_space<hbm>> -> memref<1x64xf32, #tpu.memory_space<hbm>>
      %dma_start3A_645 = arith.constant 0 : i32
      %dma_start3A_646 = tpu.memref_slice %arg10[%add3A_640, %dma_start3A_645] : memref<256x64xf32, #tpu.memory_space<vmem>> -> memref<1x64xf32, #tpu.memory_space<vmem>>
      %dma_start3A_647 = arith.constant 0 : i32
      %dma_start3A_648 = tpu.memref_slice %arg4[%reduce_sum3A_626, %dma_start3A_647] : memref<1000000x64xf32, #tpu.memory_space<hbm>> -> memref<1x64xf32, #tpu.memory_space<hbm>>
      tpu.enqueue_dma source(%dma_start3A_648 : memref<1x64xf32, #tpu.memory_space<hbm>>) target(%dma_start3A_646 : memref<1x64xf32, #tpu.memory_space<vmem>>) target_semaphore(%arg12 : memref<!tpu.dma_semaphore, #tpu.memory_space<semaphore_mem>>)
      %mul3A_649 = arith.constant 16 : i32
      %mul3A_650 = arith.muli %scan3A_38, %mul3A_649 : i32
      %add3A_651 = arith.constant 13 : i32
      %add3A_652 = arith.addi %mul3A_650, %add3A_651 : i32
      %dma_start3A_653 = arith.constant 0 : i32
      %dma_start3A_654 = tpu.memref_slice %arg11[%add3A_652, %dma_start3A_653] : memref<256x64xf32, #tpu.memory_space<vmem>> -> memref<1x64xf32, #tpu.memory_space<vmem>>
      %dma_start3A_655 = arith.constant 0 : i32
      %dma_start3A_656 = tpu.memref_slice %arg5[%reduce_sum3A_636, %dma_start3A_655] : memref<1000000x64xf32, #tpu.memory_space<hbm>> -> memref<1x64xf32, #tpu.memory_space<hbm>>
      %dma_start3A_657 = arith.constant 0 : i32
      %dma_start3A_658 = tpu.memref_slice %arg11[%add3A_652, %dma_start3A_657] : memref<256x64xf32, #tpu.memory_space<vmem>> -> memref<1x64xf32, #tpu.memory_space<vmem>>
      %dma_start3A_659 = arith.constant 0 : i32
      %dma_start3A_660 = tpu.memref_slice %arg5[%reduce_sum3A_636, %dma_start3A_659] : memref<1000000x64xf32, #tpu.memory_space<hbm>> -> memref<1x64xf32, #tpu.memory_space<hbm>>
      tpu.enqueue_dma source(%dma_start3A_660 : memref<1x64xf32, #tpu.memory_space<hbm>>) target(%dma_start3A_658 : memref<1x64xf32, #tpu.memory_space<vmem>>) target_semaphore(%arg13 : memref<!tpu.dma_semaphore, #tpu.memory_space<semaphore_mem>>)
      %eq3A_661 = arith.constant 14 : i32
      %eq3A_662 = vector.broadcast %eq3A_661 : i32 to vector<16xi32>
      %eq3A_663 = arith.cmpi eq, %iota3A, %eq3A_662 : vector<16xi32>
      %jit3A_664 = arith.constant 0 : i32
      %broadcast_in_dim3A_665 = vector.broadcast %jit3A_664 : i32 to vector<16xi32>
      %select_n3A_666 = arith.select %eq3A_663, %get3A_44, %broadcast_in_dim3A_665 : vector<16xi1>, vector<16xi32>
      %reduce_sum3A_667 = arith.constant true
      %reduce_sum3A_668 = vector.broadcast %reduce_sum3A_667 : i1 to vector<16xi1>
      %reduce_sum3A_669 = tpu.scan <sum>, %select_n3A_666 masked %reduce_sum3A_668 : vector<16xi32>, vector<16xi1> -> vector<16xi32>
      %reduce_sum3A_670 = vector.extract %reduce_sum3A_669[15] : i32 from vector<16xi32>
      %eq3A_671 = arith.constant 14 : i32
      %eq3A_672 = vector.broadcast %eq3A_671 : i32 to vector<16xi32>
      %eq3A_673 = arith.cmpi eq, %iota3A, %eq3A_672 : vector<16xi32>
      %jit3A_674 = arith.constant 0 : i32
      %broadcast_in_dim3A_675 = vector.broadcast %jit3A_674 : i32 to vector<16xi32>
      %select_n3A_676 = arith.select %eq3A_673, %get3A_50, %broadcast_in_dim3A_675 : vector<16xi1>, vector<16xi32>
      %reduce_sum3A_677 = arith.constant true
      %reduce_sum3A_678 = vector.broadcast %reduce_sum3A_677 : i1 to vector<16xi1>
      %reduce_sum3A_679 = tpu.scan <sum>, %select_n3A_676 masked %reduce_sum3A_678 : vector<16xi32>, vector<16xi1> -> vector<16xi32>
      %reduce_sum3A_680 = vector.extract %reduce_sum3A_679[15] : i32 from vector<16xi32>
      %mul3A_681 = arith.constant 16 : i32
      %mul3A_682 = arith.muli %scan3A_38, %mul3A_681 : i32
      %add3A_683 = arith.constant 14 : i32
      %add3A_684 = arith.addi %mul3A_682, %add3A_683 : i32
      %dma_start3A_685 = arith.constant 0 : i32
      %dma_start3A_686 = tpu.memref_slice %arg10[%add3A_684, %dma_start3A_685] : memref<256x64xf32, #tpu.memory_space<vmem>> -> memref<1x64xf32, #tpu.memory_space<vmem>>
      %dma_start3A_687 = arith.constant 0 : i32
      %dma_start3A_688 = tpu.memref_slice %arg4[%reduce_sum3A_670, %dma_start3A_687] : memref<1000000x64xf32, #tpu.memory_space<hbm>> -> memref<1x64xf32, #tpu.memory_space<hbm>>
      %dma_start3A_689 = arith.constant 0 : i32
      %dma_start3A_690 = tpu.memref_slice %arg10[%add3A_684, %dma_start3A_689] : memref<256x64xf32, #tpu.memory_space<vmem>> -> memref<1x64xf32, #tpu.memory_space<vmem>>
      %dma_start3A_691 = arith.constant 0 : i32
      %dma_start3A_692 = tpu.memref_slice %arg4[%reduce_sum3A_670, %dma_start3A_691] : memref<1000000x64xf32, #tpu.memory_space<hbm>> -> memref<1x64xf32, #tpu.memory_space<hbm>>
      tpu.enqueue_dma source(%dma_start3A_692 : memref<1x64xf32, #tpu.memory_space<hbm>>) target(%dma_start3A_690 : memref<1x64xf32, #tpu.memory_space<vmem>>) target_semaphore(%arg12 : memref<!tpu.dma_semaphore, #tpu.memory_space<semaphore_mem>>)
      %mul3A_693 = arith.constant 16 : i32
      %mul3A_694 = arith.muli %scan3A_38, %mul3A_693 : i32
      %add3A_695 = arith.constant 14 : i32
      %add3A_696 = arith.addi %mul3A_694, %add3A_695 : i32
      %dma_start3A_697 = arith.constant 0 : i32
      %dma_start3A_698 = tpu.memref_slice %arg11[%add3A_696, %dma_start3A_697] : memref<256x64xf32, #tpu.memory_space<vmem>> -> memref<1x64xf32, #tpu.memory_space<vmem>>
      %dma_start3A_699 = arith.constant 0 : i32
      %dma_start3A_700 = tpu.memref_slice %arg5[%reduce_sum3A_680, %dma_start3A_699] : memref<1000000x64xf32, #tpu.memory_space<hbm>> -> memref<1x64xf32, #tpu.memory_space<hbm>>
      %dma_start3A_701 = arith.constant 0 : i32
      %dma_start3A_702 = tpu.memref_slice %arg11[%add3A_696, %dma_start3A_701] : memref<256x64xf32, #tpu.memory_space<vmem>> -> memref<1x64xf32, #tpu.memory_space<vmem>>
      %dma_start3A_703 = arith.constant 0 : i32
      %dma_start3A_704 = tpu.memref_slice %arg5[%reduce_sum3A_680, %dma_start3A_703] : memref<1000000x64xf32, #tpu.memory_space<hbm>> -> memref<1x64xf32, #tpu.memory_space<hbm>>
      tpu.enqueue_dma source(%dma_start3A_704 : memref<1x64xf32, #tpu.memory_space<hbm>>) target(%dma_start3A_702 : memref<1x64xf32, #tpu.memory_space<vmem>>) target_semaphore(%arg13 : memref<!tpu.dma_semaphore, #tpu.memory_space<semaphore_mem>>)
      %eq3A_705 = arith.constant 15 : i32
      %eq3A_706 = vector.broadcast %eq3A_705 : i32 to vector<16xi32>
      %eq3A_707 = arith.cmpi eq, %iota3A, %eq3A_706 : vector<16xi32>
      %jit3A_708 = arith.constant 0 : i32
      %broadcast_in_dim3A_709 = vector.broadcast %jit3A_708 : i32 to vector<16xi32>
      %select_n3A_710 = arith.select %eq3A_707, %get3A_44, %broadcast_in_dim3A_709 : vector<16xi1>, vector<16xi32>
      %reduce_sum3A_711 = arith.constant true
      %reduce_sum3A_712 = vector.broadcast %reduce_sum3A_711 : i1 to vector<16xi1>
      %reduce_sum3A_713 = tpu.scan <sum>, %select_n3A_710 masked %reduce_sum3A_712 : vector<16xi32>, vector<16xi1> -> vector<16xi32>
      %reduce_sum3A_714 = vector.extract %reduce_sum3A_713[15] : i32 from vector<16xi32>
      %eq3A_715 = arith.constant 15 : i32
      %eq3A_716 = vector.broadcast %eq3A_715 : i32 to vector<16xi32>
      %eq3A_717 = arith.cmpi eq, %iota3A, %eq3A_716 : vector<16xi32>
      %jit3A_718 = arith.constant 0 : i32
      %broadcast_in_dim3A_719 = vector.broadcast %jit3A_718 : i32 to vector<16xi32>
      %select_n3A_720 = arith.select %eq3A_717, %get3A_50, %broadcast_in_dim3A_719 : vector<16xi1>, vector<16xi32>
      %reduce_sum3A_721 = arith.constant true
      %reduce_sum3A_722 = vector.broadcast %reduce_sum3A_721 : i1 to vector<16xi1>
      %reduce_sum3A_723 = tpu.scan <sum>, %select_n3A_720 masked %reduce_sum3A_722 : vector<16xi32>, vector<16xi1> -> vector<16xi32>
      %reduce_sum3A_724 = vector.extract %reduce_sum3A_723[15] : i32 from vector<16xi32>
      %mul3A_725 = arith.constant 16 : i32
      %mul3A_726 = arith.muli %scan3A_38, %mul3A_725 : i32
      %add3A_727 = arith.constant 15 : i32
      %add3A_728 = arith.addi %mul3A_726, %add3A_727 : i32
      %dma_start3A_729 = arith.constant 0 : i32
      %dma_start3A_730 = tpu.memref_slice %arg10[%add3A_728, %dma_start3A_729] : memref<256x64xf32, #tpu.memory_space<vmem>> -> memref<1x64xf32, #tpu.memory_space<vmem>>
      %dma_start3A_731 = arith.constant 0 : i32
      %dma_start3A_732 = tpu.memref_slice %arg4[%reduce_sum3A_714, %dma_start3A_731] : memref<1000000x64xf32, #tpu.memory_space<hbm>> -> memref<1x64xf32, #tpu.memory_space<hbm>>
      %dma_start3A_733 = arith.constant 0 : i32
      %dma_start3A_734 = tpu.memref_slice %arg10[%add3A_728, %dma_start3A_733] : memref<256x64xf32, #tpu.memory_space<vmem>> -> memref<1x64xf32, #tpu.memory_space<vmem>>
      %dma_start3A_735 = arith.constant 0 : i32
      %dma_start3A_736 = tpu.memref_slice %arg4[%reduce_sum3A_714, %dma_start3A_735] : memref<1000000x64xf32, #tpu.memory_space<hbm>> -> memref<1x64xf32, #tpu.memory_space<hbm>>
      tpu.enqueue_dma source(%dma_start3A_736 : memref<1x64xf32, #tpu.memory_space<hbm>>) target(%dma_start3A_734 : memref<1x64xf32, #tpu.memory_space<vmem>>) target_semaphore(%arg12 : memref<!tpu.dma_semaphore, #tpu.memory_space<semaphore_mem>>)
      %mul3A_737 = arith.constant 16 : i32
      %mul3A_738 = arith.muli %scan3A_38, %mul3A_737 : i32
      %add3A_739 = arith.constant 15 : i32
      %add3A_740 = arith.addi %mul3A_738, %add3A_739 : i32
      %dma_start3A_741 = arith.constant 0 : i32
      %dma_start3A_742 = tpu.memref_slice %arg11[%add3A_740, %dma_start3A_741] : memref<256x64xf32, #tpu.memory_space<vmem>> -> memref<1x64xf32, #tpu.memory_space<vmem>>
      %dma_start3A_743 = arith.constant 0 : i32
      %dma_start3A_744 = tpu.memref_slice %arg5[%reduce_sum3A_724, %dma_start3A_743] : memref<1000000x64xf32, #tpu.memory_space<hbm>> -> memref<1x64xf32, #tpu.memory_space<hbm>>
      %dma_start3A_745 = arith.constant 0 : i32
      %dma_start3A_746 = tpu.memref_slice %arg11[%add3A_740, %dma_start3A_745] : memref<256x64xf32, #tpu.memory_space<vmem>> -> memref<1x64xf32, #tpu.memory_space<vmem>>
      %dma_start3A_747 = arith.constant 0 : i32
      %dma_start3A_748 = tpu.memref_slice %arg5[%reduce_sum3A_724, %dma_start3A_747] : memref<1000000x64xf32, #tpu.memory_space<hbm>> -> memref<1x64xf32, #tpu.memory_space<hbm>>
      tpu.enqueue_dma source(%dma_start3A_748 : memref<1x64xf32, #tpu.memory_space<hbm>>) target(%dma_start3A_746 : memref<1x64xf32, #tpu.memory_space<vmem>>) target_semaphore(%arg13 : memref<!tpu.dma_semaphore, #tpu.memory_space<semaphore_mem>>)
      %scan3A_749 = arith.constant 0 : i32
      scf.yield %scan3A_749 : i32
    }
    %scan3A_8 = arith.constant 16 : i32
    %scan3A_9 = arith.constant 0 : i32
    %scan3A_10 = arith.constant 0 : i32
    %scan3A_11 = arith.constant 256 : i32
    %scan3A_12 = arith.addi %scan3A_10, %scan3A_11 : i32
    %scan3A_13 = arith.constant 1 : i32
    %scan3A_14 = scf.for %scan3A_38 = %scan3A_10 to %scan3A_12 step %scan3A_13 iter_args(%scan3A_39 = %scan3A_9) -> (i32)  : i32 {
      %dma_wait3A = arith.constant 0 : i32
      %dma_wait3A_40 = tpu.memref_slice %arg10[%scan3A_38, %dma_wait3A] : memref<256x64xf32, #tpu.memory_space<vmem>> -> memref<1x64xf32, #tpu.memory_space<vmem>>
      %dma_wait3A_41 = arith.constant 0 : i32
      %dma_wait3A_42 = arith.constant 0 : i32
      %dma_wait3A_43 = tpu.memref_slice %arg4[%dma_wait3A_41, %dma_wait3A_42] : memref<1000000x64xf32, #tpu.memory_space<hbm>> -> memref<1x64xf32, #tpu.memory_space<hbm>>
      %dma_wait3A_44 = arith.constant 0 : i32
      %dma_wait3A_45 = tpu.memref_slice %arg10[%scan3A_38, %dma_wait3A_44] : memref<256x64xf32, #tpu.memory_space<vmem>> -> memref<1x64xf32, #tpu.memory_space<vmem>>
      %dma_wait3A_46 = arith.constant 0 : i32
      %dma_wait3A_47 = arith.constant 0 : i32
      %dma_wait3A_48 = tpu.memref_slice %arg4[%dma_wait3A_46, %dma_wait3A_47] : memref<1000000x64xf32, #tpu.memory_space<hbm>> -> memref<1x64xf32, #tpu.memory_space<hbm>>
      tpu.wait_dma2 semaphore(%arg12 : memref<!tpu.dma_semaphore, #tpu.memory_space<semaphore_mem>>) src(%dma_wait3A_48 : memref<1x64xf32, #tpu.memory_space<hbm>>) dst(%dma_wait3A_45 : memref<1x64xf32, #tpu.memory_space<vmem>>)
      %dma_wait3A_49 = arith.constant 0 : i32
      %dma_wait3A_50 = tpu.memref_slice %arg11[%scan3A_38, %dma_wait3A_49] : memref<256x64xf32, #tpu.memory_space<vmem>> -> memref<1x64xf32, #tpu.memory_space<vmem>>
      %dma_wait3A_51 = arith.constant 0 : i32
      %dma_wait3A_52 = arith.constant 0 : i32
      %dma_wait3A_53 = tpu.memref_slice %arg5[%dma_wait3A_51, %dma_wait3A_52] : memref<1000000x64xf32, #tpu.memory_space<hbm>> -> memref<1x64xf32, #tpu.memory_space<hbm>>
      %dma_wait3A_54 = arith.constant 0 : i32
      %dma_wait3A_55 = tpu.memref_slice %arg11[%scan3A_38, %dma_wait3A_54] : memref<256x64xf32, #tpu.memory_space<vmem>> -> memref<1x64xf32, #tpu.memory_space<vmem>>
      %dma_wait3A_56 = arith.constant 0 : i32
      %dma_wait3A_57 = arith.constant 0 : i32
      %dma_wait3A_58 = tpu.memref_slice %arg5[%dma_wait3A_56, %dma_wait3A_57] : memref<1000000x64xf32, #tpu.memory_space<hbm>> -> memref<1x64xf32, #tpu.memory_space<hbm>>
      tpu.wait_dma2 semaphore(%arg13 : memref<!tpu.dma_semaphore, #tpu.memory_space<semaphore_mem>>) src(%dma_wait3A_58 : memref<1x64xf32, #tpu.memory_space<hbm>>) dst(%dma_wait3A_55 : memref<1x64xf32, #tpu.memory_space<vmem>>)
      %scan3A_59 = arith.constant 0 : i32
      scf.yield %scan3A_59 : i32
    }
    %scan3A_15 = arith.constant 256 : i32
    %add3A_16 = arith.constant 0 : i32
    %add3A_17 = arith.addi %mul3A_2, %add3A_16 : i32
    "tpu.region"() ({
      %run_scoped3A = tpu.sem_alloc : memref<!tpu.dma_semaphore, #tpu.memory_space<semaphore_mem>>
      %dma_start3A = arith.constant 0 : i32
      %dma_start3A_38 = tpu.memref_slice %arg6[%add3A_17, %dma_start3A] : memref<16384x64xf32, #tpu.memory_space<hbm>> -> memref<256x64xf32, #tpu.memory_space<hbm>>
      %dma_start3A_39 = arith.constant 0 : i32
      %dma_start3A_40 = tpu.memref_slice %arg6[%add3A_17, %dma_start3A_39] : memref<16384x64xf32, #tpu.memory_space<hbm>> -> memref<256x64xf32, #tpu.memory_space<hbm>>
      tpu.enqueue_dma source(%arg10 : memref<256x64xf32, #tpu.memory_space<vmem>>) target(%dma_start3A_40 : memref<256x64xf32, #tpu.memory_space<hbm>>) target_semaphore(%run_scoped3A : memref<!tpu.dma_semaphore, #tpu.memory_space<semaphore_mem>>)
      %dma_wait3A = arith.constant 0 : i32
      %dma_wait3A_41 = tpu.memref_slice %arg6[%add3A_17, %dma_wait3A] : memref<16384x64xf32, #tpu.memory_space<hbm>> -> memref<256x64xf32, #tpu.memory_space<hbm>>
      %dma_wait3A_42 = arith.constant 0 : i32
      %dma_wait3A_43 = tpu.memref_slice %arg6[%add3A_17, %dma_wait3A_42] : memref<16384x64xf32, #tpu.memory_space<hbm>> -> memref<256x64xf32, #tpu.memory_space<hbm>>
      tpu.wait_dma2 semaphore(%run_scoped3A : memref<!tpu.dma_semaphore, #tpu.memory_space<semaphore_mem>>) src(%arg10 : memref<256x64xf32, #tpu.memory_space<vmem>>) dst(%dma_wait3A_43 : memref<256x64xf32, #tpu.memory_space<hbm>>)
      tpu.yield
    }) : () -> ()
    %add3A_18 = arith.constant 0 : i32
    %add3A_19 = arith.addi %mul3A_2, %add3A_18 : i32
    "tpu.region"() ({
      %run_scoped3A = tpu.sem_alloc : memref<!tpu.dma_semaphore, #tpu.memory_space<semaphore_mem>>
      %dma_start3A = arith.constant 0 : i32
      %dma_start3A_38 = tpu.memref_slice %arg7[%add3A_19, %dma_start3A] : memref<16384x64xf32, #tpu.memory_space<hbm>> -> memref<256x64xf32, #tpu.memory_space<hbm>>
      %dma_start3A_39 = arith.constant 0 : i32
      %dma_start3A_40 = tpu.memref_slice %arg7[%add3A_19, %dma_start3A_39] : memref<16384x64xf32, #tpu.memory_space<hbm>> -> memref<256x64xf32, #tpu.memory_space<hbm>>
      tpu.enqueue_dma source(%arg11 : memref<256x64xf32, #tpu.memory_space<vmem>>) target(%dma_start3A_40 : memref<256x64xf32, #tpu.memory_space<hbm>>) target_semaphore(%run_scoped3A : memref<!tpu.dma_semaphore, #tpu.memory_space<semaphore_mem>>)
      %dma_wait3A = arith.constant 0 : i32
      %dma_wait3A_41 = tpu.memref_slice %arg7[%add3A_19, %dma_wait3A] : memref<16384x64xf32, #tpu.memory_space<hbm>> -> memref<256x64xf32, #tpu.memory_space<hbm>>
      %dma_wait3A_42 = arith.constant 0 : i32
      %dma_wait3A_43 = tpu.memref_slice %arg7[%add3A_19, %dma_wait3A_42] : memref<16384x64xf32, #tpu.memory_space<hbm>> -> memref<256x64xf32, #tpu.memory_space<hbm>>
      tpu.wait_dma2 semaphore(%run_scoped3A : memref<!tpu.dma_semaphore, #tpu.memory_space<semaphore_mem>>) src(%arg11 : memref<256x64xf32, #tpu.memory_space<vmem>>) dst(%dma_wait3A_43 : memref<256x64xf32, #tpu.memory_space<hbm>>)
      tpu.yield
    }) : () -> ()
    %scan3A_20 = arith.constant 0 : i32
    %scan3A_21 = arith.constant 0 : i32
    %scan3A_22 = arith.constant 16 : i32
    %scan3A_23 = arith.addi %scan3A_21, %scan3A_22 : i32
    %scan3A_24 = arith.constant 1 : i32
    %scan3A_25 = scf.for %scan3A_38 = %scan3A_21 to %scan3A_23 step %scan3A_24 iter_args(%scan3A_39 = %scan3A_20) -> (i32)  : i32 {
      %mul3A_40 = arith.constant 16 : i32
      %mul3A_41 = arith.muli %scan3A_38, %mul3A_40 : i32
      %add3A_42 = arith.constant 256 : i32
      %add3A_43 = arith.addi %add3A_42, %mul3A_41 : i32
      %get3A = arith.index_cast %add3A_43 : i32 to index
      %get3A_44 = tpu.vector_load %arg8[%get3A] {strides = array<i32>} : memref<512xi32, #tpu.memory_space<vmem>>, vector<16xi32>,
      %mul3A_45 = arith.constant 16 : i32
      %mul3A_46 = arith.muli %scan3A_38, %mul3A_45 : i32
      %add3A_47 = arith.constant 256 : i32
      %add3A_48 = arith.addi %add3A_47, %mul3A_46 : i32
      %get3A_49 = arith.index_cast %add3A_48 : i32 to index
      %get3A_50 = tpu.vector_load %arg9[%get3A_49] {strides = array<i32>} : memref<512xi32, #tpu.memory_space<vmem>>, vector<16xi32>,
      %eq3A = arith.constant 0 : i32
      %eq3A_51 = vector.broadcast %eq3A : i32 to vector<16xi32>
      %eq3A_52 = arith.cmpi eq, %iota3A, %eq3A_51 : vector<16xi32>
      %jit3A = arith.constant 0 : i32
      %broadcast_in_dim3A = vector.broadcast %jit3A : i32 to vector<16xi32>
      %select_n3A = arith.select %eq3A_52, %get3A_44, %broadcast_in_dim3A : vector<16xi1>, vector<16xi32>
      %reduce_sum3A = arith.constant true
      %reduce_sum3A_53 = vector.broadcast %reduce_sum3A : i1 to vector<16xi1>
      %reduce_sum3A_54 = tpu.scan <sum>, %select_n3A masked %reduce_sum3A_53 : vector<16xi32>, vector<16xi1> -> vector<16xi32>
      %reduce_sum3A_55 = vector.extract %reduce_sum3A_54[15] : i32 from vector<16xi32>
      %eq3A_56 = arith.constant 0 : i32
      %eq3A_57 = vector.broadcast %eq3A_56 : i32 to vector<16xi32>
      %eq3A_58 = arith.cmpi eq, %iota3A, %eq3A_57 : vector<16xi32>
      %jit3A_59 = arith.constant 0 : i32
      %broadcast_in_dim3A_60 = vector.broadcast %jit3A_59 : i32 to vector<16xi32>
      %select_n3A_61 = arith.select %eq3A_58, %get3A_50, %broadcast_in_dim3A_60 : vector<16xi1>, vector<16xi32>
      %reduce_sum3A_62 = arith.constant true
      %reduce_sum3A_63 = vector.broadcast %reduce_sum3A_62 : i1 to vector<16xi1>
      %reduce_sum3A_64 = tpu.scan <sum>, %select_n3A_61 masked %reduce_sum3A_63 : vector<16xi32>, vector<16xi1> -> vector<16xi32>
      %reduce_sum3A_65 = vector.extract %reduce_sum3A_64[15] : i32 from vector<16xi32>
      %mul3A_66 = arith.constant 16 : i32
      %mul3A_67 = arith.muli %scan3A_38, %mul3A_66 : i32
      %add3A_68 = arith.constant 0 : i32
      %add3A_69 = arith.addi %mul3A_67, %add3A_68 : i32
      %dma_start3A = arith.constant 0 : i32
      %dma_start3A_70 = tpu.memref_slice %arg10[%add3A_69, %dma_start3A] : memref<256x64xf32, #tpu.memory_space<vmem>> -> memref<1x64xf32, #tpu.memory_space<vmem>>
      %dma_start3A_71 = arith.constant 0 : i32
      %dma_start3A_72 = tpu.memref_slice %arg4[%reduce_sum3A_55, %dma_start3A_71] : memref<1000000x64xf32, #tpu.memory_space<hbm>> -> memref<1x64xf32, #tpu.memory_space<hbm>>
      %dma_start3A_73 = arith.constant 0 : i32
      %dma_start3A_74 = tpu.memref_slice %arg10[%add3A_69, %dma_start3A_73] : memref<256x64xf32, #tpu.memory_space<vmem>> -> memref<1x64xf32, #tpu.memory_space<vmem>>
      %dma_start3A_75 = arith.constant 0 : i32
      %dma_start3A_76 = tpu.memref_slice %arg4[%reduce_sum3A_55, %dma_start3A_75] : memref<1000000x64xf32, #tpu.memory_space<hbm>> -> memref<1x64xf32, #tpu.memory_space<hbm>>
      tpu.enqueue_dma source(%dma_start3A_76 : memref<1x64xf32, #tpu.memory_space<hbm>>) target(%dma_start3A_74 : memref<1x64xf32, #tpu.memory_space<vmem>>) target_semaphore(%arg12 : memref<!tpu.dma_semaphore, #tpu.memory_space<semaphore_mem>>)
      %mul3A_77 = arith.constant 16 : i32
      %mul3A_78 = arith.muli %scan3A_38, %mul3A_77 : i32
      %add3A_79 = arith.constant 0 : i32
      %add3A_80 = arith.addi %mul3A_78, %add3A_79 : i32
      %dma_start3A_81 = arith.constant 0 : i32
      %dma_start3A_82 = tpu.memref_slice %arg11[%add3A_80, %dma_start3A_81] : memref<256x64xf32, #tpu.memory_space<vmem>> -> memref<1x64xf32, #tpu.memory_space<vmem>>
      %dma_start3A_83 = arith.constant 0 : i32
      %dma_start3A_84 = tpu.memref_slice %arg5[%reduce_sum3A_65, %dma_start3A_83] : memref<1000000x64xf32, #tpu.memory_space<hbm>> -> memref<1x64xf32, #tpu.memory_space<hbm>>
      %dma_start3A_85 = arith.constant 0 : i32
      %dma_start3A_86 = tpu.memref_slice %arg11[%add3A_80, %dma_start3A_85] : memref<256x64xf32, #tpu.memory_space<vmem>> -> memref<1x64xf32, #tpu.memory_space<vmem>>
      %dma_start3A_87 = arith.constant 0 : i32
      %dma_start3A_88 = tpu.memref_slice %arg5[%reduce_sum3A_65, %dma_start3A_87] : memref<1000000x64xf32, #tpu.memory_space<hbm>> -> memref<1x64xf32, #tpu.memory_space<hbm>>
      tpu.enqueue_dma source(%dma_start3A_88 : memref<1x64xf32, #tpu.memory_space<hbm>>) target(%dma_start3A_86 : memref<1x64xf32, #tpu.memory_space<vmem>>) target_semaphore(%arg13 : memref<!tpu.dma_semaphore, #tpu.memory_space<semaphore_mem>>)
      %eq3A_89 = arith.constant 1 : i32
      %eq3A_90 = vector.broadcast %eq3A_89 : i32 to vector<16xi32>
      %eq3A_91 = arith.cmpi eq, %iota3A, %eq3A_90 : vector<16xi32>
      %jit3A_92 = arith.constant 0 : i32
      %broadcast_in_dim3A_93 = vector.broadcast %jit3A_92 : i32 to vector<16xi32>
      %select_n3A_94 = arith.select %eq3A_91, %get3A_44, %broadcast_in_dim3A_93 : vector<16xi1>, vector<16xi32>
      %reduce_sum3A_95 = arith.constant true
      %reduce_sum3A_96 = vector.broadcast %reduce_sum3A_95 : i1 to vector<16xi1>
      %reduce_sum3A_97 = tpu.scan <sum>, %select_n3A_94 masked %reduce_sum3A_96 : vector<16xi32>, vector<16xi1> -> vector<16xi32>
      %reduce_sum3A_98 = vector.extract %reduce_sum3A_97[15] : i32 from vector<16xi32>
      %eq3A_99 = arith.constant 1 : i32
      %eq3A_100 = vector.broadcast %eq3A_99 : i32 to vector<16xi32>
      %eq3A_101 = arith.cmpi eq, %iota3A, %eq3A_100 : vector<16xi32>
      %jit3A_102 = arith.constant 0 : i32
      %broadcast_in_dim3A_103 = vector.broadcast %jit3A_102 : i32 to vector<16xi32>
      %select_n3A_104 = arith.select %eq3A_101, %get3A_50, %broadcast_in_dim3A_103 : vector<16xi1>, vector<16xi32>
      %reduce_sum3A_105 = arith.constant true
      %reduce_sum3A_106 = vector.broadcast %reduce_sum3A_105 : i1 to vector<16xi1>
      %reduce_sum3A_107 = tpu.scan <sum>, %select_n3A_104 masked %reduce_sum3A_106 : vector<16xi32>, vector<16xi1> -> vector<16xi32>
      %reduce_sum3A_108 = vector.extract %reduce_sum3A_107[15] : i32 from vector<16xi32>
      %mul3A_109 = arith.constant 16 : i32
      %mul3A_110 = arith.muli %scan3A_38, %mul3A_109 : i32
      %add3A_111 = arith.constant 1 : i32
      %add3A_112 = arith.addi %mul3A_110, %add3A_111 : i32
      %dma_start3A_113 = arith.constant 0 : i32
      %dma_start3A_114 = tpu.memref_slice %arg10[%add3A_112, %dma_start3A_113] : memref<256x64xf32, #tpu.memory_space<vmem>> -> memref<1x64xf32, #tpu.memory_space<vmem>>
      %dma_start3A_115 = arith.constant 0 : i32
      %dma_start3A_116 = tpu.memref_slice %arg4[%reduce_sum3A_98, %dma_start3A_115] : memref<1000000x64xf32, #tpu.memory_space<hbm>> -> memref<1x64xf32, #tpu.memory_space<hbm>>
      %dma_start3A_117 = arith.constant 0 : i32
      %dma_start3A_118 = tpu.memref_slice %arg10[%add3A_112, %dma_start3A_117] : memref<256x64xf32, #tpu.memory_space<vmem>> -> memref<1x64xf32, #tpu.memory_space<vmem>>
      %dma_start3A_119 = arith.constant 0 : i32
      %dma_start3A_120 = tpu.memref_slice %arg4[%reduce_sum3A_98, %dma_start3A_119] : memref<1000000x64xf32, #tpu.memory_space<hbm>> -> memref<1x64xf32, #tpu.memory_space<hbm>>
      tpu.enqueue_dma source(%dma_start3A_120 : memref<1x64xf32, #tpu.memory_space<hbm>>) target(%dma_start3A_118 : memref<1x64xf32, #tpu.memory_space<vmem>>) target_semaphore(%arg12 : memref<!tpu.dma_semaphore, #tpu.memory_space<semaphore_mem>>)
      %mul3A_121 = arith.constant 16 : i32
      %mul3A_122 = arith.muli %scan3A_38, %mul3A_121 : i32
      %add3A_123 = arith.constant 1 : i32
      %add3A_124 = arith.addi %mul3A_122, %add3A_123 : i32
      %dma_start3A_125 = arith.constant 0 : i32
      %dma_start3A_126 = tpu.memref_slice %arg11[%add3A_124, %dma_start3A_125] : memref<256x64xf32, #tpu.memory_space<vmem>> -> memref<1x64xf32, #tpu.memory_space<vmem>>
      %dma_start3A_127 = arith.constant 0 : i32
      %dma_start3A_128 = tpu.memref_slice %arg5[%reduce_sum3A_108, %dma_start3A_127] : memref<1000000x64xf32, #tpu.memory_space<hbm>> -> memref<1x64xf32, #tpu.memory_space<hbm>>
      %dma_start3A_129 = arith.constant 0 : i32
      %dma_start3A_130 = tpu.memref_slice %arg11[%add3A_124, %dma_start3A_129] : memref<256x64xf32, #tpu.memory_space<vmem>> -> memref<1x64xf32, #tpu.memory_space<vmem>>
      %dma_start3A_131 = arith.constant 0 : i32
      %dma_start3A_132 = tpu.memref_slice %arg5[%reduce_sum3A_108, %dma_start3A_131] : memref<1000000x64xf32, #tpu.memory_space<hbm>> -> memref<1x64xf32, #tpu.memory_space<hbm>>
      tpu.enqueue_dma source(%dma_start3A_132 : memref<1x64xf32, #tpu.memory_space<hbm>>) target(%dma_start3A_130 : memref<1x64xf32, #tpu.memory_space<vmem>>) target_semaphore(%arg13 : memref<!tpu.dma_semaphore, #tpu.memory_space<semaphore_mem>>)
      %eq3A_133 = arith.constant 2 : i32
      %eq3A_134 = vector.broadcast %eq3A_133 : i32 to vector<16xi32>
      %eq3A_135 = arith.cmpi eq, %iota3A, %eq3A_134 : vector<16xi32>
      %jit3A_136 = arith.constant 0 : i32
      %broadcast_in_dim3A_137 = vector.broadcast %jit3A_136 : i32 to vector<16xi32>
      %select_n3A_138 = arith.select %eq3A_135, %get3A_44, %broadcast_in_dim3A_137 : vector<16xi1>, vector<16xi32>
      %reduce_sum3A_139 = arith.constant true
      %reduce_sum3A_140 = vector.broadcast %reduce_sum3A_139 : i1 to vector<16xi1>
      %reduce_sum3A_141 = tpu.scan <sum>, %select_n3A_138 masked %reduce_sum3A_140 : vector<16xi32>, vector<16xi1> -> vector<16xi32>
      %reduce_sum3A_142 = vector.extract %reduce_sum3A_141[15] : i32 from vector<16xi32>
      %eq3A_143 = arith.constant 2 : i32
      %eq3A_144 = vector.broadcast %eq3A_143 : i32 to vector<16xi32>
      %eq3A_145 = arith.cmpi eq, %iota3A, %eq3A_144 : vector<16xi32>
      %jit3A_146 = arith.constant 0 : i32
      %broadcast_in_dim3A_147 = vector.broadcast %jit3A_146 : i32 to vector<16xi32>
      %select_n3A_148 = arith.select %eq3A_145, %get3A_50, %broadcast_in_dim3A_147 : vector<16xi1>, vector<16xi32>
      %reduce_sum3A_149 = arith.constant true
      %reduce_sum3A_150 = vector.broadcast %reduce_sum3A_149 : i1 to vector<16xi1>
      %reduce_sum3A_151 = tpu.scan <sum>, %select_n3A_148 masked %reduce_sum3A_150 : vector<16xi32>, vector<16xi1> -> vector<16xi32>
      %reduce_sum3A_152 = vector.extract %reduce_sum3A_151[15] : i32 from vector<16xi32>
      %mul3A_153 = arith.constant 16 : i32
      %mul3A_154 = arith.muli %scan3A_38, %mul3A_153 : i32
      %add3A_155 = arith.constant 2 : i32
      %add3A_156 = arith.addi %mul3A_154, %add3A_155 : i32
      %dma_start3A_157 = arith.constant 0 : i32
      %dma_start3A_158 = tpu.memref_slice %arg10[%add3A_156, %dma_start3A_157] : memref<256x64xf32, #tpu.memory_space<vmem>> -> memref<1x64xf32, #tpu.memory_space<vmem>>
      %dma_start3A_159 = arith.constant 0 : i32
      %dma_start3A_160 = tpu.memref_slice %arg4[%reduce_sum3A_142, %dma_start3A_159] : memref<1000000x64xf32, #tpu.memory_space<hbm>> -> memref<1x64xf32, #tpu.memory_space<hbm>>
      %dma_start3A_161 = arith.constant 0 : i32
      %dma_start3A_162 = tpu.memref_slice %arg10[%add3A_156, %dma_start3A_161] : memref<256x64xf32, #tpu.memory_space<vmem>> -> memref<1x64xf32, #tpu.memory_space<vmem>>
      %dma_start3A_163 = arith.constant 0 : i32
      %dma_start3A_164 = tpu.memref_slice %arg4[%reduce_sum3A_142, %dma_start3A_163] : memref<1000000x64xf32, #tpu.memory_space<hbm>> -> memref<1x64xf32, #tpu.memory_space<hbm>>
      tpu.enqueue_dma source(%dma_start3A_164 : memref<1x64xf32, #tpu.memory_space<hbm>>) target(%dma_start3A_162 : memref<1x64xf32, #tpu.memory_space<vmem>>) target_semaphore(%arg12 : memref<!tpu.dma_semaphore, #tpu.memory_space<semaphore_mem>>)
      %mul3A_165 = arith.constant 16 : i32
      %mul3A_166 = arith.muli %scan3A_38, %mul3A_165 : i32
      %add3A_167 = arith.constant 2 : i32
      %add3A_168 = arith.addi %mul3A_166, %add3A_167 : i32
      %dma_start3A_169 = arith.constant 0 : i32
      %dma_start3A_170 = tpu.memref_slice %arg11[%add3A_168, %dma_start3A_169] : memref<256x64xf32, #tpu.memory_space<vmem>> -> memref<1x64xf32, #tpu.memory_space<vmem>>
      %dma_start3A_171 = arith.constant 0 : i32
      %dma_start3A_172 = tpu.memref_slice %arg5[%reduce_sum3A_152, %dma_start3A_171] : memref<1000000x64xf32, #tpu.memory_space<hbm>> -> memref<1x64xf32, #tpu.memory_space<hbm>>
      %dma_start3A_173 = arith.constant 0 : i32
      %dma_start3A_174 = tpu.memref_slice %arg11[%add3A_168, %dma_start3A_173] : memref<256x64xf32, #tpu.memory_space<vmem>> -> memref<1x64xf32, #tpu.memory_space<vmem>>
      %dma_start3A_175 = arith.constant 0 : i32
      %dma_start3A_176 = tpu.memref_slice %arg5[%reduce_sum3A_152, %dma_start3A_175] : memref<1000000x64xf32, #tpu.memory_space<hbm>> -> memref<1x64xf32, #tpu.memory_space<hbm>>
      tpu.enqueue_dma source(%dma_start3A_176 : memref<1x64xf32, #tpu.memory_space<hbm>>) target(%dma_start3A_174 : memref<1x64xf32, #tpu.memory_space<vmem>>) target_semaphore(%arg13 : memref<!tpu.dma_semaphore, #tpu.memory_space<semaphore_mem>>)
      %eq3A_177 = arith.constant 3 : i32
      %eq3A_178 = vector.broadcast %eq3A_177 : i32 to vector<16xi32>
      %eq3A_179 = arith.cmpi eq, %iota3A, %eq3A_178 : vector<16xi32>
      %jit3A_180 = arith.constant 0 : i32
      %broadcast_in_dim3A_181 = vector.broadcast %jit3A_180 : i32 to vector<16xi32>
      %select_n3A_182 = arith.select %eq3A_179, %get3A_44, %broadcast_in_dim3A_181 : vector<16xi1>, vector<16xi32>
      %reduce_sum3A_183 = arith.constant true
      %reduce_sum3A_184 = vector.broadcast %reduce_sum3A_183 : i1 to vector<16xi1>
      %reduce_sum3A_185 = tpu.scan <sum>, %select_n3A_182 masked %reduce_sum3A_184 : vector<16xi32>, vector<16xi1> -> vector<16xi32>
      %reduce_sum3A_186 = vector.extract %reduce_sum3A_185[15] : i32 from vector<16xi32>
      %eq3A_187 = arith.constant 3 : i32
      %eq3A_188 = vector.broadcast %eq3A_187 : i32 to vector<16xi32>
      %eq3A_189 = arith.cmpi eq, %iota3A, %eq3A_188 : vector<16xi32>
      %jit3A_190 = arith.constant 0 : i32
      %broadcast_in_dim3A_191 = vector.broadcast %jit3A_190 : i32 to vector<16xi32>
      %select_n3A_192 = arith.select %eq3A_189, %get3A_50, %broadcast_in_dim3A_191 : vector<16xi1>, vector<16xi32>
      %reduce_sum3A_193 = arith.constant true
      %reduce_sum3A_194 = vector.broadcast %reduce_sum3A_193 : i1 to vector<16xi1>
      %reduce_sum3A_195 = tpu.scan <sum>, %select_n3A_192 masked %reduce_sum3A_194 : vector<16xi32>, vector<16xi1> -> vector<16xi32>
      %reduce_sum3A_196 = vector.extract %reduce_sum3A_195[15] : i32 from vector<16xi32>
      %mul3A_197 = arith.constant 16 : i32
      %mul3A_198 = arith.muli %scan3A_38, %mul3A_197 : i32
      %add3A_199 = arith.constant 3 : i32
      %add3A_200 = arith.addi %mul3A_198, %add3A_199 : i32
      %dma_start3A_201 = arith.constant 0 : i32
      %dma_start3A_202 = tpu.memref_slice %arg10[%add3A_200, %dma_start3A_201] : memref<256x64xf32, #tpu.memory_space<vmem>> -> memref<1x64xf32, #tpu.memory_space<vmem>>
      %dma_start3A_203 = arith.constant 0 : i32
      %dma_start3A_204 = tpu.memref_slice %arg4[%reduce_sum3A_186, %dma_start3A_203] : memref<1000000x64xf32, #tpu.memory_space<hbm>> -> memref<1x64xf32, #tpu.memory_space<hbm>>
      %dma_start3A_205 = arith.constant 0 : i32
      %dma_start3A_206 = tpu.memref_slice %arg10[%add3A_200, %dma_start3A_205] : memref<256x64xf32, #tpu.memory_space<vmem>> -> memref<1x64xf32, #tpu.memory_space<vmem>>
      %dma_start3A_207 = arith.constant 0 : i32
      %dma_start3A_208 = tpu.memref_slice %arg4[%reduce_sum3A_186, %dma_start3A_207] : memref<1000000x64xf32, #tpu.memory_space<hbm>> -> memref<1x64xf32, #tpu.memory_space<hbm>>
      tpu.enqueue_dma source(%dma_start3A_208 : memref<1x64xf32, #tpu.memory_space<hbm>>) target(%dma_start3A_206 : memref<1x64xf32, #tpu.memory_space<vmem>>) target_semaphore(%arg12 : memref<!tpu.dma_semaphore, #tpu.memory_space<semaphore_mem>>)
      %mul3A_209 = arith.constant 16 : i32
      %mul3A_210 = arith.muli %scan3A_38, %mul3A_209 : i32
      %add3A_211 = arith.constant 3 : i32
      %add3A_212 = arith.addi %mul3A_210, %add3A_211 : i32
      %dma_start3A_213 = arith.constant 0 : i32
      %dma_start3A_214 = tpu.memref_slice %arg11[%add3A_212, %dma_start3A_213] : memref<256x64xf32, #tpu.memory_space<vmem>> -> memref<1x64xf32, #tpu.memory_space<vmem>>
      %dma_start3A_215 = arith.constant 0 : i32
      %dma_start3A_216 = tpu.memref_slice %arg5[%reduce_sum3A_196, %dma_start3A_215] : memref<1000000x64xf32, #tpu.memory_space<hbm>> -> memref<1x64xf32, #tpu.memory_space<hbm>>
      %dma_start3A_217 = arith.constant 0 : i32
      %dma_start3A_218 = tpu.memref_slice %arg11[%add3A_212, %dma_start3A_217] : memref<256x64xf32, #tpu.memory_space<vmem>> -> memref<1x64xf32, #tpu.memory_space<vmem>>
      %dma_start3A_219 = arith.constant 0 : i32
      %dma_start3A_220 = tpu.memref_slice %arg5[%reduce_sum3A_196, %dma_start3A_219] : memref<1000000x64xf32, #tpu.memory_space<hbm>> -> memref<1x64xf32, #tpu.memory_space<hbm>>
      tpu.enqueue_dma source(%dma_start3A_220 : memref<1x64xf32, #tpu.memory_space<hbm>>) target(%dma_start3A_218 : memref<1x64xf32, #tpu.memory_space<vmem>>) target_semaphore(%arg13 : memref<!tpu.dma_semaphore, #tpu.memory_space<semaphore_mem>>)
      %eq3A_221 = arith.constant 4 : i32
      %eq3A_222 = vector.broadcast %eq3A_221 : i32 to vector<16xi32>
      %eq3A_223 = arith.cmpi eq, %iota3A, %eq3A_222 : vector<16xi32>
      %jit3A_224 = arith.constant 0 : i32
      %broadcast_in_dim3A_225 = vector.broadcast %jit3A_224 : i32 to vector<16xi32>
      %select_n3A_226 = arith.select %eq3A_223, %get3A_44, %broadcast_in_dim3A_225 : vector<16xi1>, vector<16xi32>
      %reduce_sum3A_227 = arith.constant true
      %reduce_sum3A_228 = vector.broadcast %reduce_sum3A_227 : i1 to vector<16xi1>
      %reduce_sum3A_229 = tpu.scan <sum>, %select_n3A_226 masked %reduce_sum3A_228 : vector<16xi32>, vector<16xi1> -> vector<16xi32>
      %reduce_sum3A_230 = vector.extract %reduce_sum3A_229[15] : i32 from vector<16xi32>
      %eq3A_231 = arith.constant 4 : i32
      %eq3A_232 = vector.broadcast %eq3A_231 : i32 to vector<16xi32>
      %eq3A_233 = arith.cmpi eq, %iota3A, %eq3A_232 : vector<16xi32>
      %jit3A_234 = arith.constant 0 : i32
      %broadcast_in_dim3A_235 = vector.broadcast %jit3A_234 : i32 to vector<16xi32>
      %select_n3A_236 = arith.select %eq3A_233, %get3A_50, %broadcast_in_dim3A_235 : vector<16xi1>, vector<16xi32>
      %reduce_sum3A_237 = arith.constant true
      %reduce_sum3A_238 = vector.broadcast %reduce_sum3A_237 : i1 to vector<16xi1>
      %reduce_sum3A_239 = tpu.scan <sum>, %select_n3A_236 masked %reduce_sum3A_238 : vector<16xi32>, vector<16xi1> -> vector<16xi32>
      %reduce_sum3A_240 = vector.extract %reduce_sum3A_239[15] : i32 from vector<16xi32>
      %mul3A_241 = arith.constant 16 : i32
      %mul3A_242 = arith.muli %scan3A_38, %mul3A_241 : i32
      %add3A_243 = arith.constant 4 : i32
      %add3A_244 = arith.addi %mul3A_242, %add3A_243 : i32
      %dma_start3A_245 = arith.constant 0 : i32
      %dma_start3A_246 = tpu.memref_slice %arg10[%add3A_244, %dma_start3A_245] : memref<256x64xf32, #tpu.memory_space<vmem>> -> memref<1x64xf32, #tpu.memory_space<vmem>>
      %dma_start3A_247 = arith.constant 0 : i32
      %dma_start3A_248 = tpu.memref_slice %arg4[%reduce_sum3A_230, %dma_start3A_247] : memref<1000000x64xf32, #tpu.memory_space<hbm>> -> memref<1x64xf32, #tpu.memory_space<hbm>>
      %dma_start3A_249 = arith.constant 0 : i32
      %dma_start3A_250 = tpu.memref_slice %arg10[%add3A_244, %dma_start3A_249] : memref<256x64xf32, #tpu.memory_space<vmem>> -> memref<1x64xf32, #tpu.memory_space<vmem>>
      %dma_start3A_251 = arith.constant 0 : i32
      %dma_start3A_252 = tpu.memref_slice %arg4[%reduce_sum3A_230, %dma_start3A_251] : memref<1000000x64xf32, #tpu.memory_space<hbm>> -> memref<1x64xf32, #tpu.memory_space<hbm>>
      tpu.enqueue_dma source(%dma_start3A_252 : memref<1x64xf32, #tpu.memory_space<hbm>>) target(%dma_start3A_250 : memref<1x64xf32, #tpu.memory_space<vmem>>) target_semaphore(%arg12 : memref<!tpu.dma_semaphore, #tpu.memory_space<semaphore_mem>>)
      %mul3A_253 = arith.constant 16 : i32
      %mul3A_254 = arith.muli %scan3A_38, %mul3A_253 : i32
      %add3A_255 = arith.constant 4 : i32
      %add3A_256 = arith.addi %mul3A_254, %add3A_255 : i32
      %dma_start3A_257 = arith.constant 0 : i32
      %dma_start3A_258 = tpu.memref_slice %arg11[%add3A_256, %dma_start3A_257] : memref<256x64xf32, #tpu.memory_space<vmem>> -> memref<1x64xf32, #tpu.memory_space<vmem>>
      %dma_start3A_259 = arith.constant 0 : i32
      %dma_start3A_260 = tpu.memref_slice %arg5[%reduce_sum3A_240, %dma_start3A_259] : memref<1000000x64xf32, #tpu.memory_space<hbm>> -> memref<1x64xf32, #tpu.memory_space<hbm>>
      %dma_start3A_261 = arith.constant 0 : i32
      %dma_start3A_262 = tpu.memref_slice %arg11[%add3A_256, %dma_start3A_261] : memref<256x64xf32, #tpu.memory_space<vmem>> -> memref<1x64xf32, #tpu.memory_space<vmem>>
      %dma_start3A_263 = arith.constant 0 : i32
      %dma_start3A_264 = tpu.memref_slice %arg5[%reduce_sum3A_240, %dma_start3A_263] : memref<1000000x64xf32, #tpu.memory_space<hbm>> -> memref<1x64xf32, #tpu.memory_space<hbm>>
      tpu.enqueue_dma source(%dma_start3A_264 : memref<1x64xf32, #tpu.memory_space<hbm>>) target(%dma_start3A_262 : memref<1x64xf32, #tpu.memory_space<vmem>>) target_semaphore(%arg13 : memref<!tpu.dma_semaphore, #tpu.memory_space<semaphore_mem>>)
      %eq3A_265 = arith.constant 5 : i32
      %eq3A_266 = vector.broadcast %eq3A_265 : i32 to vector<16xi32>
      %eq3A_267 = arith.cmpi eq, %iota3A, %eq3A_266 : vector<16xi32>
      %jit3A_268 = arith.constant 0 : i32
      %broadcast_in_dim3A_269 = vector.broadcast %jit3A_268 : i32 to vector<16xi32>
      %select_n3A_270 = arith.select %eq3A_267, %get3A_44, %broadcast_in_dim3A_269 : vector<16xi1>, vector<16xi32>
      %reduce_sum3A_271 = arith.constant true
      %reduce_sum3A_272 = vector.broadcast %reduce_sum3A_271 : i1 to vector<16xi1>
      %reduce_sum3A_273 = tpu.scan <sum>, %select_n3A_270 masked %reduce_sum3A_272 : vector<16xi32>, vector<16xi1> -> vector<16xi32>
      %reduce_sum3A_274 = vector.extract %reduce_sum3A_273[15] : i32 from vector<16xi32>
      %eq3A_275 = arith.constant 5 : i32
      %eq3A_276 = vector.broadcast %eq3A_275 : i32 to vector<16xi32>
      %eq3A_277 = arith.cmpi eq, %iota3A, %eq3A_276 : vector<16xi32>
      %jit3A_278 = arith.constant 0 : i32
      %broadcast_in_dim3A_279 = vector.broadcast %jit3A_278 : i32 to vector<16xi32>
      %select_n3A_280 = arith.select %eq3A_277, %get3A_50, %broadcast_in_dim3A_279 : vector<16xi1>, vector<16xi32>
      %reduce_sum3A_281 = arith.constant true
      %reduce_sum3A_282 = vector.broadcast %reduce_sum3A_281 : i1 to vector<16xi1>
      %reduce_sum3A_283 = tpu.scan <sum>, %select_n3A_280 masked %reduce_sum3A_282 : vector<16xi32>, vector<16xi1> -> vector<16xi32>
      %reduce_sum3A_284 = vector.extract %reduce_sum3A_283[15] : i32 from vector<16xi32>
      %mul3A_285 = arith.constant 16 : i32
      %mul3A_286 = arith.muli %scan3A_38, %mul3A_285 : i32
      %add3A_287 = arith.constant 5 : i32
      %add3A_288 = arith.addi %mul3A_286, %add3A_287 : i32
      %dma_start3A_289 = arith.constant 0 : i32
      %dma_start3A_290 = tpu.memref_slice %arg10[%add3A_288, %dma_start3A_289] : memref<256x64xf32, #tpu.memory_space<vmem>> -> memref<1x64xf32, #tpu.memory_space<vmem>>
      %dma_start3A_291 = arith.constant 0 : i32
      %dma_start3A_292 = tpu.memref_slice %arg4[%reduce_sum3A_274, %dma_start3A_291] : memref<1000000x64xf32, #tpu.memory_space<hbm>> -> memref<1x64xf32, #tpu.memory_space<hbm>>
      %dma_start3A_293 = arith.constant 0 : i32
      %dma_start3A_294 = tpu.memref_slice %arg10[%add3A_288, %dma_start3A_293] : memref<256x64xf32, #tpu.memory_space<vmem>> -> memref<1x64xf32, #tpu.memory_space<vmem>>
      %dma_start3A_295 = arith.constant 0 : i32
      %dma_start3A_296 = tpu.memref_slice %arg4[%reduce_sum3A_274, %dma_start3A_295] : memref<1000000x64xf32, #tpu.memory_space<hbm>> -> memref<1x64xf32, #tpu.memory_space<hbm>>
      tpu.enqueue_dma source(%dma_start3A_296 : memref<1x64xf32, #tpu.memory_space<hbm>>) target(%dma_start3A_294 : memref<1x64xf32, #tpu.memory_space<vmem>>) target_semaphore(%arg12 : memref<!tpu.dma_semaphore, #tpu.memory_space<semaphore_mem>>)
      %mul3A_297 = arith.constant 16 : i32
      %mul3A_298 = arith.muli %scan3A_38, %mul3A_297 : i32
      %add3A_299 = arith.constant 5 : i32
      %add3A_300 = arith.addi %mul3A_298, %add3A_299 : i32
      %dma_start3A_301 = arith.constant 0 : i32
      %dma_start3A_302 = tpu.memref_slice %arg11[%add3A_300, %dma_start3A_301] : memref<256x64xf32, #tpu.memory_space<vmem>> -> memref<1x64xf32, #tpu.memory_space<vmem>>
      %dma_start3A_303 = arith.constant 0 : i32
      %dma_start3A_304 = tpu.memref_slice %arg5[%reduce_sum3A_284, %dma_start3A_303] : memref<1000000x64xf32, #tpu.memory_space<hbm>> -> memref<1x64xf32, #tpu.memory_space<hbm>>
      %dma_start3A_305 = arith.constant 0 : i32
      %dma_start3A_306 = tpu.memref_slice %arg11[%add3A_300, %dma_start3A_305] : memref<256x64xf32, #tpu.memory_space<vmem>> -> memref<1x64xf32, #tpu.memory_space<vmem>>
      %dma_start3A_307 = arith.constant 0 : i32
      %dma_start3A_308 = tpu.memref_slice %arg5[%reduce_sum3A_284, %dma_start3A_307] : memref<1000000x64xf32, #tpu.memory_space<hbm>> -> memref<1x64xf32, #tpu.memory_space<hbm>>
      tpu.enqueue_dma source(%dma_start3A_308 : memref<1x64xf32, #tpu.memory_space<hbm>>) target(%dma_start3A_306 : memref<1x64xf32, #tpu.memory_space<vmem>>) target_semaphore(%arg13 : memref<!tpu.dma_semaphore, #tpu.memory_space<semaphore_mem>>)
      %eq3A_309 = arith.constant 6 : i32
      %eq3A_310 = vector.broadcast %eq3A_309 : i32 to vector<16xi32>
      %eq3A_311 = arith.cmpi eq, %iota3A, %eq3A_310 : vector<16xi32>
      %jit3A_312 = arith.constant 0 : i32
      %broadcast_in_dim3A_313 = vector.broadcast %jit3A_312 : i32 to vector<16xi32>
      %select_n3A_314 = arith.select %eq3A_311, %get3A_44, %broadcast_in_dim3A_313 : vector<16xi1>, vector<16xi32>
      %reduce_sum3A_315 = arith.constant true
      %reduce_sum3A_316 = vector.broadcast %reduce_sum3A_315 : i1 to vector<16xi1>
      %reduce_sum3A_317 = tpu.scan <sum>, %select_n3A_314 masked %reduce_sum3A_316 : vector<16xi32>, vector<16xi1> -> vector<16xi32>
      %reduce_sum3A_318 = vector.extract %reduce_sum3A_317[15] : i32 from vector<16xi32>
      %eq3A_319 = arith.constant 6 : i32
      %eq3A_320 = vector.broadcast %eq3A_319 : i32 to vector<16xi32>
      %eq3A_321 = arith.cmpi eq, %iota3A, %eq3A_320 : vector<16xi32>
      %jit3A_322 = arith.constant 0 : i32
      %broadcast_in_dim3A_323 = vector.broadcast %jit3A_322 : i32 to vector<16xi32>
      %select_n3A_324 = arith.select %eq3A_321, %get3A_50, %broadcast_in_dim3A_323 : vector<16xi1>, vector<16xi32>
      %reduce_sum3A_325 = arith.constant true
      %reduce_sum3A_326 = vector.broadcast %reduce_sum3A_325 : i1 to vector<16xi1>
      %reduce_sum3A_327 = tpu.scan <sum>, %select_n3A_324 masked %reduce_sum3A_326 : vector<16xi32>, vector<16xi1> -> vector<16xi32>
      %reduce_sum3A_328 = vector.extract %reduce_sum3A_327[15] : i32 from vector<16xi32>
      %mul3A_329 = arith.constant 16 : i32
      %mul3A_330 = arith.muli %scan3A_38, %mul3A_329 : i32
      %add3A_331 = arith.constant 6 : i32
      %add3A_332 = arith.addi %mul3A_330, %add3A_331 : i32
      %dma_start3A_333 = arith.constant 0 : i32
      %dma_start3A_334 = tpu.memref_slice %arg10[%add3A_332, %dma_start3A_333] : memref<256x64xf32, #tpu.memory_space<vmem>> -> memref<1x64xf32, #tpu.memory_space<vmem>>
      %dma_start3A_335 = arith.constant 0 : i32
      %dma_start3A_336 = tpu.memref_slice %arg4[%reduce_sum3A_318, %dma_start3A_335] : memref<1000000x64xf32, #tpu.memory_space<hbm>> -> memref<1x64xf32, #tpu.memory_space<hbm>>
      %dma_start3A_337 = arith.constant 0 : i32
      %dma_start3A_338 = tpu.memref_slice %arg10[%add3A_332, %dma_start3A_337] : memref<256x64xf32, #tpu.memory_space<vmem>> -> memref<1x64xf32, #tpu.memory_space<vmem>>
      %dma_start3A_339 = arith.constant 0 : i32
      %dma_start3A_340 = tpu.memref_slice %arg4[%reduce_sum3A_318, %dma_start3A_339] : memref<1000000x64xf32, #tpu.memory_space<hbm>> -> memref<1x64xf32, #tpu.memory_space<hbm>>
      tpu.enqueue_dma source(%dma_start3A_340 : memref<1x64xf32, #tpu.memory_space<hbm>>) target(%dma_start3A_338 : memref<1x64xf32, #tpu.memory_space<vmem>>) target_semaphore(%arg12 : memref<!tpu.dma_semaphore, #tpu.memory_space<semaphore_mem>>)
      %mul3A_341 = arith.constant 16 : i32
      %mul3A_342 = arith.muli %scan3A_38, %mul3A_341 : i32
      %add3A_343 = arith.constant 6 : i32
      %add3A_344 = arith.addi %mul3A_342, %add3A_343 : i32
      %dma_start3A_345 = arith.constant 0 : i32
      %dma_start3A_346 = tpu.memref_slice %arg11[%add3A_344, %dma_start3A_345] : memref<256x64xf32, #tpu.memory_space<vmem>> -> memref<1x64xf32, #tpu.memory_space<vmem>>
      %dma_start3A_347 = arith.constant 0 : i32
      %dma_start3A_348 = tpu.memref_slice %arg5[%reduce_sum3A_328, %dma_start3A_347] : memref<1000000x64xf32, #tpu.memory_space<hbm>> -> memref<1x64xf32, #tpu.memory_space<hbm>>
      %dma_start3A_349 = arith.constant 0 : i32
      %dma_start3A_350 = tpu.memref_slice %arg11[%add3A_344, %dma_start3A_349] : memref<256x64xf32, #tpu.memory_space<vmem>> -> memref<1x64xf32, #tpu.memory_space<vmem>>
      %dma_start3A_351 = arith.constant 0 : i32
      %dma_start3A_352 = tpu.memref_slice %arg5[%reduce_sum3A_328, %dma_start3A_351] : memref<1000000x64xf32, #tpu.memory_space<hbm>> -> memref<1x64xf32, #tpu.memory_space<hbm>>
      tpu.enqueue_dma source(%dma_start3A_352 : memref<1x64xf32, #tpu.memory_space<hbm>>) target(%dma_start3A_350 : memref<1x64xf32, #tpu.memory_space<vmem>>) target_semaphore(%arg13 : memref<!tpu.dma_semaphore, #tpu.memory_space<semaphore_mem>>)
      %eq3A_353 = arith.constant 7 : i32
      %eq3A_354 = vector.broadcast %eq3A_353 : i32 to vector<16xi32>
      %eq3A_355 = arith.cmpi eq, %iota3A, %eq3A_354 : vector<16xi32>
      %jit3A_356 = arith.constant 0 : i32
      %broadcast_in_dim3A_357 = vector.broadcast %jit3A_356 : i32 to vector<16xi32>
      %select_n3A_358 = arith.select %eq3A_355, %get3A_44, %broadcast_in_dim3A_357 : vector<16xi1>, vector<16xi32>
      %reduce_sum3A_359 = arith.constant true
      %reduce_sum3A_360 = vector.broadcast %reduce_sum3A_359 : i1 to vector<16xi1>
      %reduce_sum3A_361 = tpu.scan <sum>, %select_n3A_358 masked %reduce_sum3A_360 : vector<16xi32>, vector<16xi1> -> vector<16xi32>
      %reduce_sum3A_362 = vector.extract %reduce_sum3A_361[15] : i32 from vector<16xi32>
      %eq3A_363 = arith.constant 7 : i32
      %eq3A_364 = vector.broadcast %eq3A_363 : i32 to vector<16xi32>
      %eq3A_365 = arith.cmpi eq, %iota3A, %eq3A_364 : vector<16xi32>
      %jit3A_366 = arith.constant 0 : i32
      %broadcast_in_dim3A_367 = vector.broadcast %jit3A_366 : i32 to vector<16xi32>
      %select_n3A_368 = arith.select %eq3A_365, %get3A_50, %broadcast_in_dim3A_367 : vector<16xi1>, vector<16xi32>
      %reduce_sum3A_369 = arith.constant true
      %reduce_sum3A_370 = vector.broadcast %reduce_sum3A_369 : i1 to vector<16xi1>
      %reduce_sum3A_371 = tpu.scan <sum>, %select_n3A_368 masked %reduce_sum3A_370 : vector<16xi32>, vector<16xi1> -> vector<16xi32>
      %reduce_sum3A_372 = vector.extract %reduce_sum3A_371[15] : i32 from vector<16xi32>
      %mul3A_373 = arith.constant 16 : i32
      %mul3A_374 = arith.muli %scan3A_38, %mul3A_373 : i32
      %add3A_375 = arith.constant 7 : i32
      %add3A_376 = arith.addi %mul3A_374, %add3A_375 : i32
      %dma_start3A_377 = arith.constant 0 : i32
      %dma_start3A_378 = tpu.memref_slice %arg10[%add3A_376, %dma_start3A_377] : memref<256x64xf32, #tpu.memory_space<vmem>> -> memref<1x64xf32, #tpu.memory_space<vmem>>
      %dma_start3A_379 = arith.constant 0 : i32
      %dma_start3A_380 = tpu.memref_slice %arg4[%reduce_sum3A_362, %dma_start3A_379] : memref<1000000x64xf32, #tpu.memory_space<hbm>> -> memref<1x64xf32, #tpu.memory_space<hbm>>
      %dma_start3A_381 = arith.constant 0 : i32
      %dma_start3A_382 = tpu.memref_slice %arg10[%add3A_376, %dma_start3A_381] : memref<256x64xf32, #tpu.memory_space<vmem>> -> memref<1x64xf32, #tpu.memory_space<vmem>>
      %dma_start3A_383 = arith.constant 0 : i32
      %dma_start3A_384 = tpu.memref_slice %arg4[%reduce_sum3A_362, %dma_start3A_383] : memref<1000000x64xf32, #tpu.memory_space<hbm>> -> memref<1x64xf32, #tpu.memory_space<hbm>>
      tpu.enqueue_dma source(%dma_start3A_384 : memref<1x64xf32, #tpu.memory_space<hbm>>) target(%dma_start3A_382 : memref<1x64xf32, #tpu.memory_space<vmem>>) target_semaphore(%arg12 : memref<!tpu.dma_semaphore, #tpu.memory_space<semaphore_mem>>)
      %mul3A_385 = arith.constant 16 : i32
      %mul3A_386 = arith.muli %scan3A_38, %mul3A_385 : i32
      %add3A_387 = arith.constant 7 : i32
      %add3A_388 = arith.addi %mul3A_386, %add3A_387 : i32
      %dma_start3A_389 = arith.constant 0 : i32
      %dma_start3A_390 = tpu.memref_slice %arg11[%add3A_388, %dma_start3A_389] : memref<256x64xf32, #tpu.memory_space<vmem>> -> memref<1x64xf32, #tpu.memory_space<vmem>>
      %dma_start3A_391 = arith.constant 0 : i32
      %dma_start3A_392 = tpu.memref_slice %arg5[%reduce_sum3A_372, %dma_start3A_391] : memref<1000000x64xf32, #tpu.memory_space<hbm>> -> memref<1x64xf32, #tpu.memory_space<hbm>>
      %dma_start3A_393 = arith.constant 0 : i32
      %dma_start3A_394 = tpu.memref_slice %arg11[%add3A_388, %dma_start3A_393] : memref<256x64xf32, #tpu.memory_space<vmem>> -> memref<1x64xf32, #tpu.memory_space<vmem>>
      %dma_start3A_395 = arith.constant 0 : i32
      %dma_start3A_396 = tpu.memref_slice %arg5[%reduce_sum3A_372, %dma_start3A_395] : memref<1000000x64xf32, #tpu.memory_space<hbm>> -> memref<1x64xf32, #tpu.memory_space<hbm>>
      tpu.enqueue_dma source(%dma_start3A_396 : memref<1x64xf32, #tpu.memory_space<hbm>>) target(%dma_start3A_394 : memref<1x64xf32, #tpu.memory_space<vmem>>) target_semaphore(%arg13 : memref<!tpu.dma_semaphore, #tpu.memory_space<semaphore_mem>>)
      %eq3A_397 = arith.constant 8 : i32
      %eq3A_398 = vector.broadcast %eq3A_397 : i32 to vector<16xi32>
      %eq3A_399 = arith.cmpi eq, %iota3A, %eq3A_398 : vector<16xi32>
      %jit3A_400 = arith.constant 0 : i32
      %broadcast_in_dim3A_401 = vector.broadcast %jit3A_400 : i32 to vector<16xi32>
      %select_n3A_402 = arith.select %eq3A_399, %get3A_44, %broadcast_in_dim3A_401 : vector<16xi1>, vector<16xi32>
      %reduce_sum3A_403 = arith.constant true
      %reduce_sum3A_404 = vector.broadcast %reduce_sum3A_403 : i1 to vector<16xi1>
      %reduce_sum3A_405 = tpu.scan <sum>, %select_n3A_402 masked %reduce_sum3A_404 : vector<16xi32>, vector<16xi1> -> vector<16xi32>
      %reduce_sum3A_406 = vector.extract %reduce_sum3A_405[15] : i32 from vector<16xi32>
      %eq3A_407 = arith.constant 8 : i32
      %eq3A_408 = vector.broadcast %eq3A_407 : i32 to vector<16xi32>
      %eq3A_409 = arith.cmpi eq, %iota3A, %eq3A_408 : vector<16xi32>
      %jit3A_410 = arith.constant 0 : i32
      %broadcast_in_dim3A_411 = vector.broadcast %jit3A_410 : i32 to vector<16xi32>
      %select_n3A_412 = arith.select %eq3A_409, %get3A_50, %broadcast_in_dim3A_411 : vector<16xi1>, vector<16xi32>
      %reduce_sum3A_413 = arith.constant true
      %reduce_sum3A_414 = vector.broadcast %reduce_sum3A_413 : i1 to vector<16xi1>
      %reduce_sum3A_415 = tpu.scan <sum>, %select_n3A_412 masked %reduce_sum3A_414 : vector<16xi32>, vector<16xi1> -> vector<16xi32>
      %reduce_sum3A_416 = vector.extract %reduce_sum3A_415[15] : i32 from vector<16xi32>
      %mul3A_417 = arith.constant 16 : i32
      %mul3A_418 = arith.muli %scan3A_38, %mul3A_417 : i32
      %add3A_419 = arith.constant 8 : i32
      %add3A_420 = arith.addi %mul3A_418, %add3A_419 : i32
      %dma_start3A_421 = arith.constant 0 : i32
      %dma_start3A_422 = tpu.memref_slice %arg10[%add3A_420, %dma_start3A_421] : memref<256x64xf32, #tpu.memory_space<vmem>> -> memref<1x64xf32, #tpu.memory_space<vmem>>
      %dma_start3A_423 = arith.constant 0 : i32
      %dma_start3A_424 = tpu.memref_slice %arg4[%reduce_sum3A_406, %dma_start3A_423] : memref<1000000x64xf32, #tpu.memory_space<hbm>> -> memref<1x64xf32, #tpu.memory_space<hbm>>
      %dma_start3A_425 = arith.constant 0 : i32
      %dma_start3A_426 = tpu.memref_slice %arg10[%add3A_420, %dma_start3A_425] : memref<256x64xf32, #tpu.memory_space<vmem>> -> memref<1x64xf32, #tpu.memory_space<vmem>>
      %dma_start3A_427 = arith.constant 0 : i32
      %dma_start3A_428 = tpu.memref_slice %arg4[%reduce_sum3A_406, %dma_start3A_427] : memref<1000000x64xf32, #tpu.memory_space<hbm>> -> memref<1x64xf32, #tpu.memory_space<hbm>>
      tpu.enqueue_dma source(%dma_start3A_428 : memref<1x64xf32, #tpu.memory_space<hbm>>) target(%dma_start3A_426 : memref<1x64xf32, #tpu.memory_space<vmem>>) target_semaphore(%arg12 : memref<!tpu.dma_semaphore, #tpu.memory_space<semaphore_mem>>)
      %mul3A_429 = arith.constant 16 : i32
      %mul3A_430 = arith.muli %scan3A_38, %mul3A_429 : i32
      %add3A_431 = arith.constant 8 : i32
      %add3A_432 = arith.addi %mul3A_430, %add3A_431 : i32
      %dma_start3A_433 = arith.constant 0 : i32
      %dma_start3A_434 = tpu.memref_slice %arg11[%add3A_432, %dma_start3A_433] : memref<256x64xf32, #tpu.memory_space<vmem>> -> memref<1x64xf32, #tpu.memory_space<vmem>>
      %dma_start3A_435 = arith.constant 0 : i32
      %dma_start3A_436 = tpu.memref_slice %arg5[%reduce_sum3A_416, %dma_start3A_435] : memref<1000000x64xf32, #tpu.memory_space<hbm>> -> memref<1x64xf32, #tpu.memory_space<hbm>>
      %dma_start3A_437 = arith.constant 0 : i32
      %dma_start3A_438 = tpu.memref_slice %arg11[%add3A_432, %dma_start3A_437] : memref<256x64xf32, #tpu.memory_space<vmem>> -> memref<1x64xf32, #tpu.memory_space<vmem>>
      %dma_start3A_439 = arith.constant 0 : i32
      %dma_start3A_440 = tpu.memref_slice %arg5[%reduce_sum3A_416, %dma_start3A_439] : memref<1000000x64xf32, #tpu.memory_space<hbm>> -> memref<1x64xf32, #tpu.memory_space<hbm>>
      tpu.enqueue_dma source(%dma_start3A_440 : memref<1x64xf32, #tpu.memory_space<hbm>>) target(%dma_start3A_438 : memref<1x64xf32, #tpu.memory_space<vmem>>) target_semaphore(%arg13 : memref<!tpu.dma_semaphore, #tpu.memory_space<semaphore_mem>>)
      %eq3A_441 = arith.constant 9 : i32
      %eq3A_442 = vector.broadcast %eq3A_441 : i32 to vector<16xi32>
      %eq3A_443 = arith.cmpi eq, %iota3A, %eq3A_442 : vector<16xi32>
      %jit3A_444 = arith.constant 0 : i32
      %broadcast_in_dim3A_445 = vector.broadcast %jit3A_444 : i32 to vector<16xi32>
      %select_n3A_446 = arith.select %eq3A_443, %get3A_44, %broadcast_in_dim3A_445 : vector<16xi1>, vector<16xi32>
      %reduce_sum3A_447 = arith.constant true
      %reduce_sum3A_448 = vector.broadcast %reduce_sum3A_447 : i1 to vector<16xi1>
      %reduce_sum3A_449 = tpu.scan <sum>, %select_n3A_446 masked %reduce_sum3A_448 : vector<16xi32>, vector<16xi1> -> vector<16xi32>
      %reduce_sum3A_450 = vector.extract %reduce_sum3A_449[15] : i32 from vector<16xi32>
      %eq3A_451 = arith.constant 9 : i32
      %eq3A_452 = vector.broadcast %eq3A_451 : i32 to vector<16xi32>
      %eq3A_453 = arith.cmpi eq, %iota3A, %eq3A_452 : vector<16xi32>
      %jit3A_454 = arith.constant 0 : i32
      %broadcast_in_dim3A_455 = vector.broadcast %jit3A_454 : i32 to vector<16xi32>
      %select_n3A_456 = arith.select %eq3A_453, %get3A_50, %broadcast_in_dim3A_455 : vector<16xi1>, vector<16xi32>
      %reduce_sum3A_457 = arith.constant true
      %reduce_sum3A_458 = vector.broadcast %reduce_sum3A_457 : i1 to vector<16xi1>
      %reduce_sum3A_459 = tpu.scan <sum>, %select_n3A_456 masked %reduce_sum3A_458 : vector<16xi32>, vector<16xi1> -> vector<16xi32>
      %reduce_sum3A_460 = vector.extract %reduce_sum3A_459[15] : i32 from vector<16xi32>
      %mul3A_461 = arith.constant 16 : i32
      %mul3A_462 = arith.muli %scan3A_38, %mul3A_461 : i32
      %add3A_463 = arith.constant 9 : i32
      %add3A_464 = arith.addi %mul3A_462, %add3A_463 : i32
      %dma_start3A_465 = arith.constant 0 : i32
      %dma_start3A_466 = tpu.memref_slice %arg10[%add3A_464, %dma_start3A_465] : memref<256x64xf32, #tpu.memory_space<vmem>> -> memref<1x64xf32, #tpu.memory_space<vmem>>
      %dma_start3A_467 = arith.constant 0 : i32
      %dma_start3A_468 = tpu.memref_slice %arg4[%reduce_sum3A_450, %dma_start3A_467] : memref<1000000x64xf32, #tpu.memory_space<hbm>> -> memref<1x64xf32, #tpu.memory_space<hbm>>
      %dma_start3A_469 = arith.constant 0 : i32
      %dma_start3A_470 = tpu.memref_slice %arg10[%add3A_464, %dma_start3A_469] : memref<256x64xf32, #tpu.memory_space<vmem>> -> memref<1x64xf32, #tpu.memory_space<vmem>>
      %dma_start3A_471 = arith.constant 0 : i32
      %dma_start3A_472 = tpu.memref_slice %arg4[%reduce_sum3A_450, %dma_start3A_471] : memref<1000000x64xf32, #tpu.memory_space<hbm>> -> memref<1x64xf32, #tpu.memory_space<hbm>>
      tpu.enqueue_dma source(%dma_start3A_472 : memref<1x64xf32, #tpu.memory_space<hbm>>) target(%dma_start3A_470 : memref<1x64xf32, #tpu.memory_space<vmem>>) target_semaphore(%arg12 : memref<!tpu.dma_semaphore, #tpu.memory_space<semaphore_mem>>)
      %mul3A_473 = arith.constant 16 : i32
      %mul3A_474 = arith.muli %scan3A_38, %mul3A_473 : i32
      %add3A_475 = arith.constant 9 : i32
      %add3A_476 = arith.addi %mul3A_474, %add3A_475 : i32
      %dma_start3A_477 = arith.constant 0 : i32
      %dma_start3A_478 = tpu.memref_slice %arg11[%add3A_476, %dma_start3A_477] : memref<256x64xf32, #tpu.memory_space<vmem>> -> memref<1x64xf32, #tpu.memory_space<vmem>>
      %dma_start3A_479 = arith.constant 0 : i32
      %dma_start3A_480 = tpu.memref_slice %arg5[%reduce_sum3A_460, %dma_start3A_479] : memref<1000000x64xf32, #tpu.memory_space<hbm>> -> memref<1x64xf32, #tpu.memory_space<hbm>>
      %dma_start3A_481 = arith.constant 0 : i32
      %dma_start3A_482 = tpu.memref_slice %arg11[%add3A_476, %dma_start3A_481] : memref<256x64xf32, #tpu.memory_space<vmem>> -> memref<1x64xf32, #tpu.memory_space<vmem>>
      %dma_start3A_483 = arith.constant 0 : i32
      %dma_start3A_484 = tpu.memref_slice %arg5[%reduce_sum3A_460, %dma_start3A_483] : memref<1000000x64xf32, #tpu.memory_space<hbm>> -> memref<1x64xf32, #tpu.memory_space<hbm>>
      tpu.enqueue_dma source(%dma_start3A_484 : memref<1x64xf32, #tpu.memory_space<hbm>>) target(%dma_start3A_482 : memref<1x64xf32, #tpu.memory_space<vmem>>) target_semaphore(%arg13 : memref<!tpu.dma_semaphore, #tpu.memory_space<semaphore_mem>>)
      %eq3A_485 = arith.constant 10 : i32
      %eq3A_486 = vector.broadcast %eq3A_485 : i32 to vector<16xi32>
      %eq3A_487 = arith.cmpi eq, %iota3A, %eq3A_486 : vector<16xi32>
      %jit3A_488 = arith.constant 0 : i32
      %broadcast_in_dim3A_489 = vector.broadcast %jit3A_488 : i32 to vector<16xi32>
      %select_n3A_490 = arith.select %eq3A_487, %get3A_44, %broadcast_in_dim3A_489 : vector<16xi1>, vector<16xi32>
      %reduce_sum3A_491 = arith.constant true
      %reduce_sum3A_492 = vector.broadcast %reduce_sum3A_491 : i1 to vector<16xi1>
      %reduce_sum3A_493 = tpu.scan <sum>, %select_n3A_490 masked %reduce_sum3A_492 : vector<16xi32>, vector<16xi1> -> vector<16xi32>
      %reduce_sum3A_494 = vector.extract %reduce_sum3A_493[15] : i32 from vector<16xi32>
      %eq3A_495 = arith.constant 10 : i32
      %eq3A_496 = vector.broadcast %eq3A_495 : i32 to vector<16xi32>
      %eq3A_497 = arith.cmpi eq, %iota3A, %eq3A_496 : vector<16xi32>
      %jit3A_498 = arith.constant 0 : i32
      %broadcast_in_dim3A_499 = vector.broadcast %jit3A_498 : i32 to vector<16xi32>
      %select_n3A_500 = arith.select %eq3A_497, %get3A_50, %broadcast_in_dim3A_499 : vector<16xi1>, vector<16xi32>
      %reduce_sum3A_501 = arith.constant true
      %reduce_sum3A_502 = vector.broadcast %reduce_sum3A_501 : i1 to vector<16xi1>
      %reduce_sum3A_503 = tpu.scan <sum>, %select_n3A_500 masked %reduce_sum3A_502 : vector<16xi32>, vector<16xi1> -> vector<16xi32>
      %reduce_sum3A_504 = vector.extract %reduce_sum3A_503[15] : i32 from vector<16xi32>
      %mul3A_505 = arith.constant 16 : i32
      %mul3A_506 = arith.muli %scan3A_38, %mul3A_505 : i32
      %add3A_507 = arith.constant 10 : i32
      %add3A_508 = arith.addi %mul3A_506, %add3A_507 : i32
      %dma_start3A_509 = arith.constant 0 : i32
      %dma_start3A_510 = tpu.memref_slice %arg10[%add3A_508, %dma_start3A_509] : memref<256x64xf32, #tpu.memory_space<vmem>> -> memref<1x64xf32, #tpu.memory_space<vmem>>
      %dma_start3A_511 = arith.constant 0 : i32
      %dma_start3A_512 = tpu.memref_slice %arg4[%reduce_sum3A_494, %dma_start3A_511] : memref<1000000x64xf32, #tpu.memory_space<hbm>> -> memref<1x64xf32, #tpu.memory_space<hbm>>
      %dma_start3A_513 = arith.constant 0 : i32
      %dma_start3A_514 = tpu.memref_slice %arg10[%add3A_508, %dma_start3A_513] : memref<256x64xf32, #tpu.memory_space<vmem>> -> memref<1x64xf32, #tpu.memory_space<vmem>>
      %dma_start3A_515 = arith.constant 0 : i32
      %dma_start3A_516 = tpu.memref_slice %arg4[%reduce_sum3A_494, %dma_start3A_515] : memref<1000000x64xf32, #tpu.memory_space<hbm>> -> memref<1x64xf32, #tpu.memory_space<hbm>>
      tpu.enqueue_dma source(%dma_start3A_516 : memref<1x64xf32, #tpu.memory_space<hbm>>) target(%dma_start3A_514 : memref<1x64xf32, #tpu.memory_space<vmem>>) target_semaphore(%arg12 : memref<!tpu.dma_semaphore, #tpu.memory_space<semaphore_mem>>)
      %mul3A_517 = arith.constant 16 : i32
      %mul3A_518 = arith.muli %scan3A_38, %mul3A_517 : i32
      %add3A_519 = arith.constant 10 : i32
      %add3A_520 = arith.addi %mul3A_518, %add3A_519 : i32
      %dma_start3A_521 = arith.constant 0 : i32
      %dma_start3A_522 = tpu.memref_slice %arg11[%add3A_520, %dma_start3A_521] : memref<256x64xf32, #tpu.memory_space<vmem>> -> memref<1x64xf32, #tpu.memory_space<vmem>>
      %dma_start3A_523 = arith.constant 0 : i32
      %dma_start3A_524 = tpu.memref_slice %arg5[%reduce_sum3A_504, %dma_start3A_523] : memref<1000000x64xf32, #tpu.memory_space<hbm>> -> memref<1x64xf32, #tpu.memory_space<hbm>>
      %dma_start3A_525 = arith.constant 0 : i32
      %dma_start3A_526 = tpu.memref_slice %arg11[%add3A_520, %dma_start3A_525] : memref<256x64xf32, #tpu.memory_space<vmem>> -> memref<1x64xf32, #tpu.memory_space<vmem>>
      %dma_start3A_527 = arith.constant 0 : i32
      %dma_start3A_528 = tpu.memref_slice %arg5[%reduce_sum3A_504, %dma_start3A_527] : memref<1000000x64xf32, #tpu.memory_space<hbm>> -> memref<1x64xf32, #tpu.memory_space<hbm>>
      tpu.enqueue_dma source(%dma_start3A_528 : memref<1x64xf32, #tpu.memory_space<hbm>>) target(%dma_start3A_526 : memref<1x64xf32, #tpu.memory_space<vmem>>) target_semaphore(%arg13 : memref<!tpu.dma_semaphore, #tpu.memory_space<semaphore_mem>>)
      %eq3A_529 = arith.constant 11 : i32
      %eq3A_530 = vector.broadcast %eq3A_529 : i32 to vector<16xi32>
      %eq3A_531 = arith.cmpi eq, %iota3A, %eq3A_530 : vector<16xi32>
      %jit3A_532 = arith.constant 0 : i32
      %broadcast_in_dim3A_533 = vector.broadcast %jit3A_532 : i32 to vector<16xi32>
      %select_n3A_534 = arith.select %eq3A_531, %get3A_44, %broadcast_in_dim3A_533 : vector<16xi1>, vector<16xi32>
      %reduce_sum3A_535 = arith.constant true
      %reduce_sum3A_536 = vector.broadcast %reduce_sum3A_535 : i1 to vector<16xi1>
      %reduce_sum3A_537 = tpu.scan <sum>, %select_n3A_534 masked %reduce_sum3A_536 : vector<16xi32>, vector<16xi1> -> vector<16xi32>
      %reduce_sum3A_538 = vector.extract %reduce_sum3A_537[15] : i32 from vector<16xi32>
      %eq3A_539 = arith.constant 11 : i32
      %eq3A_540 = vector.broadcast %eq3A_539 : i32 to vector<16xi32>
      %eq3A_541 = arith.cmpi eq, %iota3A, %eq3A_540 : vector<16xi32>
      %jit3A_542 = arith.constant 0 : i32
      %broadcast_in_dim3A_543 = vector.broadcast %jit3A_542 : i32 to vector<16xi32>
      %select_n3A_544 = arith.select %eq3A_541, %get3A_50, %broadcast_in_dim3A_543 : vector<16xi1>, vector<16xi32>
      %reduce_sum3A_545 = arith.constant true
      %reduce_sum3A_546 = vector.broadcast %reduce_sum3A_545 : i1 to vector<16xi1>
      %reduce_sum3A_547 = tpu.scan <sum>, %select_n3A_544 masked %reduce_sum3A_546 : vector<16xi32>, vector<16xi1> -> vector<16xi32>
      %reduce_sum3A_548 = vector.extract %reduce_sum3A_547[15] : i32 from vector<16xi32>
      %mul3A_549 = arith.constant 16 : i32
      %mul3A_550 = arith.muli %scan3A_38, %mul3A_549 : i32
      %add3A_551 = arith.constant 11 : i32
      %add3A_552 = arith.addi %mul3A_550, %add3A_551 : i32
      %dma_start3A_553 = arith.constant 0 : i32
      %dma_start3A_554 = tpu.memref_slice %arg10[%add3A_552, %dma_start3A_553] : memref<256x64xf32, #tpu.memory_space<vmem>> -> memref<1x64xf32, #tpu.memory_space<vmem>>
      %dma_start3A_555 = arith.constant 0 : i32
      %dma_start3A_556 = tpu.memref_slice %arg4[%reduce_sum3A_538, %dma_start3A_555] : memref<1000000x64xf32, #tpu.memory_space<hbm>> -> memref<1x64xf32, #tpu.memory_space<hbm>>
      %dma_start3A_557 = arith.constant 0 : i32
      %dma_start3A_558 = tpu.memref_slice %arg10[%add3A_552, %dma_start3A_557] : memref<256x64xf32, #tpu.memory_space<vmem>> -> memref<1x64xf32, #tpu.memory_space<vmem>>
      %dma_start3A_559 = arith.constant 0 : i32
      %dma_start3A_560 = tpu.memref_slice %arg4[%reduce_sum3A_538, %dma_start3A_559] : memref<1000000x64xf32, #tpu.memory_space<hbm>> -> memref<1x64xf32, #tpu.memory_space<hbm>>
      tpu.enqueue_dma source(%dma_start3A_560 : memref<1x64xf32, #tpu.memory_space<hbm>>) target(%dma_start3A_558 : memref<1x64xf32, #tpu.memory_space<vmem>>) target_semaphore(%arg12 : memref<!tpu.dma_semaphore, #tpu.memory_space<semaphore_mem>>)
      %mul3A_561 = arith.constant 16 : i32
      %mul3A_562 = arith.muli %scan3A_38, %mul3A_561 : i32
      %add3A_563 = arith.constant 11 : i32
      %add3A_564 = arith.addi %mul3A_562, %add3A_563 : i32
      %dma_start3A_565 = arith.constant 0 : i32
      %dma_start3A_566 = tpu.memref_slice %arg11[%add3A_564, %dma_start3A_565] : memref<256x64xf32, #tpu.memory_space<vmem>> -> memref<1x64xf32, #tpu.memory_space<vmem>>
      %dma_start3A_567 = arith.constant 0 : i32
      %dma_start3A_568 = tpu.memref_slice %arg5[%reduce_sum3A_548, %dma_start3A_567] : memref<1000000x64xf32, #tpu.memory_space<hbm>> -> memref<1x64xf32, #tpu.memory_space<hbm>>
      %dma_start3A_569 = arith.constant 0 : i32
      %dma_start3A_570 = tpu.memref_slice %arg11[%add3A_564, %dma_start3A_569] : memref<256x64xf32, #tpu.memory_space<vmem>> -> memref<1x64xf32, #tpu.memory_space<vmem>>
      %dma_start3A_571 = arith.constant 0 : i32
      %dma_start3A_572 = tpu.memref_slice %arg5[%reduce_sum3A_548, %dma_start3A_571] : memref<1000000x64xf32, #tpu.memory_space<hbm>> -> memref<1x64xf32, #tpu.memory_space<hbm>>
      tpu.enqueue_dma source(%dma_start3A_572 : memref<1x64xf32, #tpu.memory_space<hbm>>) target(%dma_start3A_570 : memref<1x64xf32, #tpu.memory_space<vmem>>) target_semaphore(%arg13 : memref<!tpu.dma_semaphore, #tpu.memory_space<semaphore_mem>>)
      %eq3A_573 = arith.constant 12 : i32
      %eq3A_574 = vector.broadcast %eq3A_573 : i32 to vector<16xi32>
      %eq3A_575 = arith.cmpi eq, %iota3A, %eq3A_574 : vector<16xi32>
      %jit3A_576 = arith.constant 0 : i32
      %broadcast_in_dim3A_577 = vector.broadcast %jit3A_576 : i32 to vector<16xi32>
      %select_n3A_578 = arith.select %eq3A_575, %get3A_44, %broadcast_in_dim3A_577 : vector<16xi1>, vector<16xi32>
      %reduce_sum3A_579 = arith.constant true
      %reduce_sum3A_580 = vector.broadcast %reduce_sum3A_579 : i1 to vector<16xi1>
      %reduce_sum3A_581 = tpu.scan <sum>, %select_n3A_578 masked %reduce_sum3A_580 : vector<16xi32>, vector<16xi1> -> vector<16xi32>
      %reduce_sum3A_582 = vector.extract %reduce_sum3A_581[15] : i32 from vector<16xi32>
      %eq3A_583 = arith.constant 12 : i32
      %eq3A_584 = vector.broadcast %eq3A_583 : i32 to vector<16xi32>
      %eq3A_585 = arith.cmpi eq, %iota3A, %eq3A_584 : vector<16xi32>
      %jit3A_586 = arith.constant 0 : i32
      %broadcast_in_dim3A_587 = vector.broadcast %jit3A_586 : i32 to vector<16xi32>
      %select_n3A_588 = arith.select %eq3A_585, %get3A_50, %broadcast_in_dim3A_587 : vector<16xi1>, vector<16xi32>
      %reduce_sum3A_589 = arith.constant true
      %reduce_sum3A_590 = vector.broadcast %reduce_sum3A_589 : i1 to vector<16xi1>
      %reduce_sum3A_591 = tpu.scan <sum>, %select_n3A_588 masked %reduce_sum3A_590 : vector<16xi32>, vector<16xi1> -> vector<16xi32>
      %reduce_sum3A_592 = vector.extract %reduce_sum3A_591[15] : i32 from vector<16xi32>
      %mul3A_593 = arith.constant 16 : i32
      %mul3A_594 = arith.muli %scan3A_38, %mul3A_593 : i32
      %add3A_595 = arith.constant 12 : i32
      %add3A_596 = arith.addi %mul3A_594, %add3A_595 : i32
      %dma_start3A_597 = arith.constant 0 : i32
      %dma_start3A_598 = tpu.memref_slice %arg10[%add3A_596, %dma_start3A_597] : memref<256x64xf32, #tpu.memory_space<vmem>> -> memref<1x64xf32, #tpu.memory_space<vmem>>
      %dma_start3A_599 = arith.constant 0 : i32
      %dma_start3A_600 = tpu.memref_slice %arg4[%reduce_sum3A_582, %dma_start3A_599] : memref<1000000x64xf32, #tpu.memory_space<hbm>> -> memref<1x64xf32, #tpu.memory_space<hbm>>
      %dma_start3A_601 = arith.constant 0 : i32
      %dma_start3A_602 = tpu.memref_slice %arg10[%add3A_596, %dma_start3A_601] : memref<256x64xf32, #tpu.memory_space<vmem>> -> memref<1x64xf32, #tpu.memory_space<vmem>>
      %dma_start3A_603 = arith.constant 0 : i32
      %dma_start3A_604 = tpu.memref_slice %arg4[%reduce_sum3A_582, %dma_start3A_603] : memref<1000000x64xf32, #tpu.memory_space<hbm>> -> memref<1x64xf32, #tpu.memory_space<hbm>>
      tpu.enqueue_dma source(%dma_start3A_604 : memref<1x64xf32, #tpu.memory_space<hbm>>) target(%dma_start3A_602 : memref<1x64xf32, #tpu.memory_space<vmem>>) target_semaphore(%arg12 : memref<!tpu.dma_semaphore, #tpu.memory_space<semaphore_mem>>)
      %mul3A_605 = arith.constant 16 : i32
      %mul3A_606 = arith.muli %scan3A_38, %mul3A_605 : i32
      %add3A_607 = arith.constant 12 : i32
      %add3A_608 = arith.addi %mul3A_606, %add3A_607 : i32
      %dma_start3A_609 = arith.constant 0 : i32
      %dma_start3A_610 = tpu.memref_slice %arg11[%add3A_608, %dma_start3A_609] : memref<256x64xf32, #tpu.memory_space<vmem>> -> memref<1x64xf32, #tpu.memory_space<vmem>>
      %dma_start3A_611 = arith.constant 0 : i32
      %dma_start3A_612 = tpu.memref_slice %arg5[%reduce_sum3A_592, %dma_start3A_611] : memref<1000000x64xf32, #tpu.memory_space<hbm>> -> memref<1x64xf32, #tpu.memory_space<hbm>>
      %dma_start3A_613 = arith.constant 0 : i32
      %dma_start3A_614 = tpu.memref_slice %arg11[%add3A_608, %dma_start3A_613] : memref<256x64xf32, #tpu.memory_space<vmem>> -> memref<1x64xf32, #tpu.memory_space<vmem>>
      %dma_start3A_615 = arith.constant 0 : i32
      %dma_start3A_616 = tpu.memref_slice %arg5[%reduce_sum3A_592, %dma_start3A_615] : memref<1000000x64xf32, #tpu.memory_space<hbm>> -> memref<1x64xf32, #tpu.memory_space<hbm>>
      tpu.enqueue_dma source(%dma_start3A_616 : memref<1x64xf32, #tpu.memory_space<hbm>>) target(%dma_start3A_614 : memref<1x64xf32, #tpu.memory_space<vmem>>) target_semaphore(%arg13 : memref<!tpu.dma_semaphore, #tpu.memory_space<semaphore_mem>>)
      %eq3A_617 = arith.constant 13 : i32
      %eq3A_618 = vector.broadcast %eq3A_617 : i32 to vector<16xi32>
      %eq3A_619 = arith.cmpi eq, %iota3A, %eq3A_618 : vector<16xi32>
      %jit3A_620 = arith.constant 0 : i32
      %broadcast_in_dim3A_621 = vector.broadcast %jit3A_620 : i32 to vector<16xi32>
      %select_n3A_622 = arith.select %eq3A_619, %get3A_44, %broadcast_in_dim3A_621 : vector<16xi1>, vector<16xi32>
      %reduce_sum3A_623 = arith.constant true
      %reduce_sum3A_624 = vector.broadcast %reduce_sum3A_623 : i1 to vector<16xi1>
      %reduce_sum3A_625 = tpu.scan <sum>, %select_n3A_622 masked %reduce_sum3A_624 : vector<16xi32>, vector<16xi1> -> vector<16xi32>
      %reduce_sum3A_626 = vector.extract %reduce_sum3A_625[15] : i32 from vector<16xi32>
      %eq3A_627 = arith.constant 13 : i32
      %eq3A_628 = vector.broadcast %eq3A_627 : i32 to vector<16xi32>
      %eq3A_629 = arith.cmpi eq, %iota3A, %eq3A_628 : vector<16xi32>
      %jit3A_630 = arith.constant 0 : i32
      %broadcast_in_dim3A_631 = vector.broadcast %jit3A_630 : i32 to vector<16xi32>
      %select_n3A_632 = arith.select %eq3A_629, %get3A_50, %broadcast_in_dim3A_631 : vector<16xi1>, vector<16xi32>
      %reduce_sum3A_633 = arith.constant true
      %reduce_sum3A_634 = vector.broadcast %reduce_sum3A_633 : i1 to vector<16xi1>
      %reduce_sum3A_635 = tpu.scan <sum>, %select_n3A_632 masked %reduce_sum3A_634 : vector<16xi32>, vector<16xi1> -> vector<16xi32>
      %reduce_sum3A_636 = vector.extract %reduce_sum3A_635[15] : i32 from vector<16xi32>
      %mul3A_637 = arith.constant 16 : i32
      %mul3A_638 = arith.muli %scan3A_38, %mul3A_637 : i32
      %add3A_639 = arith.constant 13 : i32
      %add3A_640 = arith.addi %mul3A_638, %add3A_639 : i32
      %dma_start3A_641 = arith.constant 0 : i32
      %dma_start3A_642 = tpu.memref_slice %arg10[%add3A_640, %dma_start3A_641] : memref<256x64xf32, #tpu.memory_space<vmem>> -> memref<1x64xf32, #tpu.memory_space<vmem>>
      %dma_start3A_643 = arith.constant 0 : i32
      %dma_start3A_644 = tpu.memref_slice %arg4[%reduce_sum3A_626, %dma_start3A_643] : memref<1000000x64xf32, #tpu.memory_space<hbm>> -> memref<1x64xf32, #tpu.memory_space<hbm>>
      %dma_start3A_645 = arith.constant 0 : i32
      %dma_start3A_646 = tpu.memref_slice %arg10[%add3A_640, %dma_start3A_645] : memref<256x64xf32, #tpu.memory_space<vmem>> -> memref<1x64xf32, #tpu.memory_space<vmem>>
      %dma_start3A_647 = arith.constant 0 : i32
      %dma_start3A_648 = tpu.memref_slice %arg4[%reduce_sum3A_626, %dma_start3A_647] : memref<1000000x64xf32, #tpu.memory_space<hbm>> -> memref<1x64xf32, #tpu.memory_space<hbm>>
      tpu.enqueue_dma source(%dma_start3A_648 : memref<1x64xf32, #tpu.memory_space<hbm>>) target(%dma_start3A_646 : memref<1x64xf32, #tpu.memory_space<vmem>>) target_semaphore(%arg12 : memref<!tpu.dma_semaphore, #tpu.memory_space<semaphore_mem>>)
      %mul3A_649 = arith.constant 16 : i32
      %mul3A_650 = arith.muli %scan3A_38, %mul3A_649 : i32
      %add3A_651 = arith.constant 13 : i32
      %add3A_652 = arith.addi %mul3A_650, %add3A_651 : i32
      %dma_start3A_653 = arith.constant 0 : i32
      %dma_start3A_654 = tpu.memref_slice %arg11[%add3A_652, %dma_start3A_653] : memref<256x64xf32, #tpu.memory_space<vmem>> -> memref<1x64xf32, #tpu.memory_space<vmem>>
      %dma_start3A_655 = arith.constant 0 : i32
      %dma_start3A_656 = tpu.memref_slice %arg5[%reduce_sum3A_636, %dma_start3A_655] : memref<1000000x64xf32, #tpu.memory_space<hbm>> -> memref<1x64xf32, #tpu.memory_space<hbm>>
      %dma_start3A_657 = arith.constant 0 : i32
      %dma_start3A_658 = tpu.memref_slice %arg11[%add3A_652, %dma_start3A_657] : memref<256x64xf32, #tpu.memory_space<vmem>> -> memref<1x64xf32, #tpu.memory_space<vmem>>
      %dma_start3A_659 = arith.constant 0 : i32
      %dma_start3A_660 = tpu.memref_slice %arg5[%reduce_sum3A_636, %dma_start3A_659] : memref<1000000x64xf32, #tpu.memory_space<hbm>> -> memref<1x64xf32, #tpu.memory_space<hbm>>
      tpu.enqueue_dma source(%dma_start3A_660 : memref<1x64xf32, #tpu.memory_space<hbm>>) target(%dma_start3A_658 : memref<1x64xf32, #tpu.memory_space<vmem>>) target_semaphore(%arg13 : memref<!tpu.dma_semaphore, #tpu.memory_space<semaphore_mem>>)
      %eq3A_661 = arith.constant 14 : i32
      %eq3A_662 = vector.broadcast %eq3A_661 : i32 to vector<16xi32>
      %eq3A_663 = arith.cmpi eq, %iota3A, %eq3A_662 : vector<16xi32>
      %jit3A_664 = arith.constant 0 : i32
      %broadcast_in_dim3A_665 = vector.broadcast %jit3A_664 : i32 to vector<16xi32>
      %select_n3A_666 = arith.select %eq3A_663, %get3A_44, %broadcast_in_dim3A_665 : vector<16xi1>, vector<16xi32>
      %reduce_sum3A_667 = arith.constant true
      %reduce_sum3A_668 = vector.broadcast %reduce_sum3A_667 : i1 to vector<16xi1>
      %reduce_sum3A_669 = tpu.scan <sum>, %select_n3A_666 masked %reduce_sum3A_668 : vector<16xi32>, vector<16xi1> -> vector<16xi32>
      %reduce_sum3A_670 = vector.extract %reduce_sum3A_669[15] : i32 from vector<16xi32>
      %eq3A_671 = arith.constant 14 : i32
      %eq3A_672 = vector.broadcast %eq3A_671 : i32 to vector<16xi32>
      %eq3A_673 = arith.cmpi eq, %iota3A, %eq3A_672 : vector<16xi32>
      %jit3A_674 = arith.constant 0 : i32
      %broadcast_in_dim3A_675 = vector.broadcast %jit3A_674 : i32 to vector<16xi32>
      %select_n3A_676 = arith.select %eq3A_673, %get3A_50, %broadcast_in_dim3A_675 : vector<16xi1>, vector<16xi32>
      %reduce_sum3A_677 = arith.constant true
      %reduce_sum3A_678 = vector.broadcast %reduce_sum3A_677 : i1 to vector<16xi1>
      %reduce_sum3A_679 = tpu.scan <sum>, %select_n3A_676 masked %reduce_sum3A_678 : vector<16xi32>, vector<16xi1> -> vector<16xi32>
      %reduce_sum3A_680 = vector.extract %reduce_sum3A_679[15] : i32 from vector<16xi32>
      %mul3A_681 = arith.constant 16 : i32
      %mul3A_682 = arith.muli %scan3A_38, %mul3A_681 : i32
      %add3A_683 = arith.constant 14 : i32
      %add3A_684 = arith.addi %mul3A_682, %add3A_683 : i32
      %dma_start3A_685 = arith.constant 0 : i32
      %dma_start3A_686 = tpu.memref_slice %arg10[%add3A_684, %dma_start3A_685] : memref<256x64xf32, #tpu.memory_space<vmem>> -> memref<1x64xf32, #tpu.memory_space<vmem>>
      %dma_start3A_687 = arith.constant 0 : i32
      %dma_start3A_688 = tpu.memref_slice %arg4[%reduce_sum3A_670, %dma_start3A_687] : memref<1000000x64xf32, #tpu.memory_space<hbm>> -> memref<1x64xf32, #tpu.memory_space<hbm>>
      %dma_start3A_689 = arith.constant 0 : i32
      %dma_start3A_690 = tpu.memref_slice %arg10[%add3A_684, %dma_start3A_689] : memref<256x64xf32, #tpu.memory_space<vmem>> -> memref<1x64xf32, #tpu.memory_space<vmem>>
      %dma_start3A_691 = arith.constant 0 : i32
      %dma_start3A_692 = tpu.memref_slice %arg4[%reduce_sum3A_670, %dma_start3A_691] : memref<1000000x64xf32, #tpu.memory_space<hbm>> -> memref<1x64xf32, #tpu.memory_space<hbm>>
      tpu.enqueue_dma source(%dma_start3A_692 : memref<1x64xf32, #tpu.memory_space<hbm>>) target(%dma_start3A_690 : memref<1x64xf32, #tpu.memory_space<vmem>>) target_semaphore(%arg12 : memref<!tpu.dma_semaphore, #tpu.memory_space<semaphore_mem>>)
      %mul3A_693 = arith.constant 16 : i32
      %mul3A_694 = arith.muli %scan3A_38, %mul3A_693 : i32
      %add3A_695 = arith.constant 14 : i32
      %add3A_696 = arith.addi %mul3A_694, %add3A_695 : i32
      %dma_start3A_697 = arith.constant 0 : i32
      %dma_start3A_698 = tpu.memref_slice %arg11[%add3A_696, %dma_start3A_697] : memref<256x64xf32, #tpu.memory_space<vmem>> -> memref<1x64xf32, #tpu.memory_space<vmem>>
      %dma_start3A_699 = arith.constant 0 : i32
      %dma_start3A_700 = tpu.memref_slice %arg5[%reduce_sum3A_680, %dma_start3A_699] : memref<1000000x64xf32, #tpu.memory_space<hbm>> -> memref<1x64xf32, #tpu.memory_space<hbm>>
      %dma_start3A_701 = arith.constant 0 : i32
      %dma_start3A_702 = tpu.memref_slice %arg11[%add3A_696, %dma_start3A_701] : memref<256x64xf32, #tpu.memory_space<vmem>> -> memref<1x64xf32, #tpu.memory_space<vmem>>
      %dma_start3A_703 = arith.constant 0 : i32
      %dma_start3A_704 = tpu.memref_slice %arg5[%reduce_sum3A_680, %dma_start3A_703] : memref<1000000x64xf32, #tpu.memory_space<hbm>> -> memref<1x64xf32, #tpu.memory_space<hbm>>
      tpu.enqueue_dma source(%dma_start3A_704 : memref<1x64xf32, #tpu.memory_space<hbm>>) target(%dma_start3A_702 : memref<1x64xf32, #tpu.memory_space<vmem>>) target_semaphore(%arg13 : memref<!tpu.dma_semaphore, #tpu.memory_space<semaphore_mem>>)
      %eq3A_705 = arith.constant 15 : i32
      %eq3A_706 = vector.broadcast %eq3A_705 : i32 to vector<16xi32>
      %eq3A_707 = arith.cmpi eq, %iota3A, %eq3A_706 : vector<16xi32>
      %jit3A_708 = arith.constant 0 : i32
      %broadcast_in_dim3A_709 = vector.broadcast %jit3A_708 : i32 to vector<16xi32>
      %select_n3A_710 = arith.select %eq3A_707, %get3A_44, %broadcast_in_dim3A_709 : vector<16xi1>, vector<16xi32>
      %reduce_sum3A_711 = arith.constant true
      %reduce_sum3A_712 = vector.broadcast %reduce_sum3A_711 : i1 to vector<16xi1>
      %reduce_sum3A_713 = tpu.scan <sum>, %select_n3A_710 masked %reduce_sum3A_712 : vector<16xi32>, vector<16xi1> -> vector<16xi32>
      %reduce_sum3A_714 = vector.extract %reduce_sum3A_713[15] : i32 from vector<16xi32>
      %eq3A_715 = arith.constant 15 : i32
      %eq3A_716 = vector.broadcast %eq3A_715 : i32 to vector<16xi32>
      %eq3A_717 = arith.cmpi eq, %iota3A, %eq3A_716 : vector<16xi32>
      %jit3A_718 = arith.constant 0 : i32
      %broadcast_in_dim3A_719 = vector.broadcast %jit3A_718 : i32 to vector<16xi32>
      %select_n3A_720 = arith.select %eq3A_717, %get3A_50, %broadcast_in_dim3A_719 : vector<16xi1>, vector<16xi32>
      %reduce_sum3A_721 = arith.constant true
      %reduce_sum3A_722 = vector.broadcast %reduce_sum3A_721 : i1 to vector<16xi1>
      %reduce_sum3A_723 = tpu.scan <sum>, %select_n3A_720 masked %reduce_sum3A_722 : vector<16xi32>, vector<16xi1> -> vector<16xi32>
      %reduce_sum3A_724 = vector.extract %reduce_sum3A_723[15] : i32 from vector<16xi32>
      %mul3A_725 = arith.constant 16 : i32
      %mul3A_726 = arith.muli %scan3A_38, %mul3A_725 : i32
      %add3A_727 = arith.constant 15 : i32
      %add3A_728 = arith.addi %mul3A_726, %add3A_727 : i32
      %dma_start3A_729 = arith.constant 0 : i32
      %dma_start3A_730 = tpu.memref_slice %arg10[%add3A_728, %dma_start3A_729] : memref<256x64xf32, #tpu.memory_space<vmem>> -> memref<1x64xf32, #tpu.memory_space<vmem>>
      %dma_start3A_731 = arith.constant 0 : i32
      %dma_start3A_732 = tpu.memref_slice %arg4[%reduce_sum3A_714, %dma_start3A_731] : memref<1000000x64xf32, #tpu.memory_space<hbm>> -> memref<1x64xf32, #tpu.memory_space<hbm>>
      %dma_start3A_733 = arith.constant 0 : i32
      %dma_start3A_734 = tpu.memref_slice %arg10[%add3A_728, %dma_start3A_733] : memref<256x64xf32, #tpu.memory_space<vmem>> -> memref<1x64xf32, #tpu.memory_space<vmem>>
      %dma_start3A_735 = arith.constant 0 : i32
      %dma_start3A_736 = tpu.memref_slice %arg4[%reduce_sum3A_714, %dma_start3A_735] : memref<1000000x64xf32, #tpu.memory_space<hbm>> -> memref<1x64xf32, #tpu.memory_space<hbm>>
      tpu.enqueue_dma source(%dma_start3A_736 : memref<1x64xf32, #tpu.memory_space<hbm>>) target(%dma_start3A_734 : memref<1x64xf32, #tpu.memory_space<vmem>>) target_semaphore(%arg12 : memref<!tpu.dma_semaphore, #tpu.memory_space<semaphore_mem>>)
      %mul3A_737 = arith.constant 16 : i32
      %mul3A_738 = arith.muli %scan3A_38, %mul3A_737 : i32
      %add3A_739 = arith.constant 15 : i32
      %add3A_740 = arith.addi %mul3A_738, %add3A_739 : i32
      %dma_start3A_741 = arith.constant 0 : i32
      %dma_start3A_742 = tpu.memref_slice %arg11[%add3A_740, %dma_start3A_741] : memref<256x64xf32, #tpu.memory_space<vmem>> -> memref<1x64xf32, #tpu.memory_space<vmem>>
      %dma_start3A_743 = arith.constant 0 : i32
      %dma_start3A_744 = tpu.memref_slice %arg5[%reduce_sum3A_724, %dma_start3A_743] : memref<1000000x64xf32, #tpu.memory_space<hbm>> -> memref<1x64xf32, #tpu.memory_space<hbm>>
      %dma_start3A_745 = arith.constant 0 : i32
      %dma_start3A_746 = tpu.memref_slice %arg11[%add3A_740, %dma_start3A_745] : memref<256x64xf32, #tpu.memory_space<vmem>> -> memref<1x64xf32, #tpu.memory_space<vmem>>
      %dma_start3A_747 = arith.constant 0 : i32
      %dma_start3A_748 = tpu.memref_slice %arg5[%reduce_sum3A_724, %dma_start3A_747] : memref<1000000x64xf32, #tpu.memory_space<hbm>> -> memref<1x64xf32, #tpu.memory_space<hbm>>
      tpu.enqueue_dma source(%dma_start3A_748 : memref<1x64xf32, #tpu.memory_space<hbm>>) target(%dma_start3A_746 : memref<1x64xf32, #tpu.memory_space<vmem>>) target_semaphore(%arg13 : memref<!tpu.dma_semaphore, #tpu.memory_space<semaphore_mem>>)
      %scan3A_749 = arith.constant 0 : i32
      scf.yield %scan3A_749 : i32
    }
    %scan3A_26 = arith.constant 16 : i32
    %scan3A_27 = arith.constant 0 : i32
    %scan3A_28 = arith.constant 0 : i32
    %scan3A_29 = arith.constant 256 : i32
    %scan3A_30 = arith.addi %scan3A_28, %scan3A_29 : i32
    %scan3A_31 = arith.constant 1 : i32
    %scan3A_32 = scf.for %scan3A_38 = %scan3A_28 to %scan3A_30 step %scan3A_31 iter_args(%scan3A_39 = %scan3A_27) -> (i32)  : i32 {
      %dma_wait3A = arith.constant 0 : i32
      %dma_wait3A_40 = tpu.memref_slice %arg10[%scan3A_38, %dma_wait3A] : memref<256x64xf32, #tpu.memory_space<vmem>> -> memref<1x64xf32, #tpu.memory_space<vmem>>
      %dma_wait3A_41 = arith.constant 0 : i32
      %dma_wait3A_42 = arith.constant 0 : i32
      %dma_wait3A_43 = tpu.memref_slice %arg4[%dma_wait3A_41, %dma_wait3A_42] : memref<1000000x64xf32, #tpu.memory_space<hbm>> -> memref<1x64xf32, #tpu.memory_space<hbm>>
      %dma_wait3A_44 = arith.constant 0 : i32
      %dma_wait3A_45 = tpu.memref_slice %arg10[%scan3A_38, %dma_wait3A_44] : memref<256x64xf32, #tpu.memory_space<vmem>> -> memref<1x64xf32, #tpu.memory_space<vmem>>
      %dma_wait3A_46 = arith.constant 0 : i32
      %dma_wait3A_47 = arith.constant 0 : i32
      %dma_wait3A_48 = tpu.memref_slice %arg4[%dma_wait3A_46, %dma_wait3A_47] : memref<1000000x64xf32, #tpu.memory_space<hbm>> -> memref<1x64xf32, #tpu.memory_space<hbm>>
      tpu.wait_dma2 semaphore(%arg12 : memref<!tpu.dma_semaphore, #tpu.memory_space<semaphore_mem>>) src(%dma_wait3A_48 : memref<1x64xf32, #tpu.memory_space<hbm>>) dst(%dma_wait3A_45 : memref<1x64xf32, #tpu.memory_space<vmem>>)
      %dma_wait3A_49 = arith.constant 0 : i32
      %dma_wait3A_50 = tpu.memref_slice %arg11[%scan3A_38, %dma_wait3A_49] : memref<256x64xf32, #tpu.memory_space<vmem>> -> memref<1x64xf32, #tpu.memory_space<vmem>>
      %dma_wait3A_51 = arith.constant 0 : i32
      %dma_wait3A_52 = arith.constant 0 : i32
      %dma_wait3A_53 = tpu.memref_slice %arg5[%dma_wait3A_51, %dma_wait3A_52] : memref<1000000x64xf32, #tpu.memory_space<hbm>> -> memref<1x64xf32, #tpu.memory_space<hbm>>
      %dma_wait3A_54 = arith.constant 0 : i32
      %dma_wait3A_55 = tpu.memref_slice %arg11[%scan3A_38, %dma_wait3A_54] : memref<256x64xf32, #tpu.memory_space<vmem>> -> memref<1x64xf32, #tpu.memory_space<vmem>>
      %dma_wait3A_56 = arith.constant 0 : i32
      %dma_wait3A_57 = arith.constant 0 : i32
      %dma_wait3A_58 = tpu.memref_slice %arg5[%dma_wait3A_56, %dma_wait3A_57] : memref<1000000x64xf32, #tpu.memory_space<hbm>> -> memref<1x64xf32, #tpu.memory_space<hbm>>
      tpu.wait_dma2 semaphore(%arg13 : memref<!tpu.dma_semaphore, #tpu.memory_space<semaphore_mem>>) src(%dma_wait3A_58 : memref<1x64xf32, #tpu.memory_space<hbm>>) dst(%dma_wait3A_55 : memref<1x64xf32, #tpu.memory_space<vmem>>)
      %scan3A_59 = arith.constant 0 : i32
      scf.yield %scan3A_59 : i32
    }
    %scan3A_33 = arith.constant 256 : i32
    %add3A_34 = arith.constant 256 : i32
    %add3A_35 = arith.addi %mul3A_2, %add3A_34 : i32
    "tpu.region"() ({
      %run_scoped3A = tpu.sem_alloc : memref<!tpu.dma_semaphore, #tpu.memory_space<semaphore_mem>>
      %dma_start3A = arith.constant 0 : i32
      %dma_start3A_38 = tpu.memref_slice %arg6[%add3A_35, %dma_start3A] : memref<16384x64xf32, #tpu.memory_space<hbm>> -> memref<256x64xf32, #tpu.memory_space<hbm>>
      %dma_start3A_39 = arith.constant 0 : i32
      %dma_start3A_40 = tpu.memref_slice %arg6[%add3A_35, %dma_start3A_39] : memref<16384x64xf32, #tpu.memory_space<hbm>> -> memref<256x64xf32, #tpu.memory_space<hbm>>
      tpu.enqueue_dma source(%arg10 : memref<256x64xf32, #tpu.memory_space<vmem>>) target(%dma_start3A_40 : memref<256x64xf32, #tpu.memory_space<hbm>>) target_semaphore(%run_scoped3A : memref<!tpu.dma_semaphore, #tpu.memory_space<semaphore_mem>>)
      %dma_wait3A = arith.constant 0 : i32
      %dma_wait3A_41 = tpu.memref_slice %arg6[%add3A_35, %dma_wait3A] : memref<16384x64xf32, #tpu.memory_space<hbm>> -> memref<256x64xf32, #tpu.memory_space<hbm>>
      %dma_wait3A_42 = arith.constant 0 : i32
      %dma_wait3A_43 = tpu.memref_slice %arg6[%add3A_35, %dma_wait3A_42] : memref<16384x64xf32, #tpu.memory_space<hbm>> -> memref<256x64xf32, #tpu.memory_space<hbm>>
      tpu.wait_dma2 semaphore(%run_scoped3A : memref<!tpu.dma_semaphore, #tpu.memory_space<semaphore_mem>>) src(%arg10 : memref<256x64xf32, #tpu.memory_space<vmem>>) dst(%dma_wait3A_43 : memref<256x64xf32, #tpu.memory_space<hbm>>)
      tpu.yield
    }) : () -> ()
    %add3A_36 = arith.constant 256 : i32
    %add3A_37 = arith.addi %mul3A_2, %add3A_36 : i32
    "tpu.region"() ({
      %run_scoped3A = tpu.sem_alloc : memref<!tpu.dma_semaphore, #tpu.memory_space<semaphore_mem>>
      %dma_start3A = arith.constant 0 : i32
      %dma_start3A_38 = tpu.memref_slice %arg7[%add3A_37, %dma_start3A] : memref<16384x64xf32, #tpu.memory_space<hbm>> -> memref<256x64xf32, #tpu.memory_space<hbm>>
      %dma_start3A_39 = arith.constant 0 : i32
      %dma_start3A_40 = tpu.memref_slice %arg7[%add3A_37, %dma_start3A_39] : memref<16384x64xf32, #tpu.memory_space<hbm>> -> memref<256x64xf32, #tpu.memory_space<hbm>>
      tpu.enqueue_dma source(%arg11 : memref<256x64xf32, #tpu.memory_space<vmem>>) target(%dma_start3A_40 : memref<256x64xf32, #tpu.memory_space<hbm>>) target_semaphore(%run_scoped3A : memref<!tpu.dma_semaphore, #tpu.memory_space<semaphore_mem>>)
      %dma_wait3A = arith.constant 0 : i32
      %dma_wait3A_41 = tpu.memref_slice %arg7[%add3A_37, %dma_wait3A] : memref<16384x64xf32, #tpu.memory_space<hbm>> -> memref<256x64xf32, #tpu.memory_space<hbm>>
      %dma_wait3A_42 = arith.constant 0 : i32
      %dma_wait3A_43 = tpu.memref_slice %arg7[%add3A_37, %dma_wait3A_42] : memref<16384x64xf32, #tpu.memory_space<hbm>> -> memref<256x64xf32, #tpu.memory_space<hbm>>
      tpu.wait_dma2 semaphore(%run_scoped3A : memref<!tpu.dma_semaphore, #tpu.memory_space<semaphore_mem>>) src(%arg11 : memref<256x64xf32, #tpu.memory_space<vmem>>) dst(%dma_wait3A_43 : memref<256x64xf32, #tpu.memory_space<hbm>>)
      tpu.yield
    }) : () -> ()
    return
  }
}

module attributes {stable_mosaic.version = 14 : i64} {
  func.func @_mlp_body(%arg0: i32, %arg1: memref<1024x64xf32, #tpu.memory_space<vmem>>, %arg2: memref<1024x64xf32, #tpu.memory_space<vmem>>, %arg3: memref<256x256xf32, #tpu.memory_space<vmem>>, %arg4: memref<1x256xf32, #tpu.memory_space<vmem>>, %arg5: memref<256x64xf32, #tpu.memory_space<vmem>>, %arg6: memref<1x64xf32, #tpu.memory_space<vmem>>, %arg7: memref<1x64xf32, #tpu.memory_space<vmem>>, %arg8: memref<1xf32, #tpu.memory_space<smem>>, %arg9: memref<1024xf32, #tpu.memory_space<vmem>>) attributes {dimension_semantics = [#tpu.dimension_semantics<arbitrary>], iteration_bounds = array<i64: 16>, scalar_prefetch = 0 : i64, scratch_operands = 0 : i64, tpu.core_type = #tpu.core_type<tc>, window_params = [{transform_indices = @transform_0, window_bounds = array<i64: 1024, 64>}, {transform_indices = @transform_1, window_bounds = array<i64: 1024, 64>}, {pipeline_mode = #tpu.pipeline_mode<synchronous>, transform_indices = @transform_2, window_bounds = array<i64: 256, 256>}, {pipeline_mode = #tpu.pipeline_mode<synchronous>, transform_indices = @transform_3, window_bounds = array<i64: 1, 256>}, {pipeline_mode = #tpu.pipeline_mode<synchronous>, transform_indices = @transform_4, window_bounds = array<i64: 256, 64>}, {pipeline_mode = #tpu.pipeline_mode<synchronous>, transform_indices = @transform_5, window_bounds = array<i64: 1, 64>}, {pipeline_mode = #tpu.pipeline_mode<synchronous>, transform_indices = @transform_6, window_bounds = array<i64: 1, 64>}, {transform_indices = @transform_7, window_bounds = array<i64: 1>}, {transform_indices = @transform_8, window_bounds = array<i64: 1024>}]} {
    %get3A = arith.constant 0 : index
    %get3A_0 = arith.constant 0 : index
    %get3A_1 = vector.load %arg1[%get3A, %get3A_0] : memref<1024x64xf32, #tpu.memory_space<vmem>>, vector<1024x64xf32>
    %get3A_2 = arith.constant 0 : index
    %get3A_3 = arith.constant 0 : index
    %get3A_4 = vector.load %arg2[%get3A_2, %get3A_3] : memref<1024x64xf32, #tpu.memory_space<vmem>>, vector<1024x64xf32>
    %mul3A = arith.mulf %get3A_1, %get3A_4 : vector<1024x64xf32>
    %sub3A = arith.subf %get3A_1, %get3A_4 : vector<1024x64xf32>
    %abs3A = math.absf %sub3A : vector<1024x64xf32>
    %concatenate3A = tpu.concatenate %get3A_1, %get3A_4, %mul3A, %abs3A in 1 : vector<1024x64xf32>, vector<1024x64xf32>, vector<1024x64xf32>, vector<1024x64xf32> -> vector<1024x256xf32>
    %get3A_5 = arith.constant 0 : index
    %get3A_6 = arith.constant 0 : index
    %get3A_7 = vector.load %arg3[%get3A_5, %get3A_6] : memref<256x256xf32, #tpu.memory_space<vmem>>, vector<256x256xf32>
    %dot_general3A = arith.constant dense<0.000000e+00> : vector<1024x256xf32>
    %dot_general3A_8 = tpu.matmul %concatenate3A, %get3A_7, %dot_general3A {dimension_numbers = #tpu.dot_dimension_numbers<[1], [0], [0], [1], [0, 0, 1, 1], [], []>, transpose_lhs_hint = false} : vector<1024x256xf32>, vector<256x256xf32>, vector<1024x256xf32> -> vector<1024x256xf32>
    %get3A_9 = arith.constant 0 : index
    %get3A_10 = arith.constant 0 : index
    %get3A_11 = vector.load %arg4[%get3A_9, %get3A_10] : memref<1x256xf32, #tpu.memory_space<vmem>>, vector<1x256xf32>
    %add3A = vector.broadcast %get3A_11 : vector<1x256xf32> to vector<1024x256xf32>
    %add3A_12 = arith.addf %dot_general3A_8, %add3A : vector<1024x256xf32>
    %max3A = arith.constant 0.000000e+00 : f32
    %max3A_13 = vector.broadcast %max3A : f32 to vector<1024x256xf32>
    %max3A_14 = arith.maximumf %add3A_12, %max3A_13 : vector<1024x256xf32>
    %get3A_15 = arith.constant 0 : index
    %get3A_16 = arith.constant 0 : index
    %get3A_17 = vector.load %arg5[%get3A_15, %get3A_16] : memref<256x64xf32, #tpu.memory_space<vmem>>, vector<256x64xf32>
    %dot_general3A_18 = arith.constant dense<0.000000e+00> : vector<1024x64xf32>
    %dot_general3A_19 = tpu.matmul %max3A_14, %get3A_17, %dot_general3A_18 {dimension_numbers = #tpu.dot_dimension_numbers<[1], [0], [0], [1], [0, 0, 1, 1], [], []>, transpose_lhs_hint = false} : vector<1024x256xf32>, vector<256x64xf32>, vector<1024x64xf32> -> vector<1024x64xf32>
    %get3A_20 = arith.constant 0 : index
    %get3A_21 = arith.constant 0 : index
    %get3A_22 = vector.load %arg6[%get3A_20, %get3A_21] : memref<1x64xf32, #tpu.memory_space<vmem>>, vector<1x64xf32>
    %add3A_23 = vector.broadcast %get3A_22 : vector<1x64xf32> to vector<1024x64xf32>
    %add3A_24 = arith.addf %dot_general3A_19, %add3A_23 : vector<1024x64xf32>
    %max3A_25 = arith.constant 0.000000e+00 : f32
    %max3A_26 = vector.broadcast %max3A_25 : f32 to vector<1024x64xf32>
    %max3A_27 = arith.maximumf %add3A_24, %max3A_26 : vector<1024x64xf32>
    %get3A_28 = arith.constant 0 : index
    %get3A_29 = arith.constant 0 : index
    %get3A_30 = vector.load %arg7[%get3A_28, %get3A_29] : memref<1x64xf32, #tpu.memory_space<vmem>>, vector<1x64xf32>
    %mul3A_31 = vector.broadcast %get3A_30 : vector<1x64xf32> to vector<1024x64xf32>
    %mul3A_32 = arith.mulf %max3A_27, %mul3A_31 : vector<1024x64xf32>
    %reduce_sum3A = arith.constant dense<0.000000e+00> : vector<1024xf32>
    %reduce_sum3A_33 = vector.multi_reduction <add>, %mul3A_32, %reduce_sum3A [1] : vector<1024x64xf32> to vector<1024xf32>
    %get3A_34 = arith.constant 0 : index
    %get3A_35 = memref.load %arg8[%get3A_34] : memref<1xf32, #tpu.memory_space<smem>>
    %add3A_36 = vector.broadcast %get3A_35 : f32 to vector<1024xf32>
    %add3A_37 = arith.addf %reduce_sum3A_33, %add3A_36 : vector<1024xf32>
    %swap3A = arith.constant 0 : index
    %swap3A_38 = vector.load %arg9[%swap3A] : memref<1024xf32, #tpu.memory_space<vmem>>, vector<1024xf32>
    tpu.vector_store %arg9[%swap3A], %add3A_37 {strides = array<i32>} : memref<1024xf32, #tpu.memory_space<vmem>>, vector<1024xf32>,
    return
  }
  func.func @transform_0(%arg0: i32) -> (i32, i32) {
    %c0_i32 = arith.constant 0 : i32
    %c0_i32_0 = arith.constant 0 : i32
    return %arg0, %c0_i32 : i32, i32
  }
  func.func @transform_1(%arg0: i32) -> (i32, i32) {
    %c0_i32 = arith.constant 0 : i32
    %c0_i32_0 = arith.constant 0 : i32
    return %arg0, %c0_i32 : i32, i32
  }
  func.func @transform_2(%arg0: i32) -> (i32, i32) {
    %c0_i32 = arith.constant 0 : i32
    %c0_i32_0 = arith.constant 0 : i32
    %c0_i32_1 = arith.constant 0 : i32
    return %c0_i32, %c0_i32_0 : i32, i32
  }
  func.func @transform_3(%arg0: i32) -> (i32, i32) {
    %c0_i32 = arith.constant 0 : i32
    %c0_i32_0 = arith.constant 0 : i32
    %c0_i32_1 = arith.constant 0 : i32
    return %c0_i32, %c0_i32_0 : i32, i32
  }
  func.func @transform_4(%arg0: i32) -> (i32, i32) {
    %c0_i32 = arith.constant 0 : i32
    %c0_i32_0 = arith.constant 0 : i32
    %c0_i32_1 = arith.constant 0 : i32
    return %c0_i32, %c0_i32_0 : i32, i32
  }
  func.func @transform_5(%arg0: i32) -> (i32, i32) {
    %c0_i32 = arith.constant 0 : i32
    %c0_i32_0 = arith.constant 0 : i32
    %c0_i32_1 = arith.constant 0 : i32
    return %c0_i32, %c0_i32_0 : i32, i32
  }
  func.func @transform_6(%arg0: i32) -> (i32, i32) {
    %c0_i32 = arith.constant 0 : i32
    %c0_i32_0 = arith.constant 0 : i32
    %c0_i32_1 = arith.constant 0 : i32
    return %c0_i32, %c0_i32_0 : i32, i32
  }
  func.func @transform_7(%arg0: i32) -> i32 {
    %c0_i32 = arith.constant 0 : i32
    %c0_i32_0 = arith.constant 0 : i32
    return %c0_i32 : i32
  }
  func.func @transform_8(%arg0: i32) -> i32 {
    %c0_i32 = arith.constant 0 : i32
    return %arg0 : i32
  }
}

</mosaic_0001>

<sc_bundles>
// kernel: kernel.4.cloned.1.call-start
scs
__scs_entry_jumppad:
0x0: {  	(pc) =	sbr.rel $0x88, $3  }
0x1: {  	(tag) =	ssettag $0x0;
	lr =	simm.s32 $0x1  }
0x2: {  	[smem:$0x3F97] =	sst lr;
	_ =	strace $0xD0000000  }
0x3: {  	_ = 	snop  }
0x4: {  	_ = 	snop  }
0x5: {  	_ = 	snop  }
0x6: {  	_ = 	snop  }
0x7: {  	_ = 	snop  }
__scs_overlays_trampoline_lowered:
0x8: {  	[smem:$0x3FA6] =	sst s0  }
0x9: {  	[smem:$0x3FA7] =	sst s1  }
0xa: {  	[smem:$0x3FA8] =	sst s2  }
0xb: {  	[smem:$0x3FA9] =	sst s3  }
0xc: {  	[smem:$0x3FAA] =	sst s4  }
0xd: {  	[smem:$0x3FAB] =	sst s5  }
0xe: {  	[smem:$0x3FAC] =	sst s6  }
0xf: {  	[smem:$0x3FAD] =	sst s7  }
0x10: {  	[smem:$0x3FAE] =	sst s8  }
0x11: {  	[smem:$0x3FAF] =	sst s9;
	s0 =	simm.s32 @!p0 $0x0  }
0x12: {  	s1 =	sld [smem:$0x3F95];
	s0 =	simm.s32 @p0 $0x1  }
0x13: {  	[smem:$0x3FB0] =	sst s0;
	s0 =	simm.s32 @!p1 $0x0  }
0x14: {  	s2 =	sld [smem:$0x3F94];
	s0 =	simm.s32 @p1 $0x1  }
0x15: {  	[smem:$0x3FB1] =	sst s0;
	s0 =	simm.s32 @!p2 $0x0  }
0x16: {  	s3 =	sld [smem:$0x3FDB];
	s0 =	simm.s32 @p2 $0x1  }
0x17: {  	s4 =	simm.s32 $0x1BF5;
	[smem:$0x3FB3] =	sst s0  }
0x18: {  	s0 =	sld [smem:$0x3F96];
	_ =	swait.ge [sflag:s4], $0x0  }
0x19: {  	s7 =	sld [smem:$0x3F97]  }
0x1a: {  	s8 =	sadd.s32 $0xFFFFE003, lr  }
0x1b: {  	s9 =	sadd.s32 $0xFFFFFEF7, lr;
	s5 =	simm.s32 $0xFFFFFFFF;
	p2 =	slt.u32 s8, $0xFFFFF086  }
0x1c: {  	p1 =	slt.u32 s9, $0xF7A;
	s5 =	simm.s32 @!p2 $0x0  }
0x1d: {  	s5 =	simm.s32 @p1 $0x1;
	p0 =	seq.s32 s7, s2  }
0x1e: {  	s7 =	smul.u32 @!p0 $0xF7A, s2;
	p2 =	seq.s32 @!p0 s5, $0x0  }
0x1f: {  	s9 =	smul.u32 $0xF7A, s1;
	s8 =	simm.s32 @!p0 $0x1BF5;
	p2 =	por !p2, p0  }
0x20: {  	[sflag:s8] =	ssyncset.s32 @!p0 $0xFFFFF086;
	s6 =	sadd.s32 @!p0 s3, s7;
	s7 =	simm.s32 @!p0 $0x108  }
0x21: {  	s3 =	sadd.s32 s3, s9;
	s6 =	sadd.s32 @!p0 $0x88, s6;
	s7 =	simm.s32 @p2 $0x1082  }
0x22: {  	[simem:s7], [sflag:s8] =	dma.local @!p0 [hbm:s6], $0xF7A  }
0x23: {  	s9 =	sor.u32 $0xD0000000, s2;
	s6 =	simm.s32 $0x108;
	_ =	swait.ge @!p0 [sflag:s8], $0x0  }
0x24: {  	s3 =	sadd.s32 $0x88, s3;
	s6 =	simm.s32 @!p1 $0x1082;
	[sflag:s4] =	ssyncset.s32 $0xFFFFF086  }
0x25: {  	[simem:s6], [sflag:s4] =	dma.local [hbm:s3], $0xF7A  }
0x26: {  	[smem:$0x3F97] =	sst s1;
	(tag) =	ssettag s2;
	_ =	strace s9  }
0x27: {  	s1 =	sld [smem:$0x3FA7]  }
0x28: {  	s2 =	sld [smem:$0x3FA8]  }
0x29: {  	s4 =	sld [smem:$0x3FAA]  }
0x2a: {  	p0 =	seq.s32 s5, $0x0;
	s5 =	sld [smem:$0x3FAB]  }
0x2b: {  	s6 =	sld [smem:$0x3FAC]  }
0x2c: {  	s7 =	sld [smem:$0x3FAD]  }
0x2d: {  	s3 =	simm.s32 $0x108;
	s8 =	sld [smem:$0x3FAE]  }
0x2e: {  	s3 =	simm.s32 @!p0 $0x1082;
	s9 =	sld [smem:$0x3FAF]  }
0x2f: {  	lr =	sadd.s32 s0, s3;
	s0 =	sld [smem:$0x3FA6]  }
0x30: {  	s3 =	sld [smem:$0x3FA9]  }
0x31: {  	[smem:$0x3FB2] =	sst s10  }
0x32: {  	s10 =	sld [smem:$0x3FB0];
	_ =	sdelay $0x3  }
0x33: {  	p0 =	seq.s32 s10, $0x1;
	s10 =	sld [smem:$0x3FB2];
	_ =	sdelay $0x3  }
0x34: {  	[smem:$0x3FB2] =	sst s10  }
0x35: {  	s10 =	sld [smem:$0x3FB1];
	_ =	sdelay $0x3  }
0x36: {  	p1 =	seq.s32 s10, $0x1;
	s10 =	sld [smem:$0x3FB2];
	_ =	sdelay $0x3  }
0x37: {  	[smem:$0x3FB2] =	sst s10  }
0x38: {  	s10 =	sld [smem:$0x3FB3]  }
0x39: {  	_ = 	snop;
	(pc) =	sbr.ind lr, $3  }
0x3a: {  	_ = 	snop  }
0x3b: {  	_ = 	snop  }
0x3c: {  	p2 =	seq.s32 s10, $0x1;
	s10 =	sld [smem:$0x3FB2]  }
0x3d: {  	_ =	shalt  }
0x3e: {  	_ =	shalt  }
0x3f: {  	_ =	shalt  }
0x40: {  	_ =	shalt  }
0x41: {  	_ =	shalt  }
0x42: {  	_ =	shalt  }
0x43: {  	_ =	shalt  }
0x44: {  	_ =	shalt  }
0x45: {  	_ =	shalt  }
0x46: {  	_ =	shalt  }
0x47: {  	_ =	shalt  }
0x48: {  	_ =	shalt  }
0x49: {  	_ =	shalt  }
0x4a: {  	_ =	shalt  }
0x4b: {  	_ =	shalt  }
0x4c: {  	_ =	shalt  }
0x4d: {  	_ =	shalt  }
0x4e: {  	_ =	shalt  }
0x4f: {  	_ =	shalt  }
0x50: {  	_ =	shalt  }
0x51: {  	_ =	shalt  }
0x52: {  	_ =	shalt  }
0x53: {  	_ =	shalt  }
0x54: {  	_ =	shalt  }
0x55: {  	_ =	shalt  }
0x56: {  	_ =	shalt  }
0x57: {  	_ =	shalt  }
0x58: {  	_ =	shalt  }
0x59: {  	_ =	shalt  }
0x5a: {  	_ =	shalt  }
0x5b: {  	_ =	shalt  }
0x5c: {  	_ =	shalt  }
0x5d: {  	_ =	shalt  }
0x5e: {  	_ =	shalt  }
0x5f: {  	_ =	shalt  }
0x60: {  	_ =	shalt  }
0x61: {  	_ =	shalt  }
0x62: {  	_ =	shalt  }
0x63: {  	_ =	shalt  }
0x64: {  	_ =	shalt  }
0x65: {  	_ =	shalt  }
0x66: {  	_ =	shalt  }
0x67: {  	_ =	shalt  }
0x68: {  	_ =	shalt  }
0x69: {  	_ =	shalt  }
0x6a: {  	_ =	shalt  }
0x6b: {  	_ =	shalt  }
0x6c: {  	_ =	shalt  }
0x6d: {  	_ =	shalt  }
0x6e: {  	_ =	shalt  }
0x6f: {  	_ =	shalt  }
0x70: {  	_ =	shalt  }
0x71: {  	_ =	shalt  }
0x72: {  	_ =	shalt  }
0x73: {  	_ =	shalt  }
0x74: {  	_ =	shalt  }
0x75: {  	_ =	shalt  }
0x76: {  	_ =	shalt  }
0x77: {  	_ =	shalt  }
0x78: {  	_ =	shalt  }
0x79: {  	_ =	shalt  }
0x7a: {  	_ =	shalt  }
0x7b: {  	_ =	shalt  }
0x7c: {  	_ =	shalt  }
0x7d: {  	_ =	shalt  }
0x7e: {  	_ =	shalt  }
0x7f: {  	_ =	shalt  }
0x80: {  	_ =	shalt  }
0x81: {  	_ =	shalt  }
0x82: {  	_ =	shalt  }
0x83: {  	_ =	shalt  }
0x84: {  	_ =	shalt  }
0x85: {  	_ =	shalt  }
0x86: {  	_ =	shalt  }
0x87: {  	_ =	shalt  }
.Lfunc_end0:
.L_simem_size_0:
called_computation_lowered:
.L_overlay_start_0:
0x88: {  	s2 =	sld [smem:$0x3FD9]  }
0x89: {  	s3 =	sld [smem:$0x3FFE];
	_ =	sdelay $0x1  }
0x8a: {  	s1 =	srdreg.scid  }
0x8b: {  	s0 =	sand.u32 $0x1, s1  }
0x8c: {  	s17 =	sshll.u32 s0, $0xA;
	s2 =	sadd.s32 s3, s2  }
0x8d: {  	s2 =	sadd.s32 s2, s17  }
0x8e: {  	[smem:$0x3FBE] =	sst s2  }
0x8f: {  	_ = 	snop  }
0x90: {  	s2 =	sld [smem:$0x3FC9]  }
0x91: {  	s18 =	sld [smem:$0x3FC8];
	(tm) =	ssettm $0x1  }
0x92: {  	s4 =	sld [smem:$0x3FFB];
	_ =	sdelay $0x3  }
0x93: {  	_ =	strace s4  }
0x94: {  	s4 =	sld [smem:$0x3FFC];
	_ =	sdelay $0x3  }
0x95: {  	_ =	strace s4  }
0x96: {  	s4 =	sld [smem:$0x3FFD];
	_ =	sdelay $0x3  }
0x97: {  	_ =	strace s4  }
0x98: {  	_ =	strace $0x8FFFFFFF  }
0x99: {  	s19 =	sld [smem:$0x3FDB];
	_ =	sdelay $0x1  }
0x9a: {  	s5 =	simm.s32 $_scs_section_size  }
0x9b: {  	s6 =	simm.s32 $_size__tile_overlayer_lowered;
	s7 =	simm.s32 $_tile_overlayer_lowered  }
0x9c: {  	s22 =	simm.s32 $0x1BFF;
	s21 =	sshll.u32 s7, $0x1;
	s4 =	sadd.s32 s5, s19  }
0x9d: {  	s8 =	simm.s32 $0x0;
	s20 =	sshll.u32 s6, $0x1;
	s6 =	sadd.s32 s21, s4  }
0x9e: {  	[timem:s8], [sflag:s22] =	dma.local [hbm:s6], s20  }
0x9f: {  	_ =	swait.ge [sflag:s22], s20  }
0xa0: {  	s5 =	ssub.s32 $0x0, s20;
	[sflag:s22] =	ssyncset.done $0x0  }
0xa1: {  	[sflag:s22] =	ssyncadd.s32 s5;
	_ =	sdelay $0x1  }
0xa2: {  	s23 =	simm.s32 $0x1B8B  }
0xa3: {  	_ =	swait.ge [sflag:s23], $0x1  }
0xa4: {  	[sflag:s23] =	ssyncset.done $0x0  }
0xa5: {  	s25 =	simm.s32 $0x1B8E;
	s24 =	sld [smem:$0x3FFE];
	[sflag:s23] =	ssyncadd.s32 $0xFFFFFFFF  }
0xa6: {  	s26 =	simm.s32 $execute0_lowered;
	[smem:$0x3FD2] =	sst s25  }
0xa7: {  	s6 =	sshll.u32 s26, $0x1;
	_ =	strace $0x80000046;
	[dreg:$0x1] =	wrdreg $0xFFFFFFFF  }
0xa8: {  	s28 =	simm.s32 $_size_execute0_lowered;
	s4 =	sadd.s32 s4, s6;
	[dreg:$0x0] =	wrdreg $0x0  }
0xa9: {  	s6 =	sshll.u32 s28, $0x1;
	[dreg:$0x2] =	wrdreg s4  }
0xaa: {  	[dreg:$0x3] =	wrdreg s6  }
0xab: {  	[dreg:$0x4] =	wrdreg $0xC0  }
0xac: {  	_ =	task [dreg:s8], $0x5FFFF  }
0xad: {  	[dreg:$0x1] =	wrdreg $0xFFFFFFFF  }
0xae: {  	[dreg:$0x0] =	wrdreg $0x60  }
0xaf: {  	[dreg:$0x2] =	wrdreg s2  }
0xb0: {  	[dreg:$0x3] =	wrdreg s18  }
0xb1: {  	[dreg:$0x4] =	wrdreg s24  }
0xb2: {  	[dreg:$0x5] =	wrdreg $0x9  }
0xb3: {  	_ =	task.clear_ibuf [dreg:s8], $0x6FFFF;
	_ =	strace $0x90000046  }
0xb4: {  	s29 =	simm.s32 $0x9;
	_ =	strace $0x80000048  }
0xb5: {  	_ =	swait.ge [sflag:s29], $0x1  }
0xb6: {  	[sflag:s29] =	ssyncadd.s32 $0xFFFFFFFF  }
0xb7: {  	_ =	strace $0x90000048  }
0xb8: {  	_ =	sfence  }
0xb9: {  	s30 =	sld [smem:$0x0];
	_ =	sdelay $0x2  }
0xba: {  	s31 =	sshll.u32 s1, $0xD;
	s1 =	sshrl.u32 s1, $0x2  }
0xbb: {  	s3 =	sand.u32 $0x4000, s31;
	s1 =	sadd.s32 s1, s30  }
0xbc: {  	s0 =	sor.u32 s3, s0;
	s1 =	sshll.u32 s1, $0x11  }
0xbd: {  	s0 =	sor.u32 s1, s0  }
0xbe: {  	s0 =	sadd.s32 $0x8F2B, s0  }
0xbf: {  	[sflag:s0] =	ssyncadd.remote.s32 $0x1  }
0xc0: {  	_ =	sfence.sel $0xFFFF  }
0xc1: {  	[dreg:$0x0] =	wrdreg $0xFFFFFFFF;
	(pc) =	sbr.abs _section_cstart, $3  }
0xc2: {  	[dreg:$0x1] =	wrdreg $0xFFFFFFFF  }
0xc3: {  	_ =	task.clear_ibuf [dreg:s8], $0x2FFFF;
	_ =	strace $0x9FFFFFFF  }
0xc4: {  	(tm) =	ssettm $0x7FFFFFFF  }
0xc5: {  	_ =	shalt  }
tec
execute0_lowered:
.L_overlay_start_1:
0x0: {  	(tag) =	ssettag $0x1  }
0x1: {  	s0 =	rddreg [dreg:$0x0]  }
0x2: {  	s2 =	rddreg [dreg:$0x1]  }
0x3: {  	s5 =	rddreg [dreg:$0x2];
	s6 =	srdreg.scid  }
0x4: {  	s1 =	simm.s32 $0x0;
	s8 =	stileid.u32;
	s6 =	sand.u32 $0x1, s6  }
0x5: {  	s8 =	sshll.u32 s8, $0xA;
	s7 =	ssub.s32 $0x2, s6;
	s6 =	sshll.u32 s6, $0x9  }
0x6: {  	[smem:$0x7FF] =	sst s1;
	s3 =	sadd.s32 $0x1600, s5;
	s6 =	sor.u32 s6, s8  }
0x7: {  	s4 =	sadd.s32 $0xF43A00, s5;
	s9 =	sadd.s32 $0x1E85E00, s5;
	s8 =	sshrl.u32 s6, $0x3  }
0x8: {  	s5 =	sadd.s32 $0x1EC5E00, s5;
	_ =	strace $0x80000047;
	s0 =	sadd.s32 s0, s8  }
0x9: {  	s26 =	sshll.u32 s6, $0x4;
	s25 =	sadd.s32 s2, s8;
	[smem:$0x7F7] =	sst s0  }
0xa: {  	vm0 =	vmmov $0x1;
	s10 =	sshrl.u32 s7, $0x1;
	s28 =	sadd.s32 s9, s26;
	[smem:$0x7F8] =	sst s25  }
0xb: {  	vm1 =	vcmask $0x308;
	vm2 =	vcmask $0x70C;
	vm3 =	vcmask $0xB10;
	s7 =	ssub.s32 s7, s10;
	s29 =	sadd.s32 s5, s26;
	[smem:$0x7F9] =	sst s28  }
0xc: {  	vm4 =	vcmask $0xF14;
	vm5 =	vcmask $0x1318;
	vm6 =	vcmask $0x171C;
	s31 =	smax.u32 s7, $0x1;
	[smem:$0x7FA] =	sst s29;
	s0 =	sor.u32 $0x1000, s26  }
0xd: {  	vm7 =	vcmask $0x1B20;
	vm8 =	vcmask $0x1F24;
	vm9 =	vcmask $0x2328;
	[smem:$0x7FD] =	sst s31;
	s30 =	sadd.s32 s9, s0  }
0xe: {  	vm10 =	vcmask $0x272C;
	vm11 =	vcmask $0x2B30;
	vm12 =	vcmask $0x2F34;
	s0 =	sadd.s32 s5, s0;
	[smem:$0x7FB] =	sst s30  }
0xf: {  	vm13 =	vcmask $0x3338;
	vm14 =	vcmask $0x373C;
	vm15 =	vmmov $0x7fff;
	s2 =	simm.s32 $0x0;
	s5 =	simm.s32 $0x3;
	[smem:$0x7FC] =	sst s0  }
.LBB2_1:
0x10: {  	s0 =	sld [smem:$0x7F7];
	_ =	sdelay $0x1  }
0x11: {  	[smem:$0x7F6] =	sst s2  }
0x12: {  	[tilespmem:s1], [sflag:$0x3] =	stream.linear.gather [hbm4b:s0+s1], $0x200, $0x38;
	[tilespmem:$0x10400] =	vst v63  }
0x13: {  	_ =	swait.ge [sflag:s5], $0x200  }
0x14: {  	s23 =	sld [smem:$0x7F8]  }
0x15: {  	[sflag:s5] =	ssyncset.done $0x0  }
0x16: {  	s22 =	simm.s32 $0x200;
	[sflag:s5] =	ssyncadd.s32 $0xFFFFFE00  }
0x17: {  	[tilespmem:s22], [sflag:$0x3] =	stream.linear.gather [hbm4b:s23+s1], $0x200, $0x38;
	[tilespmem:$0x10400] =	vst v63  }
0x18: {  	_ =	swait.ge [sflag:s5], $0x200  }
0x19: {  	[sflag:s5] =	ssyncset.done $0x0  }
0x1a: {  	[sflag:s5] =	ssyncadd.s32 $0xFFFFFE00  }
0x1b: {  	v0 =	vld [tilespmem:s22+$0x0]  }
0x1c: {  	v1 =	vld [tilespmem:s1+$0x0];
	_ =	sdelay $0x3  }
0x1d: {  	v2 =	vnsel vm0, $0x0, v0  }
0x1e: {  	v3 =	vnsel vm0, $0x0, v1;
	(xrf0) =	vadd.scan.msk.s32 $0xffff, v2  }
0x1f: {  	v2 =	vsel vm1, $0x0, v1;
	(xrf0) =	vadd.scan.msk.s32 $0xffff, v3  }
0x20: {  	v3 =	vsel vm11, $0x0, v0;
	(xrf0) =	vadd.scan.msk.s32 $0xffff, v2  }
0x21: {  	v2 =	vsel vm2, $0x0, v0;
	(xrf0) =	vadd.scan.msk.s32 $0xffff, v3;
	v3 =	vsel vm3, $0x0, v0  }
0x22: {  	(xrf0) =	vadd.scan.msk.s32 $0xffff, v2;
	v2 =	vsel vm2, $0x0, v1  }
0x23: {  	(xrf0) =	vadd.scan.msk.s32 $0xffff, v3  }
0x24: {  	v4 =	vsel vm5, $0x0, v0;
	v3, _, _ =	vpop (xrf0);
	(xrf0) =	vadd.scan.msk.s32 $0xffff, v2  }
0x25: {  	v2, _, _ =	vpop (xrf0);
	(v2sf) =	vpush v3, $0xF;
	v3 =	vsel vm1, $0x0, v0;
	(xrf0) =	vadd.scan.msk.s32 $0xffff, v4;
	v4 =	vsel vm12, $0x0, v0  }
0x26: {  	(v2sf) =	vpush v2, $0xF;
	v2, _, _ =	vpop (xrf0);
	(xrf0) =	vadd.scan.msk.s32 $0xffff, v3;
	v3 =	vsel vm6, $0x0, v0  }
0x27: {  	(v2sf) =	vpush v2, $0xF;
	v2, _, _ =	vpop (xrf0)  }
0x28: {  	(xrf0) =	vadd.scan.msk.s32 $0xffff, v4;
	v4, _, _ =	vpop (xrf0);
	(v2sf) =	vpush v2, $0xF;
	v2 =	vsel vm13, $0x0, v0  }
0x29: {  	(xrf0) =	vadd.scan.msk.s32 $0xffff, v3;
	(v2sf) =	vpush v4, $0xF;
	v3, _, _ =	vpop (xrf0);
	v4 =	vsel vm3, $0x0, v1  }
0x2a: {  	(v2sf) =	vpush v3, $0xF;
	v3 =	vsel vm4, $0x0, v1  }
0x2b: {  	(xrf0) =	vadd.scan.msk.s32 $0xffff, v2;
	v2, _, _ =	vpop (xrf0)  }
0x2c: {  	(xrf0) =	vadd.scan.msk.s32 $0xffff, v4;
	v4, _, _ =	vpop (xrf0);
	(v2sf) =	vpush v2, $0xF  }
0x2d: {  	v2 =	vsel vm7, $0x0, v0;
	(xrf0) =	vadd.scan.msk.s32 $0xffff, v3;
	v3, _, _ =	vpop (xrf0)  }
0x2e: {  	s19 =	simm.s32 $0x2000;
	s18 =	simm.s32 $0x0;
	s8 =	simm.s32 $0x8500;
	(v2sf) =	vpush v3, $0xF  }
0x2f: {  	s26 =	simm.s32 $0x900;
	s6 =	simm.s32 $0x580;
	s11 =	simm.s32 $0x400;
	v5 =	vsel vm8, $0x0, v0  }
0x30: {  	s12 =	simm.s32 $0x480;
	s2 =	simm.s32 $0x600;
	s13 =	simm.s32 $0x8400;
	(xrf0) =	vadd.scan.msk.s32 $0xffff, v2;
	v2, _, _ =	vpop (xrf0);
	(v2sf) =	vpush v4, $0xF  }
0x31: {  	s14 =	simm.s32 $0x500;
	s28 =	simm.s32 $0x8880;
	s7 =	simm.s32 $0x680;
	v3 =	vsel vm5, $0x0, v1;
	(xrf0) =	vadd.scan.msk.s32 $0xffff, v5;
	v4, _, _ =	vpop (xrf0)  }
0x32: {  	s15 =	simm.s32 $0x8480;
	s29 =	simm.s32 $0x880;
	s30 =	simm.s32 $0x800;
	(xrf0) =	vadd.scan.msk.s32 $0xffff, v3;
	v3 =	vsel vm9, $0x0, v0;
	v5, _, _ =	vpop (xrf0);
	(v2sf) =	vpush v4, $0xF  }
0x33: {  	s10 =	simm.s32 $0x780;
	s24 =	simm.s32 $0x8700;
	s21 =	simm.s32 $0x10;
	(xrf0) =	vadd.scan.msk.s32 $0xffff, v3;
	v3 =	vsel vm7, $0x0, v1;
	v4, _, _ =	vpop (xrf0)  }
0x34: {  	s31 =	simm.s32 $0xB00;
	[dreg:$0x9] =	wrdreg s10;
	v6 =	vsel vm6, $0x0, v1;
	(v2sf) =	vpush v4, $0xF;
	s16 =	spop (v2sf)  }
0x35: {  	s0 =	simm.s32 $0x700;
	[dreg:$0xb] =	wrdreg s24;
	(xrf0) =	vadd.scan.msk.s32 $0xffff, v6;
	v6 =	vsel vm4, $0x0, v0;
	v4, _, _ =	vpop (xrf0);
	s9 =	spop (v2sf)  }
0x36: {  	s10 =	simm.s32 $0x8600;
	s5 =	simm.s32 $0x8580;
	(xrf0) =	vadd.scan.msk.s32 $0xffff, v3;
	(v2sf) =	vpush v4, $0xF;
	v3, _, _ =	vpop (xrf0);
	s17 =	spop (v2sf)  }
0x37: {  	(xrf0) =	vadd.scan.msk.s32 $0xffff, v6;
	v4, _, _ =	vpop (xrf0);
	(v2sf) =	vpush v3, $0xF;
	s16 =	sshll.u32 s16, $0x4;
	s20 =	sshll.u32 s9, $0x4;
	s9 =	spop (v2sf)  }
0x38: {  	v6, _, _ =	vpop (xrf0);
	s16 =	sand.u32 $0x1FFFFFF0, s16;
	s20 =	sand.u32 $0x1FFFFFF0, s20;
	s22 =	spop (v2sf)  }
0x39: {  	(v2sf) =	vpush v6, $0xF;
	s25 =	sshll.u32 s17, $0x4;
	s20 =	sadd.s32 s3, s20;
	s23 =	spop (v2sf)  }
0x3a: {  	v3, _, _ =	vpop (xrf0);
	(v2sf) =	vpush v4, $0xF;
	[tilespmem:s11], [sflag:$0x1] =	stream.linear.gather [hbm4b:s20+s1], $0x80, $0x38;
	[tilespmem:$0x10400] =	vst v63  }
0x3b: {  	s16 =	sadd.s32 s4, s16;
	v6, _, _ =	vpop (xrf0);
	s20 =	sand.u32 $0x1FFFFFF0, s25;
	s17 =	spop (v2sf)  }
0x3c: {  	v4, _, _ =	vpop (xrf0);
	(v2sf) =	vpush v3, $0xF;
	[tilespmem:s13], [sflag:$0x2] =	stream.linear.gather [hbm4b:s16+s1], $0x80, $0x38;
	[tilespmem:$0x10400] =	vst v63  }
0x3d: {  	v3, _, _ =	vpop (xrf0);
	s13 =	sadd.s32 s3, s20;
	s20 =	sshll.u32 s17, $0x4;
	s24 =	spop (v2sf)  }
0x3e: {  	(v2sf) =	vpush v3, $0xF;
	[tilespmem:s12], [sflag:$0x1] =	stream.linear.gather [hbm4b:s13+s1], $0x80, $0x38;
	[tilespmem:$0x10400] =	vst v63  }
0x3f: {  	s13 =	sand.u32 $0x1FFFFFF0, s20;
	s25 =	sshll.u32 s24, $0x4;
	s11 =	spop (v2sf)  }
0x40: {  	s13 =	sadd.s32 s3, s13;
	s16 =	sand.u32 $0x1FFFFFF0, s25;
	s25 =	sshll.u32 s22, $0x4  }
0x41: {  	s22 =	simm.s32 $0x210;
	s12 =	spop (v2sf);
	s16 =	sadd.s32 s4, s16  }
0x42: {  	[tilespmem:s15], [sflag:$0x2] =	stream.linear.gather [hbm4b:s16+s1], $0x80, $0x38;
	[tilespmem:$0x10400] =	vst v63  }
0x43: {  	s11 =	sshll.u32 s11, $0x4;
	s15 =	sand.u32 $0x1FFFFFF0, s25;
	s24 =	spop (v2sf)  }
0x44: {  	v3 =	vsel vm8, $0x0, v1;
	[tilespmem:s14], [sflag:$0x1] =	stream.linear.gather [hbm4b:s13+s1], $0x80, $0x38;
	[tilespmem:$0x10400] =	vst v63  }
0x45: {  	v7 =	vsel vm9, $0x0, v1;
	(xrf0) =	vadd.scan.msk.s32 $0xffff, v3;
	s12 =	sshll.u32 s12, $0x4;
	s16 =	spop (v2sf);
	s20 =	sshll.u32 s24, $0x4  }
0x46: {  	(xrf0) =	vadd.scan.msk.s32 $0xffff, v7;
	s13 =	sadd.s32 s4, s15;
	s24 =	sshll.u32 s23, $0x4;
	s14 =	spop (v2sf)  }
0x47: {  	[tilespmem:s8], [sflag:$0x2] =	stream.linear.gather [hbm4b:s13+s1], $0x80, $0x38;
	[tilespmem:$0x10400] =	vst v63  }
0x48: {  	s25 =	sand.u32 $0x1FFFFFF0, s20;
	s20 =	sshll.u32 s16, $0x4;
	s17 =	spop (v2sf)  }
0x49: {  	(v2sf) =	vpush v6, $0xF;
	s8 =	sand.u32 $0x1FFFFFF0, s24;
	s13 =	sadd.s32 s3, s25;
	s15 =	spop (v2sf)  }
0x4a: {  	(v2sf) =	vpush v4, $0xF;
	[tilespmem:s6], [sflag:$0x1] =	stream.linear.gather [hbm4b:s13+s1], $0x80, $0x38;
	v4 =	vsel vm10, $0x0, v1;
	[tilespmem:$0x10400] =	vst v63  }
0x4b: {  	v3, _, _ =	vpop (xrf0);
	s16 =	simm.s32 $0x8A80;
	s8 =	sadd.s32 s4, s8;
	s23 =	spop (v2sf);
	(xrf0) =	vadd.scan.msk.s32 $0xffff, v4  }
0x4c: {  	(v2sf) =	vpush v3, $0xF;
	v3 =	vsel vm10, $0x0, v0;
	[tilespmem:s5], [sflag:$0x2] =	stream.linear.gather [hbm4b:s8+s1], $0x80, $0x38;
	[tilespmem:$0x10400] =	vst v63  }
0x4d: {  	v6, _, _ =	vpop (xrf0);
	s25 =	simm.s32 $0xA80;
	s6 =	sand.u32 $0x1FFFFFF0, s20;
	(xrf0) =	vadd.scan.msk.s32 $0xffff, v3;
	v3 =	vsel vm11, $0x0, v1;
	s24 =	spop (v2sf)  }
0x4e: {  	[dreg:$0x5] =	wrdreg s16;
	s5 =	sadd.s32 s3, s6;
	(v2sf) =	vpush v6, $0xF;
	(xrf0) =	vadd.scan.msk.s32 $0xffff, v3;
	s13 =	sshll.u32 s24, $0x4  }
0x4f: {  	v3 =	vsel vm12, $0x0, v1;
	[tilespmem:s2], [sflag:$0x1] =	stream.linear.gather [hbm4b:s5+s1], $0x80, $0x38;
	[tilespmem:$0x10400] =	vst v63  }
0x50: {  	s16 =	sand.u32 $0x1FFFFFF0, s11;
	[dreg:$0x7] =	wrdreg s25;
	v4 =	vsel vm13, $0x0, v1;
	(xrf0) =	vadd.scan.msk.s32 $0xffff, v3;
	s20 =	sand.u32 $0x1FFFFFF0, s13  }
0x51: {  	s25 =	simm.s32 $0x8A00;
	(xrf0) =	vadd.scan.msk.s32 $0xffff, v4;
	s13 =	sshll.u32 s17, $0x4;
	s24 =	sadd.s32 s4, s20  }
0x52: {  	v3 =	vsel vm14, $0x0, v1;
	[tilespmem:s10], [sflag:$0x2] =	stream.linear.gather [hbm4b:s24+s1], $0x80, $0x38;
	[tilespmem:$0x10400] =	vst v63  }
0x53: {  	s16 =	sadd.s32 s4, s16;
	[dreg:$0xd] =	wrdreg s25;
	v4 =	vsel vm14, $0x0, v0;
	(xrf0) =	vadd.scan.msk.s32 $0xffff, v3;
	s24 =	sand.u32 $0x1FFFFFF0, s13  }
0x54: {  	s6 =	simm.s32 $0x8980;
	s2 =	sshll.u32 s9, $0x4;
	(xrf0) =	vadd.scan.msk.s32 $0xffff, v4;
	s25 =	sadd.s32 s3, s24  }
0x55: {  	v1 =	vsel vm15, $0x0, v1;
	[tilespmem:s7], [sflag:$0x1] =	stream.linear.gather [hbm4b:s25+s1], $0x80, $0x38;
	[tilespmem:$0x10400] =	vst v63  }
0x56: {  	s5 =	simm.s32 $0xA00;
	s17 =	sand.u32 $0x1FFFFFF0, s2;
	s2 =	simm.s32 $0x8680;
	v3, _, _ =	vpop (xrf0);
	(xrf0) =	vadd.scan.msk.s32 $0xffff, v1  }
0x57: {  	v0 =	vsel vm15, $0x0, v0;
	v4, _, _ =	vpop (xrf0);
	[tilespmem:s2], [sflag:$0x2] =	stream.linear.gather [hbm4b:s16+s1], $0x80, $0x38;
	[tilespmem:$0x10400] =	vst v63  }
0x58: {  	s9 =	sand.u32 $0x1FFFFFF0, s12;
	s10 =	sshll.u32 s15, $0x4;
	v1, _, _ =	vpop (xrf0);
	(xrf0) =	vadd.scan.msk.s32 $0xffff, v0;
	s11 =	spop (v2sf)  }
0x59: {  	s13 =	sshll.u32 s23, $0x4;
	s8 =	sand.u32 $0x1FFFFFF0, s10;
	(v2sf) =	vpush v3, $0xF;
	v7, _, _ =	vpop (xrf0);
	s10 =	sshll.u32 s11, $0x4  }
0x5a: {  	s20 =	sshll.u32 s14, $0x4;
	v6, _, _ =	vpop (xrf0);
	(v2sf) =	vpush v4, $0xF;
	s14 =	sand.u32 $0x1FFFFFF0, s10;
	s10 =	sand.u32 $0x1FFFFFF0, s13  }
0x5b: {  	v4, _, _ =	vpop (xrf0);
	(v2sf) =	vpush v2, $0xF;
	s15 =	spop (v2sf);
	s12 =	sadd.s32 s3, s14;
	s14 =	simm.s32 $0x8800  }
0x5c: {  	v3, _, _ =	vpop (xrf0);
	s23 =	spop (v2sf);
	s24 =	sshll.u32 s15, $0x4;
	(v2sf) =	vpush v1, $0xF;
	s15 =	simm.s32 $0x980  }
0x5d: {  	v1, _, _ =	vpop (xrf0);
	s7 =	sshll.u32 s23, $0x4;
	s13 =	sand.u32 $0x1FFFFFF0, s24;
	(v2sf) =	vpush v5, $0xF;
	s25 =	spop (v2sf)  }
0x5e: {  	v0, _, _ =	vpop (xrf0);
	s16 =	sand.u32 $0x1FFFFFF0, s7;
	(v2sf) =	vpush v7, $0xF;
	s7 =	simm.s32 $0x8900;
	s11 =	sshll.u32 s25, $0x4  }
.LBB2_2:
0x5f: {  	[tilespmem:s0], [sflag:$0x1] =	stream.linear.gather [hbm4b:s12+s1], $0x80, $0x38;
	[tilespmem:$0x10400] =	vst v63  }
0x60: {  	s9 =	sadd.s32 s4, s9;
	s2 =	rddreg [dreg:$0xb]  }
0x61: {  	[tilespmem:s2], [sflag:$0x2] =	stream.linear.gather [hbm4b:s9+s1], $0x80, $0x38;
	[tilespmem:$0x10400] =	vst v63  }
0x62: {  	s9 =	sadd.s32 s3, s13;
	s13 =	sand.u32 $0x1FFFFFF0, s20;
	s2 =	rddreg [dreg:$0x9]  }
0x63: {  	[tilespmem:s2], [sflag:$0x1] =	stream.linear.gather [hbm4b:s9+s1], $0x80, $0x38;
	[tilespmem:$0x10400] =	vst v63  }
0x64: {  	s23 =	sadd.s32 $0x8780, s18;
	s20 =	sadd.s32 s4, s13  }
0x65: {  	[tilespmem:s23], [sflag:$0x2] =	stream.linear.gather [hbm4b:s20+s1], $0x80, $0x38;
	[tilespmem:$0x10400] =	vst v63  }
0x66: {  	s20 =	sadd.s32 s3, s16  }
0x67: {  	[tilespmem:s30], [sflag:$0x1] =	stream.linear.gather [hbm4b:s20+s1], $0x80, $0x38;
	[tilespmem:$0x10400] =	vst v63  }
0x68: {  	s24 =	sand.u32 $0x1FFFFFF0, s11;
	s25 =	spop (v2sf)  }
0x69: {  	s16 =	sadd.s32 s3, s24;
	s12 =	sshll.u32 s25, $0x4;
	s25 =	spop (v2sf);
	(v2sf) =	vpush v6, $0xF  }
0x6a: {  	s9 =	sshll.u32 s25, $0x4;
	s2 =	spop (v2sf);
	(v2sf) =	vpush v4, $0xF;
	s25 =	sadd.s32 s4, s8  }
0x6b: {  	[tilespmem:s14], [sflag:$0x2] =	stream.linear.gather [hbm4b:s25+s1], $0x80, $0x38;
	[tilespmem:$0x10400] =	vst v63  }
0x6c: {  	s12 =	sand.u32 $0x1FFFFFF0, s12;
	s13 =	sshll.u32 s2, $0x4;
	s23 =	spop (v2sf)  }
0x6d: {  	(v2sf) =	vpush v3, $0xF;
	[tilespmem:s29], [sflag:$0x1] =	stream.linear.gather [hbm4b:s16+s1], $0x80, $0x38;
	[tilespmem:$0x10400] =	vst v63  }
0x6e: {  	s2 =	sshll.u32 s23, $0x4;
	s20 =	spop (v2sf);
	s23 =	sadd.s32 s4, s10  }
0x6f: {  	(v2sf) =	vpush v1, $0xF;
	[tilespmem:s28], [sflag:$0x2] =	stream.linear.gather [hbm4b:s23+s1], $0x80, $0x38;
	[tilespmem:$0x10400] =	vst v63  }
0x70: {  	s9 =	sand.u32 $0x1FFFFFF0, s9;
	s8 =	sand.u32 $0x1FFFFFF0, s2;
	s2 =	sadd.s32 s3, s12  }
0x71: {  	[tilespmem:s26], [sflag:$0x1] =	stream.linear.gather [hbm4b:s2+s1], $0x80, $0x38;
	[tilespmem:$0x10400] =	vst v63  }
0x72: {  	s13 =	sand.u32 $0x1FFFFFF0, s13;
	s25 =	spop (v2sf);
	s12 =	sadd.s32 s4, s9  }
0x73: {  	(v2sf) =	vpush v0, $0xF;
	[tilespmem:s7], [sflag:$0x2] =	stream.linear.gather [hbm4b:s12+s1], $0x80, $0x38;
	[tilespmem:$0x10400] =	vst v63  }
0x74: {  	s24 =	sshll.u32 s20, $0x4;
	s13 =	sadd.s32 s4, s13;
	s23 =	sadd.s32 s3, s8  }
0x75: {  	[tilespmem:s15], [sflag:$0x1] =	stream.linear.gather [hbm4b:s23+s1], $0x80, $0x38;
	[tilespmem:$0x10400] =	vst v63  }
0x76: {  	s10 =	sand.u32 $0x1FFFFFF0, s24;
	s16 =	sshll.u32 s25, $0x4;
	s26 =	sadd.s32 s4, s17  }
0x77: {  	[tilespmem:s6], [sflag:$0x2] =	stream.linear.gather [hbm4b:s26+s1], $0x80, $0x38;
	[tilespmem:$0x10400] =	vst v63  }
0x78: {  	s24 =	sand.u32 $0x1FFFFFF0, s16;
	s16 =	rddreg [dreg:$0xd];
	s20 =	spop (v2sf)  }
0x79: {  	s7 =	sadd.s32 s3, s24;
	s25 =	sshll.u32 s20, $0x4;
	s2 =	spop (v2sf)  }
0x7a: {  	[tilespmem:s5], [sflag:$0x1] =	stream.linear.gather [hbm4b:s7+s1], $0x80, $0x38;
	[tilespmem:$0x10400] =	vst v63  }
0x7b: {  	s24 =	rddreg [dreg:$0x7];
	s8 =	sand.u32 $0x1FFFFFF0, s25;
	s9 =	sshll.u32 s2, $0x4  }
0x7c: {  	s12 =	spop (v2sf);
	s25 =	sadd.s32 s4, s10;
	s14 =	sand.u32 $0x1FFFFFF0, s9  }
0x7d: {  	[tilespmem:s16], [sflag:$0x2] =	stream.linear.gather [hbm4b:s13+s1], $0x80, $0x38;
	[tilespmem:$0x10400] =	vst v63  }
0x7e: {  	s15 =	sshll.u32 s12, $0x4;
	s17 =	sadd.s32 s3, s8;
	s23 =	spop (v2sf)  }
0x7f: {  	[tilespmem:s24], [sflag:$0x1] =	stream.linear.gather [hbm4b:s17+s1], $0x80, $0x38;
	[tilespmem:$0x10400] =	vst v63  }
0x80: {  	s9 =	rddreg [dreg:$0x5];
	s20 =	sand.u32 $0x1FFFFFF0, s15;
	s6 =	sshll.u32 s23, $0x4  }
0x81: {  	[tilespmem:s9], [sflag:$0x2] =	stream.linear.gather [hbm4b:s25+s1], $0x80, $0x38;
	[tilespmem:$0x10400] =	vst v63  }
0x82: {  	s26 =	spop (v2sf);
	s10 =	sadd.s32 s3, s14;
	s14 =	sadd.s32 $0x8B00, s18  }
0x83: {  	[tilespmem:s31], [sflag:$0x1] =	stream.linear.gather [hbm4b:s10+s1], $0x80, $0x38;
	[tilespmem:$0x10400] =	vst v63  }
0x84: {  	s12 =	sand.u32 $0x1FFFFFF0, s6;
	s13 =	sshll.u32 s26, $0x4;
	s2 =	sadd.s32 s4, s20  }
0x85: {  	[tilespmem:s14], [sflag:$0x2] =	stream.linear.gather [hbm4b:s2+s1], $0x80, $0x38;
	[tilespmem:$0x10400] =	vst v63  }
0x86: {  	s15 =	sadd.s32 $0xB80, s18;
	s6 =	sand.u32 $0x1FFFFFF0, s13;
	s16 =	sadd.s32 s3, s12  }
0x87: {  	[tilespmem:s15], [sflag:$0x1] =	stream.linear.gather [hbm4b:s16+s1], $0x80, $0x38;
	[tilespmem:$0x10400] =	vst v63  }
0x88: {  	s17 =	sadd.s32 $0x8B80, s18;
	s18 =	sadd.s32 s4, s6  }
0x89: {  	[tilespmem:s17], [sflag:$0x2] =	stream.linear.gather [hbm4b:s18+s1], $0x80, $0x38;
	[tilespmem:$0x10400] =	vst v63  }
0x8a: {  	v2 =	vld [tilespmem:s22+$0x0]  }
0x8b: {  	v1 =	vld [tilespmem:s21+$0x0];
	_ =	sdelay $0x3  }
0x8c: {  	v3 =	vnsel vm0, $0x0, v2  }
0x8d: {  	v6 =	vnsel vm0, $0x0, v1;
	(xrf0) =	vadd.scan.msk.s32 $0xffff, v3  }
0x8e: {  	(xrf0) =	vadd.scan.msk.s32 $0xffff, v6  }
0x8f: {  	v7 =	vsel vm1, $0x0, v1  }
0x90: {  	v11 =	vsel vm11, $0x0, v2;
	(xrf0) =	vadd.scan.msk.s32 $0xffff, v7  }
0x91: {  	v5 =	vsel vm2, $0x0, v2;
	(xrf0) =	vadd.scan.msk.s32 $0xffff, v11  }
0x92: {  	s11 =	smov.u32 s19;
	v51 =	vsel vm3, $0x0, v2;
	(xrf0) =	vadd.scan.msk.s32 $0xffff, v5  }
0x93: {  	s18 =	sshra.s32 s11, $0x2;
	(xrf0) =	vadd.scan.msk.s32 $0xffff, v51;
	v19, _, _ =	vpop (xrf0)  }
0x94: {  	s20 =	sadd.s32 $0x8500, s18;
	v3 =	vsel vm2, $0x0, v1;
	v21, _, _ =	vpop (xrf0);
	(v2sf) =	vpush v19, $0xF  }
0x95: {  	s23 =	sadd.s32 $0x700, s18;
	[dreg:$0x18] =	wrdreg s20;
	v5 =	vsel vm5, $0x0, v2;
	(xrf0) =	vadd.scan.msk.s32 $0xffff, v3;
	(v2sf) =	vpush v21, $0xF  }
0x96: {  	s24 =	sadd.s32 $0x900, s18;
	[dreg:$0xf] =	wrdreg s23;
	v20 =	vsel vm1, $0x0, v2;
	(xrf0) =	vadd.scan.msk.s32 $0xffff, v5;
	v53, _, _ =	vpop (xrf0)  }
0x97: {  	p0 =	sne.s32 s19, $0x1E000;
	s25 =	sadd.s32 $0x580, s18;
	[dreg:$0x11] =	wrdreg s24;
	v5 =	vsel vm12, $0x0, v2;
	(xrf0) =	vadd.scan.msk.s32 $0xffff, v20;
	(v2sf) =	vpush v53, $0xF;
	v55, _, _ =	vpop (xrf0)  }
0x98: {  	s19 =	sadd.s32 $0x2000, s19;
	s26 =	sadd.s32 $0x8580, s18;
	[dreg:$0x16] =	wrdreg s25;
	v54 =	vsel vm6, $0x0, v2;
	(xrf0) =	vadd.scan.msk.s32 $0xffff, v5;
	v56, _, _ =	vpop (xrf0);
	(v2sf) =	vpush v55, $0xF  }
0x99: {  	s17 =	sadd.s32 $0x400, s18;
	s2 =	sadd.s32 $0x600, s18;
	[dreg:$0x14] =	wrdreg s26;
	v22 =	vsel vm13, $0x0, v2;
	v6 =	vsel vm4, $0x0, v1;
	(xrf0) =	vadd.scan.msk.s32 $0xffff, v54;
	(v2sf) =	vpush v56, $0xF;
	v57, _, _ =	vpop (xrf0)  }
0x9a: {  	s10 =	sadd.s32 $0x480, s18;
	s5 =	sadd.s32 $0x500, s18;
	[dreg:$0x12] =	wrdreg s2;
	v8 =	vsel vm3, $0x0, v1;
	(xrf0) =	vadd.scan.msk.s32 $0xffff, v22;
	(v2sf) =	vpush v57, $0xF  }
0x9b: {  	s11 =	sadd.s32 $0x8880, s18;
	s6 =	sadd.s32 $0x680, s18;
	[dreg:$0x1c] =	wrdreg s5;
	v5, _, _ =	vpop (xrf0);
	(xrf0) =	vadd.scan.msk.s32 $0xffff, v8  }
0x9c: {  	s8 =	sadd.s32 $0x8480, s18;
	s7 =	sadd.s32 $0x880, s18;
	[dreg:$0x1a] =	wrdreg s6;
	(xrf0) =	vadd.scan.msk.s32 $0xffff, v6;
	v6, _, _ =	vpop (xrf0);
	(v2sf) =	vpush v5, $0xF  }
0x9d: {  	s9 =	sadd.s32 $0x800, s18;
	s12 =	sadd.s32 $0x780, s18;
	[dreg:$0x1f] =	wrdreg s7;
	v8 =	vsel vm7, $0x0, v2;
	v59, _, _ =	vpop (xrf0)  }
0x9e: {  	s13 =	sadd.s32 $0x8700, s18;
	s21 =	sadd.s32 $0x10, s21;
	[smem:$0x7F5] =	sst s9;
	v58 =	vsel vm8, $0x0, v2;
	(xrf0) =	vadd.scan.msk.s32 $0xffff, v8;
	(v2sf) =	vpush v59, $0xF  }
0x9f: {  	s22 =	sadd.s32 $0x10, s22;
	s14 =	sadd.s32 $0xA80, s18;
	[dreg:$0x9] =	wrdreg s12;
	v10 =	vsel vm5, $0x0, v1;
	(xrf0) =	vadd.scan.msk.s32 $0xffff, v58;
	v5, _, _ =	vpop (xrf0);
	(v2sf) =	vpush v6, $0xF  }
0xa0: {  	s15 =	sadd.s32 $0x8A80, s18;
	s16 =	sadd.s32 $0x8A00, s18;
	[dreg:$0xb] =	wrdreg s13;
	v0 =	vsel vm14, $0x0, v2;
	v4 =	vsel vm10, $0x0, v2;
	v9 =	vsel vm4, $0x0, v2;
	(xrf0) =	vadd.scan.msk.s32 $0xffff, v10;
	v6, _, _ =	vpop (xrf0)  }
0xa1: {  	s20 =	sadd.s32 $0x8400, s18;
	s23 =	sadd.s32 $0x8600, s18;
	[dreg:$0x7] =	wrdreg s14;
	v3 =	vsel vm15, $0x0, v2;
	v8 =	vsel vm9, $0x0, v2;
	(v2sf) =	vpush v6, $0xF;
	v2, _, _ =	vpop (xrf0)  }
0xa2: {  	[dreg:$0x5] =	wrdreg s15;
	s2 =	sadd.s32 $0xB00, s18;
	s6 =	sadd.s32 $0x8980, s18;
	v7 =	vsel vm6, $0x0, v1;
	v6, _, _ =	vpop (xrf0)  }
0xa3: {  	s5 =	sadd.s32 $0xA00, s18;
	[dreg:$0xd] =	wrdreg s16;
	(xrf0) =	vadd.scan.msk.s32 $0xffff, v8;
	(v2sf) =	vpush v6, $0xF;
	v6, _, _ =	vpop (xrf0);
	s24 =	spop (v2sf)  }
0xa4: {  	s7 =	sadd.s32 $0x8900, s18;
	s15 =	sadd.s32 $0x980, s18;
	v12 =	vsel vm7, $0x0, v1;
	(xrf0) =	vadd.scan.msk.s32 $0xffff, v7;
	(v2sf) =	vpush v6, $0xF;
	v6, _, _ =	vpop (xrf0);
	s25 =	spop (v2sf)  }
0xa5: {  	s14 =	sadd.s32 $0x8800, s18;
	(xrf0) =	vadd.scan.msk.s32 $0xffff, v12;
	v7, _, _ =	vpop (xrf0);
	s9 =	sshll.u32 s24, $0x4;
	s12 =	sshll.u32 s25, $0x4  }
0xa6: {  	v13 =	vsel vm8, $0x0, v1;
	(xrf0) =	vadd.scan.msk.s32 $0xffff, v9;
	v8, _, _ =	vpop (xrf0);
	(v2sf) =	vpush v6, $0xF;
	s13 =	sand.u32 $0x1FFFFFF0, s9;
	s26 =	spop (v2sf);
	s16 =	sand.u32 $0x1FFFFFF0, s12  }
0xa7: {  	v14 =	vsel vm9, $0x0, v1;
	(xrf0) =	vadd.scan.msk.s32 $0xffff, v13;
	(v2sf) =	vpush v8, $0xF;
	s9 =	sshll.u32 s26, $0x4;
	s0 =	spop (v2sf);
	s13 =	sadd.s32 s4, s13  }
0xa8: {  	v15 =	vsel vm10, $0x0, v1;
	(xrf0) =	vadd.scan.msk.s32 $0xffff, v14;
	(v2sf) =	vpush v7, $0xF;
	s12 =	sand.u32 $0x1FFFFFF0, s9;
	s26 =	sshll.u32 s0, $0x4;
	s25 =	spop (v2sf)  }
0xa9: {  	v6, _, _ =	vpop (xrf0);
	(xrf0) =	vadd.scan.msk.s32 $0xffff, v15;
	s16 =	sadd.s32 s3, s16;
	s9 =	sshll.u32 s25, $0x4;
	s0 =	spop (v2sf)  }
0xaa: {  	v8, _, _ =	vpop (xrf0);
	[tilespmem:s17], [sflag:$0x1] =	stream.linear.gather [hbm4b:s16+s1], $0x80, $0x38;
	[tilespmem:$0x10400] =	vst v63  }
0xab: {  	(xrf0) =	vadd.scan.msk.s32 $0xffff, v4;
	v4, _, _ =	vpop (xrf0);
	(v2sf) =	vpush v6, $0xF;
	s12 =	sadd.s32 s3, s12;
	s25 =	sand.u32 $0x1FFFFFF0, s9;
	s24 =	spop (v2sf)  }
0xac: {  	v7, _, _ =	vpop (xrf0);
	[tilespmem:s20], [sflag:$0x2] =	stream.linear.gather [hbm4b:s13+s1], $0x80, $0x38;
	[tilespmem:$0x10400] =	vst v63  }
0xad: {  	(v2sf) =	vpush v7, $0xF;
	s17 =	sshll.u32 s0, $0x4;
	s16 =	sshll.u32 s24, $0x4;
	s0 =	spop (v2sf)  }
0xae: {  	s24 =	sand.u32 $0x1FFFFFF0, s17;
	s28 =	sand.u32 $0x1FFFFFF0, s16;
	s17 =	spop (v2sf)  }
0xaf: {  	(v2sf) =	vpush v8, $0xF;
	[tilespmem:s10], [sflag:$0x1] =	stream.linear.gather [hbm4b:s12+s1], $0x80, $0x38;
	[tilespmem:$0x10400] =	vst v63  }
0xb0: {  	s9 =	sshll.u32 s0, $0x4;
	s28 =	sadd.s32 s3, s28;
	s0 =	spop (v2sf)  }
0xb1: {  	s9 =	sand.u32 $0x1FFFFFF0, s9;
	s16 =	sshll.u32 s17, $0x4;
	s17 =	sshll.u32 s0, $0x4  }
0xb2: {  	s29 =	sadd.s32 s4, s9;
	s9 =	sand.u32 $0x1FFFFFF0, s17;
	s0 =	spop (v2sf)  }
0xb3: {  	[tilespmem:s8], [sflag:$0x2] =	stream.linear.gather [hbm4b:s29+s1], $0x80, $0x38;
	[tilespmem:$0x10400] =	vst v63  }
0xb4: {  	s17 =	sand.u32 $0x1FFFFFF0, s26;
	s26 =	sshll.u32 s0, $0x4;
	s30 =	spop (v2sf)  }
0xb5: {  	s16 =	sand.u32 $0x1FFFFFF0, s16;
	(v2sf) =	vpush v4, $0xF;
	s13 =	sand.u32 $0x1FFFFFF0, s26;
	s0 =	spop (v2sf)  }
0xb6: {  	s26 =	sshll.u32 s30, $0x4;
	s20 =	sshll.u32 s0, $0x4;
	s0 =	spop (v2sf)  }
0xb7: {  	s30 =	sand.u32 $0x1FFFFFF0, s26;
	s13 =	sadd.s32 s3, s13;
	s31 =	spop (v2sf)  }
0xb8: {  	v60, _, _ =	vpop (xrf0);
	s26 =	sshll.u32 s0, $0x4;
	s0 =	sadd.s32 $0x8680, s18;
	s10 =	sshll.u32 s31, $0x4  }
0xb9: {  	(v2sf) =	vpush v60, $0xF;
	s31 =	smov.u32 s2;
	s2 =	sadd.s32 s4, s25;
	s25 =	rddreg [dreg:$0x18]  }
0xba: {  	s12 =	spop (v2sf);
	s8 =	sand.u32 $0x1FFFFFF0, s10;
	s10 =	rddreg [dreg:$0x1c]  }
0xbb: {  	v16 =	vsel vm11, $0x0, v1;
	v7, _, _ =	vpop (xrf0);
	[tilespmem:s10], [sflag:$0x1] =	stream.linear.gather [hbm4b:s28+s1], $0x80, $0x38;
	[tilespmem:$0x10400] =	vst v63  }
0xbc: {  	(xrf0) =	vadd.scan.msk.s32 $0xffff, v16;
	(v2sf) =	vpush v7, $0xF;
	s29 =	spop (v2sf);
	s28 =	smov.u32 s11;
	s11 =	sshll.u32 s12, $0x4  }
0xbd: {  	v17 =	vsel vm12, $0x0, v1;
	[tilespmem:s25], [sflag:$0x2] =	stream.linear.gather [hbm4b:s2+s1], $0x80, $0x38;
	[tilespmem:$0x10400] =	vst v63  }
0xbe: {  	v18 =	vsel vm13, $0x0, v1;
	(xrf0) =	vadd.scan.msk.s32 $0xffff, v17;
	s10 =	sand.u32 $0x1FFFFFF0, s11;
	s25 =	rddreg [dreg:$0x16];
	s12 =	spop (v2sf)  }
0xbf: {  	(xrf0) =	vadd.scan.msk.s32 $0xffff, v18;
	s2 =	sadd.s32 s4, s24;
	s24 =	rddreg [dreg:$0x14];
	s12 =	sshll.u32 s12, $0x4  }
0xc0: {  	v52 =	vsel vm14, $0x0, v1;
	[tilespmem:s25], [sflag:$0x1] =	stream.linear.gather [hbm4b:s13+s1], $0x80, $0x38;
	[tilespmem:$0x10400] =	vst v63  }
0xc1: {  	(xrf0) =	vadd.scan.msk.s32 $0xffff, v52;
	s25 =	sshll.u32 s29, $0x4;
	s29 =	rddreg [dreg:$0x1f];
	s12 =	sand.u32 $0x1FFFFFF0, s12  }
0xc2: {  	[tilespmem:s24], [sflag:$0x2] =	stream.linear.gather [hbm4b:s2+s1], $0x80, $0x38;
	[tilespmem:$0x10400] =	vst v63  }
0xc3: {  	v1 =	vsel vm15, $0x0, v1;
	v61, _, _ =	vpop (xrf0);
	(xrf0) =	vadd.scan.msk.s32 $0xffff, v0;
	s11 =	sand.u32 $0x1FFFFFF0, s25;
	s25 =	rddreg [dreg:$0x12];
	s12 =	sadd.s32 s3, s12  }
0xc4: {  	v8, _, _ =	vpop (xrf0);
	(xrf0) =	vadd.scan.msk.s32 $0xffff, v1;
	s2 =	sadd.s32 s3, s30;
	s30 =	sld [smem:$0x7F5];
	s13 =	spop (v2sf)  }
0xc5: {  	[tilespmem:s25], [sflag:$0x1] =	stream.linear.gather [hbm4b:s2+s1], $0x80, $0x38;
	[tilespmem:$0x10400] =	vst v63  }
0xc6: {  	v62, _, _ =	vpop (xrf0);
	(xrf0) =	vadd.scan.msk.s32 $0xffff, v3;
	s11 =	sadd.s32 s4, s11;
	s13 =	sshll.u32 s13, $0x4;
	s2 =	sand.u32 $0x1FFFFFF0, s26  }
0xc7: {  	[tilespmem:s23], [sflag:$0x2] =	stream.linear.gather [hbm4b:s11+s1], $0x80, $0x38;
	[tilespmem:$0x10400] =	vst v63  }
0xc8: {  	v63, _, _ =	vpop (xrf0);
	(v2sf) =	vpush v61, $0xF;
	s26 =	rddreg [dreg:$0x11];
	s2 =	sadd.s32 s3, s2;
	s25 =	spop (v2sf)  }
.Ltmp0:
0xc9: {  	v6, _, _ =	vpop (xrf0);
	(v2sf) =	vpush v8, $0xF;
	s23 =	sshll.u32 s25, $0x4;
	s25 =	rddreg [dreg:$0x1a];
	(pc) =	sbr.rel @p0 .LBB2_2-.Ltmp0, $4  }
0xca: {  	v4, _, _ =	vpop (xrf0);
	(v2sf) =	vpush v5, $0xF;
	[tilespmem:s25], [sflag:$0x1] =	stream.linear.gather [hbm4b:s2+s1], $0x80, $0x38;
	[tilespmem:$0x10400] =	vst v63  }
0xcb: {  	v3, _, _ =	vpop (xrf0);
	(v2sf) =	vpush v62, $0xF;
	s13 =	sand.u32 $0x1FFFFFF0, s13;
	s24 =	spop (v2sf);
	s2 =	sadd.s32 s4, s16  }
0xcc: {  	v1, _, _ =	vpop (xrf0);
	(v2sf) =	vpush v2, $0xF;
	[tilespmem:s0], [sflag:$0x2] =	stream.linear.gather [hbm4b:s2+s1], $0x80, $0x38;
	[tilespmem:$0x10400] =	vst v63  }
0xcd: {  	v0, _, _ =	vpop (xrf0);
	s16 =	sand.u32 $0x1FFFFFF0, s23;
	s11 =	sshll.u32 s24, $0x4;
	(v2sf) =	vpush v63, $0xF;
	s0 =	rddreg [dreg:$0xf]  }
0xce: {  	[tilespmem:s0], [sflag:$0x1] =	stream.linear.gather [hbm4b:s12+s1], $0x80, $0x38;
	[tilespmem:$0x10400] =	vst v63  }
0xcf: {  	s21 =	sadd.s32 s4, s9;
	s2 =	rddreg [dreg:$0xb]  }
0xd0: {  	[tilespmem:s2], [sflag:$0x2] =	stream.linear.gather [hbm4b:s21+s1], $0x80, $0x38;
	[tilespmem:$0x10400] =	vst v63  }
0xd1: {  	s22 =	sadd.s32 s3, s13;
	s23 =	rddreg [dreg:$0x9];
	s24 =	sand.u32 $0x1FFFFFF0, s20  }
0xd2: {  	[tilespmem:s23], [sflag:$0x1] =	stream.linear.gather [hbm4b:s22+s1], $0x80, $0x38;
	[tilespmem:$0x10400] =	vst v63  }
0xd3: {  	s25 =	sadd.s32 $0x8780, s18;
	s0 =	sadd.s32 s4, s24  }
0xd4: {  	[tilespmem:s25], [sflag:$0x2] =	stream.linear.gather [hbm4b:s0+s1], $0x80, $0x38;
	[tilespmem:$0x10400] =	vst v63  }
0xd5: {  	s2 =	sadd.s32 s3, s16  }
0xd6: {  	[tilespmem:s30], [sflag:$0x1] =	stream.linear.gather [hbm4b:s2+s1], $0x80, $0x38;
	[tilespmem:$0x10400] =	vst v63  }
0xd7: {  	s8 =	sadd.s32 s4, s8;
	s9 =	sand.u32 $0x1FFFFFF0, s11  }
0xd8: {  	[tilespmem:s14], [sflag:$0x2] =	stream.linear.gather [hbm4b:s8+s1], $0x80, $0x38;
	[tilespmem:$0x10400] =	vst v63  }
0xd9: {  	s0 =	sadd.s32 s3, s9;
	s11 =	spop (v2sf)  }
0xda: {  	[tilespmem:s29], [sflag:$0x1] =	stream.linear.gather [hbm4b:s0+s1], $0x80, $0x38;
	[tilespmem:$0x10400] =	vst v63  }
0xdb: {  	s0 =	sshll.u32 s11, $0x4  }
0xdc: {  	s10 =	sadd.s32 s4, s10;
	s0 =	sand.u32 $0x1FFFFFF0, s0  }
0xdd: {  	[tilespmem:s28], [sflag:$0x2] =	stream.linear.gather [hbm4b:s10+s1], $0x80, $0x38;
	[tilespmem:$0x10400] =	vst v63  }
0xde: {  	s12 =	spop (v2sf);
	s0 =	sadd.s32 s3, s0  }
0xdf: {  	(v2sf) =	vpush v6, $0xF;
	[tilespmem:s26], [sflag:$0x1] =	stream.linear.gather [hbm4b:s0+s1], $0x80, $0x38;
	[tilespmem:$0x10400] =	vst v63  }
0xe0: {  	s0 =	sshll.u32 s12, $0x4  }
0xe1: {  	s13 =	spop (v2sf);
	s0 =	sand.u32 $0x1FFFFFF0, s0  }
0xe2: {  	s14 =	spop (v2sf);
	s0 =	sadd.s32 s4, s0  }
0xe3: {  	[tilespmem:s7], [sflag:$0x2] =	stream.linear.gather [hbm4b:s0+s1], $0x80, $0x38;
	[tilespmem:$0x10400] =	vst v63  }
0xe4: {  	s7 =	sshll.u32 s14, $0x4  }
0xe5: {  	s7 =	sand.u32 $0x1FFFFFF0, s7  }
0xe6: {  	(v2sf) =	vpush v4, $0xF;
	s16 =	spop (v2sf);
	s7 =	sadd.s32 s3, s7  }
0xe7: {  	[tilespmem:s15], [sflag:$0x1] =	stream.linear.gather [hbm4b:s7+s1], $0x80, $0x38;
	[tilespmem:$0x10400] =	vst v63  }
0xe8: {  	s15 =	sadd.s32 s4, s17;
	s17 =	spop (v2sf)  }
0xe9: {  	s7 =	sshll.u32 s17, $0x4  }
0xea: {  	(v2sf) =	vpush v3, $0xF;
	[tilespmem:s6], [sflag:$0x2] =	stream.linear.gather [hbm4b:s15+s1], $0x80, $0x38;
	[tilespmem:$0x10400] =	vst v63  }
0xeb: {  	s0 =	sshll.u32 s13, $0x4;
	s7 =	sand.u32 $0x1FFFFFF0, s7  }
0xec: {  	s0 =	sand.u32 $0x1FFFFFF0, s0;
	s7 =	sadd.s32 s3, s7  }
0xed: {  	[tilespmem:s5], [sflag:$0x1] =	stream.linear.gather [hbm4b:s7+s1], $0x80, $0x38;
	[tilespmem:$0x10400] =	vst v63  }
0xee: {  	s19 =	rddreg [dreg:$0xd];
	s0 =	sadd.s32 s4, s0;
	s20 =	spop (v2sf)  }
0xef: {  	[tilespmem:s19], [sflag:$0x2] =	stream.linear.gather [hbm4b:s0+s1], $0x80, $0x38;
	[tilespmem:$0x10400] =	vst v63  }
0xf0: {  	(v2sf) =	vpush v1, $0xF;
	s0 =	sshll.u32 s20, $0x4  }
0xf1: {  	s0 =	sand.u32 $0x1FFFFFF0, s0  }
0xf2: {  	s21 =	rddreg [dreg:$0x7];
	s22 =	sshll.u32 s16, $0x4;
	s0 =	sadd.s32 s3, s0  }
0xf3: {  	(v2sf) =	vpush v0, $0xF;
	[tilespmem:s21], [sflag:$0x1] =	stream.linear.gather [hbm4b:s0+s1], $0x80, $0x38;
	[tilespmem:$0x10400] =	vst v63  }
0xf4: {  	s0 =	sand.u32 $0x1FFFFFF0, s22  }
0xf5: {  	s23 =	rddreg [dreg:$0x5];
	s24 =	spop (v2sf);
	s0 =	sadd.s32 s4, s0  }
0xf6: {  	[tilespmem:s23], [sflag:$0x2] =	stream.linear.gather [hbm4b:s0+s1], $0x80, $0x38;
	[tilespmem:$0x10400] =	vst v63  }
0xf7: {  	s0 =	sshll.u32 s24, $0x4  }
0xf8: {  	s0 =	sand.u32 $0x1FFFFFF0, s0  }
0xf9: {  	s25 =	spop (v2sf);
	s0 =	sadd.s32 s3, s0  }
0xfa: {  	[tilespmem:s31], [sflag:$0x1] =	stream.linear.gather [hbm4b:s0+s1], $0x80, $0x38;
	[tilespmem:$0x10400] =	vst v63  }
0xfb: {  	s0 =	sshll.u32 s25, $0x4  }
0xfc: {  	s0 =	sand.u32 $0x1FFFFFF0, s0  }
0xfd: {  	s26 =	sadd.s32 $0x8B00, s18;
	s0 =	sadd.s32 s4, s0  }
0xfe: {  	[tilespmem:s26], [sflag:$0x2] =	stream.linear.gather [hbm4b:s0+s1], $0x80, $0x38;
	[tilespmem:$0x10400] =	vst v63  }
0xff: {  	s28 =	spop (v2sf)  }
0x100: {  	s0 =	sshll.u32 s28, $0x4  }
0x101: {  	s0 =	sand.u32 $0x1FFFFFF0, s0  }
0x102: {  	s29 =	sadd.s32 $0xB80, s18;
	s30 =	spop (v2sf);
	s0 =	sadd.s32 s3, s0  }
0x103: {  	[tilespmem:s29], [sflag:$0x1] =	stream.linear.gather [hbm4b:s0+s1], $0x80, $0x38;
	[tilespmem:$0x10400] =	vst v63  }
0x104: {  	s0 =	sshll.u32 s30, $0x4  }
0x105: {  	s0 =	sand.u32 $0x1FFFFFF0, s0  }
0x106: {  	s2 =	simm.s32 $0x1;
	s31 =	sadd.s32 $0x8B80, s18;
	s0 =	sadd.s32 s4, s0  }
0x107: {  	[tilespmem:s31], [sflag:$0x2] =	stream.linear.gather [hbm4b:s0+s1], $0x80, $0x38;
	[tilespmem:$0x10400] =	vst v63  }
0x108: {  	_ =	swait.ge [sflag:s2], $0x80  }
0x109: {  	[sflag:s2] =	ssyncset.done $0x0  }
0x10a: {  	s5 =	simm.s32 $0x2;
	[sflag:s2] =	ssyncadd.s32 $0xFFFFFF80  }
0x10b: {  	_ =	swait.ge [sflag:s5], $0x80  }
0x10c: {  	s0 =	simm.s32 $0xFF;
	[sflag:s5] =	ssyncset.done $0x0  }
.LBB2_4:
0x10d: {  	p0 =	sne.s32 s0, $0x1;
	s0 =	sadd.s32 $0xFFFFFFFF, s0;
	[sflag:s5] =	ssyncadd.s32 $0xFFFFFF80  }
.Ltmp1:
0x10e: {  	_ =	swait.ge [sflag:s2], $0x80;
	(pc) =	sbr.rel @p0 .LBB2_4-.Ltmp1, $4  }
0x10f: {  	[sflag:s2] =	ssyncset.done $0x0  }
0x110: {  	[sflag:s2] =	ssyncadd.s32 $0xFFFFFF80  }
0x111: {  	_ =	swait.ge [sflag:s5], $0x80  }
0x112: {  	[sflag:s5] =	ssyncset.done $0x0  }
0x113: {  	s2 =	sld [smem:$0x7F9]  }
0x114: {  	[sflag:s5] =	ssyncadd.s32 $0xFFFFFF80  }
0x115: {  	s0 =	simm.s32 $0x0;
	s19 =	simm.s32 $0x400;
	s20 =	simm.s32 $0x3  }
0x116: {  	[hbm4b:s2+s0] =	stream.linear.scatter [tilespmem:s19], [sflag:$0x3], $0x8000, $0x38;
	[tilespmem:$0x10400] =	vst v63  }
0x117: {  	_ =	swait.ge [sflag:s20], $0x8000  }
0x118: {  	s21 =	sld [smem:$0x7FA]  }
0x119: {  	[sflag:s20] =	ssyncset.done $0x0  }
0x11a: {  	s6 =	simm.s32 $0x8400;
	[sflag:s20] =	ssyncadd.s32 $0xFFFF8000  }
0x11b: {  	[hbm4b:s21+s0] =	stream.linear.scatter [tilespmem:s6], [sflag:$0x3], $0x8000, $0x38;
	[tilespmem:$0x10400] =	vst v63  }
0x11c: {  	_ =	swait.ge [sflag:s20], $0x8000  }
0x11d: {  	[sflag:s20] =	ssyncset.done $0x0  }
0x11e: {  	s22 =	simm.s32 $0x300;
	[sflag:s20] =	ssyncadd.s32 $0xFFFF8000  }
0x11f: {  	s23 =	simm.s32 $0x100;
	v0 =	vld [tilespmem:s22+$0x0]  }
0x120: {  	v1 =	vld [tilespmem:s23+$0x0];
	_ =	sdelay $0x3  }
0x121: {  	v2 =	vnsel vm0, $0x0, v0  }
0x122: {  	v3 =	vnsel vm0, $0x0, v1;
	(xrf0) =	vadd.scan.msk.s32 $0xffff, v2  }
0x123: {  	v2 =	vsel vm1, $0x0, v1;
	(xrf0) =	vadd.scan.msk.s32 $0xffff, v3  }
0x124: {  	v3 =	vsel vm11, $0x0, v0;
	(xrf0) =	vadd.scan.msk.s32 $0xffff, v2  }
0x125: {  	v2 =	vsel vm2, $0x0, v0;
	(xrf0) =	vadd.scan.msk.s32 $0xffff, v3;
	v3 =	vsel vm3, $0x0, v0  }
0x126: {  	(xrf0) =	vadd.scan.msk.s32 $0xffff, v2;
	v2 =	vsel vm2, $0x0, v1  }
0x127: {  	(xrf0) =	vadd.scan.msk.s32 $0xffff, v3  }
0x128: {  	v4 =	vsel vm5, $0x0, v0;
	v3, _, _ =	vpop (xrf0);
	(xrf0) =	vadd.scan.msk.s32 $0xffff, v2  }
0x129: {  	v2, _, _ =	vpop (xrf0);
	(v2sf) =	vpush v3, $0xF;
	v3 =	vsel vm1, $0x0, v0;
	(xrf0) =	vadd.scan.msk.s32 $0xffff, v4;
	v4 =	vsel vm12, $0x0, v0  }
0x12a: {  	(v2sf) =	vpush v2, $0xF;
	v2, _, _ =	vpop (xrf0);
	(xrf0) =	vadd.scan.msk.s32 $0xffff, v3;
	v3 =	vsel vm6, $0x0, v0  }
0x12b: {  	(v2sf) =	vpush v2, $0xF;
	v2, _, _ =	vpop (xrf0)  }
0x12c: {  	(xrf0) =	vadd.scan.msk.s32 $0xffff, v4;
	v4, _, _ =	vpop (xrf0);
	(v2sf) =	vpush v2, $0xF;
	v2 =	vsel vm13, $0x0, v0  }
0x12d: {  	(xrf0) =	vadd.scan.msk.s32 $0xffff, v3;
	(v2sf) =	vpush v4, $0xF;
	v3, _, _ =	vpop (xrf0);
	v4 =	vsel vm3, $0x0, v1  }
0x12e: {  	(v2sf) =	vpush v3, $0xF;
	v3 =	vsel vm4, $0x0, v1  }
0x12f: {  	(xrf0) =	vadd.scan.msk.s32 $0xffff, v2;
	v2, _, _ =	vpop (xrf0)  }
0x130: {  	(xrf0) =	vadd.scan.msk.s32 $0xffff, v4;
	v4, _, _ =	vpop (xrf0);
	(v2sf) =	vpush v2, $0xF  }
0x131: {  	v2 =	vsel vm7, $0x0, v0;
	(xrf0) =	vadd.scan.msk.s32 $0xffff, v3;
	v3, _, _ =	vpop (xrf0)  }
0x132: {  	s18 =	simm.s32 $0x0;
	s8 =	simm.s32 $0x8500;
	s26 =	simm.s32 $0x900;
	(v2sf) =	vpush v3, $0xF  }
0x133: {  	s5 =	simm.s32 $0x8580;
	s11 =	simm.s32 $0x400;
	s12 =	simm.s32 $0x480;
	v5 =	vsel vm8, $0x0, v0  }
0x134: {  	s13 =	simm.s32 $0x8400;
	s14 =	simm.s32 $0x500;
	s28 =	simm.s32 $0x8880;
	(xrf0) =	vadd.scan.msk.s32 $0xffff, v2;
	v2, _, _ =	vpop (xrf0);
	(v2sf) =	vpush v4, $0xF  }
0x135: {  	s7 =	simm.s32 $0x680;
	s15 =	simm.s32 $0x8480;
	s29 =	simm.s32 $0x880;
	v3 =	vsel vm5, $0x0, v1;
	(xrf0) =	vadd.scan.msk.s32 $0xffff, v5;
	v4, _, _ =	vpop (xrf0)  }
0x136: {  	s30 =	simm.s32 $0x800;
	s10 =	simm.s32 $0x780;
	s24 =	simm.s32 $0x8700;
	(xrf0) =	vadd.scan.msk.s32 $0xffff, v3;
	v3 =	vsel vm9, $0x0, v0;
	v5, _, _ =	vpop (xrf0);
	(v2sf) =	vpush v4, $0xF  }
0x137: {  	s31 =	simm.s32 $0xB00;
	s19 =	simm.s32 $0x2000;
	s2 =	simm.s32 $0x600;
	(xrf0) =	vadd.scan.msk.s32 $0xffff, v3;
	v3 =	vsel vm7, $0x0, v1;
	v4, _, _ =	vpop (xrf0)  }
0x138: {  	s0 =	simm.s32 $0x700;
	s6 =	simm.s32 $0x580;
	v6 =	vsel vm6, $0x0, v1;
	(v2sf) =	vpush v4, $0xF;
	s16 =	spop (v2sf)  }
0x139: {  	s21 =	simm.s32 $0x110;
	[dreg:$0x8] =	wrdreg s10;
	(xrf0) =	vadd.scan.msk.s32 $0xffff, v6;
	v6 =	vsel vm4, $0x0, v0;
	v4, _, _ =	vpop (xrf0);
	s9 =	spop (v2sf)  }
0x13a: {  	[dreg:$0xa] =	wrdreg s24;
	s10 =	simm.s32 $0x8600;
	(xrf0) =	vadd.scan.msk.s32 $0xffff, v3;
	(v2sf) =	vpush v4, $0xF;
	v3, _, _ =	vpop (xrf0);
	s17 =	spop (v2sf)  }
0x13b: {  	(xrf0) =	vadd.scan.msk.s32 $0xffff, v6;
	v4, _, _ =	vpop (xrf0);
	(v2sf) =	vpush v3, $0xF;
	s16 =	sshll.u32 s16, $0x4;
	s20 =	sshll.u32 s9, $0x4;
	s9 =	spop (v2sf)  }
0x13c: {  	v6, _, _ =	vpop (xrf0);
	s16 =	sand.u32 $0x1FFFFFF0, s16;
	s20 =	sand.u32 $0x1FFFFFF0, s20;
	s22 =	spop (v2sf)  }
0x13d: {  	(v2sf) =	vpush v6, $0xF;
	s25 =	sshll.u32 s17, $0x4;
	s20 =	sadd.s32 s3, s20;
	s23 =	spop (v2sf)  }
0x13e: {  	v3, _, _ =	vpop (xrf0);
	(v2sf) =	vpush v4, $0xF;
	[tilespmem:s11], [sflag:$0x1] =	stream.linear.gather [hbm4b:s20+s1], $0x80, $0x38;
	[tilespmem:$0x10400] =	vst v63  }
0x13f: {  	s16 =	sadd.s32 s4, s16;
	v6, _, _ =	vpop (xrf0);
	s20 =	sand.u32 $0x1FFFFFF0, s25;
	s17 =	spop (v2sf)  }
0x140: {  	v4, _, _ =	vpop (xrf0);
	(v2sf) =	vpush v3, $0xF;
	[tilespmem:s13], [sflag:$0x2] =	stream.linear.gather [hbm4b:s16+s1], $0x80, $0x38;
	[tilespmem:$0x10400] =	vst v63  }
0x141: {  	v3, _, _ =	vpop (xrf0);
	s13 =	sadd.s32 s3, s20;
	s20 =	sshll.u32 s17, $0x4;
	s24 =	spop (v2sf)  }
0x142: {  	(v2sf) =	vpush v3, $0xF;
	[tilespmem:s12], [sflag:$0x1] =	stream.linear.gather [hbm4b:s13+s1], $0x80, $0x38;
	[tilespmem:$0x10400] =	vst v63  }
0x143: {  	s13 =	sand.u32 $0x1FFFFFF0, s20;
	s25 =	sshll.u32 s24, $0x4;
	s11 =	spop (v2sf)  }
0x144: {  	s13 =	sadd.s32 s3, s13;
	s16 =	sand.u32 $0x1FFFFFF0, s25;
	s25 =	sshll.u32 s22, $0x4  }
0x145: {  	s22 =	simm.s32 $0x310;
	s12 =	spop (v2sf);
	s16 =	sadd.s32 s4, s16  }
0x146: {  	[tilespmem:s15], [sflag:$0x2] =	stream.linear.gather [hbm4b:s16+s1], $0x80, $0x38;
	[tilespmem:$0x10400] =	vst v63  }
0x147: {  	s11 =	sshll.u32 s11, $0x4;
	s15 =	sand.u32 $0x1FFFFFF0, s25;
	s24 =	spop (v2sf)  }
0x148: {  	v3 =	vsel vm8, $0x0, v1;
	[tilespmem:s14], [sflag:$0x1] =	stream.linear.gather [hbm4b:s13+s1], $0x80, $0x38;
	[tilespmem:$0x10400] =	vst v63  }
0x149: {  	v7 =	vsel vm9, $0x0, v1;
	(xrf0) =	vadd.scan.msk.s32 $0xffff, v3;
	s12 =	sshll.u32 s12, $0x4;
	s16 =	spop (v2sf);
	s20 =	sshll.u32 s24, $0x4  }
0x14a: {  	(xrf0) =	vadd.scan.msk.s32 $0xffff, v7;
	s13 =	sadd.s32 s4, s15;
	s24 =	sshll.u32 s23, $0x4;
	s14 =	spop (v2sf)  }
0x14b: {  	[tilespmem:s8], [sflag:$0x2] =	stream.linear.gather [hbm4b:s13+s1], $0x80, $0x38;
	[tilespmem:$0x10400] =	vst v63  }
0x14c: {  	s25 =	sand.u32 $0x1FFFFFF0, s20;
	s20 =	sshll.u32 s16, $0x4;
	s17 =	spop (v2sf)  }
0x14d: {  	(v2sf) =	vpush v6, $0xF;
	s8 =	sand.u32 $0x1FFFFFF0, s24;
	s13 =	sadd.s32 s3, s25;
	s15 =	spop (v2sf)  }
0x14e: {  	(v2sf) =	vpush v4, $0xF;
	[tilespmem:s6], [sflag:$0x1] =	stream.linear.gather [hbm4b:s13+s1], $0x80, $0x38;
	v4 =	vsel vm10, $0x0, v1;
	[tilespmem:$0x10400] =	vst v63  }
0x14f: {  	v3, _, _ =	vpop (xrf0);
	s16 =	simm.s32 $0x8A80;
	s8 =	sadd.s32 s4, s8;
	s23 =	spop (v2sf);
	(xrf0) =	vadd.scan.msk.s32 $0xffff, v4  }
0x150: {  	(v2sf) =	vpush v3, $0xF;
	v3 =	vsel vm10, $0x0, v0;
	[tilespmem:s5], [sflag:$0x2] =	stream.linear.gather [hbm4b:s8+s1], $0x80, $0x38;
	[tilespmem:$0x10400] =	vst v63  }
0x151: {  	v6, _, _ =	vpop (xrf0);
	s25 =	simm.s32 $0xA80;
	s6 =	sand.u32 $0x1FFFFFF0, s20;
	(xrf0) =	vadd.scan.msk.s32 $0xffff, v3;
	v3 =	vsel vm11, $0x0, v1;
	s24 =	spop (v2sf)  }
0x152: {  	[dreg:$0x4] =	wrdreg s16;
	s5 =	sadd.s32 s3, s6;
	(v2sf) =	vpush v6, $0xF;
	(xrf0) =	vadd.scan.msk.s32 $0xffff, v3;
	s13 =	sshll.u32 s24, $0x4  }
0x153: {  	v3 =	vsel vm12, $0x0, v1;
	[tilespmem:s2], [sflag:$0x1] =	stream.linear.gather [hbm4b:s5+s1], $0x80, $0x38;
	[tilespmem:$0x10400] =	vst v63  }
0x154: {  	s16 =	sand.u32 $0x1FFFFFF0, s11;
	[dreg:$0x6] =	wrdreg s25;
	v4 =	vsel vm13, $0x0, v1;
	(xrf0) =	vadd.scan.msk.s32 $0xffff, v3;
	s20 =	sand.u32 $0x1FFFFFF0, s13  }
0x155: {  	s25 =	simm.s32 $0x8A00;
	(xrf0) =	vadd.scan.msk.s32 $0xffff, v4;
	s13 =	sshll.u32 s17, $0x4;
	s24 =	sadd.s32 s4, s20  }
0x156: {  	v3 =	vsel vm14, $0x0, v1;
	[tilespmem:s10], [sflag:$0x2] =	stream.linear.gather [hbm4b:s24+s1], $0x80, $0x38;
	[tilespmem:$0x10400] =	vst v63  }
0x157: {  	s16 =	sadd.s32 s4, s16;
	[dreg:$0xc] =	wrdreg s25;
	v4 =	vsel vm14, $0x0, v0;
	(xrf0) =	vadd.scan.msk.s32 $0xffff, v3;
	s24 =	sand.u32 $0x1FFFFFF0, s13  }
0x158: {  	s6 =	simm.s32 $0x8980;
	s2 =	sshll.u32 s9, $0x4;
	(xrf0) =	vadd.scan.msk.s32 $0xffff, v4;
	s25 =	sadd.s32 s3, s24  }
0x159: {  	v1 =	vsel vm15, $0x0, v1;
	[tilespmem:s7], [sflag:$0x1] =	stream.linear.gather [hbm4b:s25+s1], $0x80, $0x38;
	[tilespmem:$0x10400] =	vst v63  }
0x15a: {  	s5 =	simm.s32 $0xA00;
	s17 =	sand.u32 $0x1FFFFFF0, s2;
	s2 =	simm.s32 $0x8680;
	v3, _, _ =	vpop (xrf0);
	(xrf0) =	vadd.scan.msk.s32 $0xffff, v1  }
0x15b: {  	v0 =	vsel vm15, $0x0, v0;
	v4, _, _ =	vpop (xrf0);
	[tilespmem:s2], [sflag:$0x2] =	stream.linear.gather [hbm4b:s16+s1], $0x80, $0x38;
	[tilespmem:$0x10400] =	vst v63  }
0x15c: {  	s9 =	sand.u32 $0x1FFFFFF0, s12;
	s10 =	sshll.u32 s15, $0x4;
	v1, _, _ =	vpop (xrf0);
	(xrf0) =	vadd.scan.msk.s32 $0xffff, v0;
	s11 =	spop (v2sf)  }
0x15d: {  	s13 =	sshll.u32 s23, $0x4;
	s8 =	sand.u32 $0x1FFFFFF0, s10;
	(v2sf) =	vpush v3, $0xF;
	v7, _, _ =	vpop (xrf0);
	s10 =	sshll.u32 s11, $0x4  }
0x15e: {  	s20 =	sshll.u32 s14, $0x4;
	v6, _, _ =	vpop (xrf0);
	(v2sf) =	vpush v4, $0xF;
	s14 =	sand.u32 $0x1FFFFFF0, s10;
	s10 =	sand.u32 $0x1FFFFFF0, s13  }
0x15f: {  	v4, _, _ =	vpop (xrf0);
	(v2sf) =	vpush v2, $0xF;
	s15 =	spop (v2sf);
	s12 =	sadd.s32 s3, s14;
	s14 =	simm.s32 $0x8800  }
0x160: {  	v3, _, _ =	vpop (xrf0);
	s23 =	spop (v2sf);
	s24 =	sshll.u32 s15, $0x4;
	(v2sf) =	vpush v1, $0xF;
	s15 =	simm.s32 $0x980  }
0x161: {  	v1, _, _ =	vpop (xrf0);
	s7 =	sshll.u32 s23, $0x4;
	s13 =	sand.u32 $0x1FFFFFF0, s24;
	(v2sf) =	vpush v5, $0xF;
	s25 =	spop (v2sf)  }
0x162: {  	v0, _, _ =	vpop (xrf0);
	s16 =	sand.u32 $0x1FFFFFF0, s7;
	(v2sf) =	vpush v7, $0xF;
	s7 =	simm.s32 $0x8900;
	s11 =	sshll.u32 s25, $0x4  }
.LBB2_6:
0x163: {  	[tilespmem:s0], [sflag:$0x1] =	stream.linear.gather [hbm4b:s12+s1], $0x80, $0x38;
	[tilespmem:$0x10400] =	vst v63  }
0x164: {  	s9 =	sadd.s32 s4, s9;
	s2 =	rddreg [dreg:$0xa]  }
0x165: {  	[tilespmem:s2], [sflag:$0x2] =	stream.linear.gather [hbm4b:s9+s1], $0x80, $0x38;
	[tilespmem:$0x10400] =	vst v63  }
0x166: {  	s9 =	sadd.s32 s3, s13;
	s13 =	sand.u32 $0x1FFFFFF0, s20;
	s2 =	rddreg [dreg:$0x8]  }
0x167: {  	[tilespmem:s2], [sflag:$0x1] =	stream.linear.gather [hbm4b:s9+s1], $0x80, $0x38;
	[tilespmem:$0x10400] =	vst v63  }
0x168: {  	s23 =	sadd.s32 $0x8780, s18;
	s20 =	sadd.s32 s4, s13  }
0x169: {  	[tilespmem:s23], [sflag:$0x2] =	stream.linear.gather [hbm4b:s20+s1], $0x80, $0x38;
	[tilespmem:$0x10400] =	vst v63  }
0x16a: {  	s20 =	sadd.s32 s3, s16  }
0x16b: {  	[tilespmem:s30], [sflag:$0x1] =	stream.linear.gather [hbm4b:s20+s1], $0x80, $0x38;
	[tilespmem:$0x10400] =	vst v63  }
0x16c: {  	s24 =	sand.u32 $0x1FFFFFF0, s11;
	s25 =	spop (v2sf)  }
0x16d: {  	s16 =	sadd.s32 s3, s24;
	s12 =	sshll.u32 s25, $0x4;
	s25 =	spop (v2sf);
	(v2sf) =	vpush v6, $0xF  }
0x16e: {  	s9 =	sshll.u32 s25, $0x4;
	s2 =	spop (v2sf);
	(v2sf) =	vpush v4, $0xF;
	s25 =	sadd.s32 s4, s8  }
0x16f: {  	[tilespmem:s14], [sflag:$0x2] =	stream.linear.gather [hbm4b:s25+s1], $0x80, $0x38;
	[tilespmem:$0x10400] =	vst v63  }
0x170: {  	s12 =	sand.u32 $0x1FFFFFF0, s12;
	s13 =	sshll.u32 s2, $0x4;
	s23 =	spop (v2sf)  }
0x171: {  	(v2sf) =	vpush v3, $0xF;
	[tilespmem:s29], [sflag:$0x1] =	stream.linear.gather [hbm4b:s16+s1], $0x80, $0x38;
	[tilespmem:$0x10400] =	vst v63  }
0x172: {  	s2 =	sshll.u32 s23, $0x4;
	s20 =	spop (v2sf);
	s23 =	sadd.s32 s4, s10  }
0x173: {  	(v2sf) =	vpush v1, $0xF;
	[tilespmem:s28], [sflag:$0x2] =	stream.linear.gather [hbm4b:s23+s1], $0x80, $0x38;
	[tilespmem:$0x10400] =	vst v63  }
0x174: {  	s9 =	sand.u32 $0x1FFFFFF0, s9;
	s8 =	sand.u32 $0x1FFFFFF0, s2;
	s2 =	sadd.s32 s3, s12  }
0x175: {  	[tilespmem:s26], [sflag:$0x1] =	stream.linear.gather [hbm4b:s2+s1], $0x80, $0x38;
	[tilespmem:$0x10400] =	vst v63  }
0x176: {  	s13 =	sand.u32 $0x1FFFFFF0, s13;
	s25 =	spop (v2sf);
	s12 =	sadd.s32 s4, s9  }
0x177: {  	(v2sf) =	vpush v0, $0xF;
	[tilespmem:s7], [sflag:$0x2] =	stream.linear.gather [hbm4b:s12+s1], $0x80, $0x38;
	[tilespmem:$0x10400] =	vst v63  }
0x178: {  	s24 =	sshll.u32 s20, $0x4;
	s13 =	sadd.s32 s4, s13;
	s23 =	sadd.s32 s3, s8  }
0x179: {  	[tilespmem:s15], [sflag:$0x1] =	stream.linear.gather [hbm4b:s23+s1], $0x80, $0x38;
	[tilespmem:$0x10400] =	vst v63  }
0x17a: {  	s10 =	sand.u32 $0x1FFFFFF0, s24;
	s16 =	sshll.u32 s25, $0x4;
	s26 =	sadd.s32 s4, s17  }
0x17b: {  	[tilespmem:s6], [sflag:$0x2] =	stream.linear.gather [hbm4b:s26+s1], $0x80, $0x38;
	[tilespmem:$0x10400] =	vst v63  }
0x17c: {  	s24 =	sand.u32 $0x1FFFFFF0, s16;
	s16 =	rddreg [dreg:$0xc];
	s20 =	spop (v2sf)  }
0x17d: {  	s7 =	sadd.s32 s3, s24;
	s25 =	sshll.u32 s20, $0x4;
	s2 =	spop (v2sf)  }
0x17e: {  	[tilespmem:s5], [sflag:$0x1] =	stream.linear.gather [hbm4b:s7+s1], $0x80, $0x38;
	[tilespmem:$0x10400] =	vst v63  }
0x17f: {  	s24 =	rddreg [dreg:$0x6];
	s8 =	sand.u32 $0x1FFFFFF0, s25;
	s9 =	sshll.u32 s2, $0x4  }
0x180: {  	s12 =	spop (v2sf);
	s25 =	sadd.s32 s4, s10;
	s14 =	sand.u32 $0x1FFFFFF0, s9  }
0x181: {  	[tilespmem:s16], [sflag:$0x2] =	stream.linear.gather [hbm4b:s13+s1], $0x80, $0x38;
	[tilespmem:$0x10400] =	vst v63  }
0x182: {  	s15 =	sshll.u32 s12, $0x4;
	s17 =	sadd.s32 s3, s8;
	s23 =	spop (v2sf)  }
0x183: {  	[tilespmem:s24], [sflag:$0x1] =	stream.linear.gather [hbm4b:s17+s1], $0x80, $0x38;
	[tilespmem:$0x10400] =	vst v63  }
0x184: {  	s9 =	rddreg [dreg:$0x4];
	s20 =	sand.u32 $0x1FFFFFF0, s15;
	s6 =	sshll.u32 s23, $0x4  }
0x185: {  	[tilespmem:s9], [sflag:$0x2] =	stream.linear.gather [hbm4b:s25+s1], $0x80, $0x38;
	[tilespmem:$0x10400] =	vst v63  }
0x186: {  	s26 =	spop (v2sf);
	s10 =	sadd.s32 s3, s14;
	s14 =	sadd.s32 $0x8B00, s18  }
0x187: {  	[tilespmem:s31], [sflag:$0x1] =	stream.linear.gather [hbm4b:s10+s1], $0x80, $0x38;
	[tilespmem:$0x10400] =	vst v63  }
0x188: {  	s12 =	sand.u32 $0x1FFFFFF0, s6;
	s13 =	sshll.u32 s26, $0x4;
	s2 =	sadd.s32 s4, s20  }
0x189: {  	[tilespmem:s14], [sflag:$0x2] =	stream.linear.gather [hbm4b:s2+s1], $0x80, $0x38;
	[tilespmem:$0x10400] =	vst v63  }
0x18a: {  	s15 =	sadd.s32 $0xB80, s18;
	s6 =	sand.u32 $0x1FFFFFF0, s13;
	s16 =	sadd.s32 s3, s12  }
0x18b: {  	[tilespmem:s15], [sflag:$0x1] =	stream.linear.gather [hbm4b:s16+s1], $0x80, $0x38;
	[tilespmem:$0x10400] =	vst v63  }
0x18c: {  	s17 =	sadd.s32 $0x8B80, s18;
	s18 =	sadd.s32 s4, s6  }
0x18d: {  	[tilespmem:s17], [sflag:$0x2] =	stream.linear.gather [hbm4b:s18+s1], $0x80, $0x38;
	[tilespmem:$0x10400] =	vst v63  }
0x18e: {  	v2 =	vld [tilespmem:s22+$0x0]  }
0x18f: {  	v1 =	vld [tilespmem:s21+$0x0];
	_ =	sdelay $0x3  }
0x190: {  	v3 =	vnsel vm0, $0x0, v2  }
0x191: {  	v6 =	vnsel vm0, $0x0, v1;
	(xrf0) =	vadd.scan.msk.s32 $0xffff, v3  }
0x192: {  	(xrf0) =	vadd.scan.msk.s32 $0xffff, v6  }
0x193: {  	v7 =	vsel vm1, $0x0, v1  }
0x194: {  	v11 =	vsel vm11, $0x0, v2;
	(xrf0) =	vadd.scan.msk.s32 $0xffff, v7  }
0x195: {  	v5 =	vsel vm2, $0x0, v2;
	(xrf0) =	vadd.scan.msk.s32 $0xffff, v11  }
0x196: {  	s11 =	smov.u32 s19;
	v51 =	vsel vm3, $0x0, v2;
	(xrf0) =	vadd.scan.msk.s32 $0xffff, v5  }
0x197: {  	s18 =	sshra.s32 s11, $0x2;
	(xrf0) =	vadd.scan.msk.s32 $0xffff, v51;
	v19, _, _ =	vpop (xrf0)  }
0x198: {  	s20 =	sadd.s32 $0x8500, s18;
	v3 =	vsel vm2, $0x0, v1;
	v21, _, _ =	vpop (xrf0);
	(v2sf) =	vpush v19, $0xF  }
0x199: {  	s23 =	sadd.s32 $0x700, s18;
	[dreg:$0x19] =	wrdreg s20;
	v5 =	vsel vm5, $0x0, v2;
	(xrf0) =	vadd.scan.msk.s32 $0xffff, v3;
	(v2sf) =	vpush v21, $0xF  }
0x19a: {  	s24 =	sadd.s32 $0x900, s18;
	[dreg:$0xe] =	wrdreg s23;
	v20 =	vsel vm1, $0x0, v2;
	(xrf0) =	vadd.scan.msk.s32 $0xffff, v5;
	v53, _, _ =	vpop (xrf0)  }
0x19b: {  	p0 =	sne.s32 s19, $0x1E000;
	s25 =	sadd.s32 $0x580, s18;
	[dreg:$0x10] =	wrdreg s24;
	v5 =	vsel vm12, $0x0, v2;
	(xrf0) =	vadd.scan.msk.s32 $0xffff, v20;
	(v2sf) =	vpush v53, $0xF;
	v55, _, _ =	vpop (xrf0)  }
0x19c: {  	s19 =	sadd.s32 $0x2000, s19;
	s26 =	sadd.s32 $0x8580, s18;
	[dreg:$0x17] =	wrdreg s25;
	v54 =	vsel vm6, $0x0, v2;
	(xrf0) =	vadd.scan.msk.s32 $0xffff, v5;
	v56, _, _ =	vpop (xrf0);
	(v2sf) =	vpush v55, $0xF  }
0x19d: {  	s17 =	sadd.s32 $0x400, s18;
	s2 =	sadd.s32 $0x600, s18;
	[dreg:$0x15] =	wrdreg s26;
	v22 =	vsel vm13, $0x0, v2;
	v6 =	vsel vm4, $0x0, v1;
	(xrf0) =	vadd.scan.msk.s32 $0xffff, v54;
	(v2sf) =	vpush v56, $0xF;
	v57, _, _ =	vpop (xrf0)  }
0x19e: {  	s10 =	sadd.s32 $0x480, s18;
	s5 =	sadd.s32 $0x500, s18;
	[dreg:$0x13] =	wrdreg s2;
	v8 =	vsel vm3, $0x0, v1;
	(xrf0) =	vadd.scan.msk.s32 $0xffff, v22;
	(v2sf) =	vpush v57, $0xF  }
0x19f: {  	s11 =	sadd.s32 $0x8880, s18;
	s6 =	sadd.s32 $0x680, s18;
	[dreg:$0x1d] =	wrdreg s5;
	v5, _, _ =	vpop (xrf0);
	(xrf0) =	vadd.scan.msk.s32 $0xffff, v8  }
0x1a0: {  	s8 =	sadd.s32 $0x8480, s18;
	s7 =	sadd.s32 $0x880, s18;
	[dreg:$0x1b] =	wrdreg s6;
	(xrf0) =	vadd.scan.msk.s32 $0xffff, v6;
	v6, _, _ =	vpop (xrf0);
	(v2sf) =	vpush v5, $0xF  }
0x1a1: {  	s9 =	sadd.s32 $0x800, s18;
	s12 =	sadd.s32 $0x780, s18;
	[dreg:$0x1e] =	wrdreg s7;
	v8 =	vsel vm7, $0x0, v2;
	v59, _, _ =	vpop (xrf0)  }
0x1a2: {  	s13 =	sadd.s32 $0x8700, s18;
	s21 =	sadd.s32 $0x10, s21;
	[smem:$0x7F4] =	sst s9;
	v58 =	vsel vm8, $0x0, v2;
	(xrf0) =	vadd.scan.msk.s32 $0xffff, v8;
	(v2sf) =	vpush v59, $0xF  }
0x1a3: {  	s22 =	sadd.s32 $0x10, s22;
	s14 =	sadd.s32 $0xA80, s18;
	[dreg:$0x8] =	wrdreg s12;
	v10 =	vsel vm5, $0x0, v1;
	(xrf0) =	vadd.scan.msk.s32 $0xffff, v58;
	v5, _, _ =	vpop (xrf0);
	(v2sf) =	vpush v6, $0xF  }
0x1a4: {  	s15 =	sadd.s32 $0x8A80, s18;
	s16 =	sadd.s32 $0x8A00, s18;
	[dreg:$0xa] =	wrdreg s13;
	v0 =	vsel vm14, $0x0, v2;
	v4 =	vsel vm10, $0x0, v2;
	v9 =	vsel vm4, $0x0, v2;
	(xrf0) =	vadd.scan.msk.s32 $0xffff, v10;
	v6, _, _ =	vpop (xrf0)  }
0x1a5: {  	s20 =	sadd.s32 $0x8400, s18;
	s23 =	sadd.s32 $0x8600, s18;
	[dreg:$0x6] =	wrdreg s14;
	v3 =	vsel vm15, $0x0, v2;
	v8 =	vsel vm9, $0x0, v2;
	(v2sf) =	vpush v6, $0xF;
	v2, _, _ =	vpop (xrf0)  }
0x1a6: {  	[dreg:$0x4] =	wrdreg s15;
	s2 =	sadd.s32 $0xB00, s18;
	s6 =	sadd.s32 $0x8980, s18;
	v7 =	vsel vm6, $0x0, v1;
	v6, _, _ =	vpop (xrf0)  }
0x1a7: {  	s5 =	sadd.s32 $0xA00, s18;
	[dreg:$0xc] =	wrdreg s16;
	(xrf0) =	vadd.scan.msk.s32 $0xffff, v8;
	(v2sf) =	vpush v6, $0xF;
	v6, _, _ =	vpop (xrf0);
	s24 =	spop (v2sf)  }
0x1a8: {  	s7 =	sadd.s32 $0x8900, s18;
	s15 =	sadd.s32 $0x980, s18;
	v12 =	vsel vm7, $0x0, v1;
	(xrf0) =	vadd.scan.msk.s32 $0xffff, v7;
	(v2sf) =	vpush v6, $0xF;
	v6, _, _ =	vpop (xrf0);
	s25 =	spop (v2sf)  }
0x1a9: {  	s14 =	sadd.s32 $0x8800, s18;
	(xrf0) =	vadd.scan.msk.s32 $0xffff, v12;
	v7, _, _ =	vpop (xrf0);
	s9 =	sshll.u32 s24, $0x4;
	s12 =	sshll.u32 s25, $0x4  }
0x1aa: {  	v13 =	vsel vm8, $0x0, v1;
	(xrf0) =	vadd.scan.msk.s32 $0xffff, v9;
	v8, _, _ =	vpop (xrf0);
	(v2sf) =	vpush v6, $0xF;
	s13 =	sand.u32 $0x1FFFFFF0, s9;
	s26 =	spop (v2sf);
	s16 =	sand.u32 $0x1FFFFFF0, s12  }
0x1ab: {  	v14 =	vsel vm9, $0x0, v1;
	(xrf0) =	vadd.scan.msk.s32 $0xffff, v13;
	(v2sf) =	vpush v8, $0xF;
	s9 =	sshll.u32 s26, $0x4;
	s0 =	spop (v2sf);
	s13 =	sadd.s32 s4, s13  }
0x1ac: {  	v15 =	vsel vm10, $0x0, v1;
	(xrf0) =	vadd.scan.msk.s32 $0xffff, v14;
	(v2sf) =	vpush v7, $0xF;
	s12 =	sand.u32 $0x1FFFFFF0, s9;
	s26 =	sshll.u32 s0, $0x4;
	s25 =	spop (v2sf)  }
0x1ad: {  	v6, _, _ =	vpop (xrf0);
	(xrf0) =	vadd.scan.msk.s32 $0xffff, v15;
	s16 =	sadd.s32 s3, s16;
	s9 =	sshll.u32 s25, $0x4;
	s0 =	spop (v2sf)  }
0x1ae: {  	v8, _, _ =	vpop (xrf0);
	[tilespmem:s17], [sflag:$0x1] =	stream.linear.gather [hbm4b:s16+s1], $0x80, $0x38;
	[tilespmem:$0x10400] =	vst v63  }
0x1af: {  	(xrf0) =	vadd.scan.msk.s32 $0xffff, v4;
	v4, _, _ =	vpop (xrf0);
	(v2sf) =	vpush v6, $0xF;
	s12 =	sadd.s32 s3, s12;
	s25 =	sand.u32 $0x1FFFFFF0, s9;
	s24 =	spop (v2sf)  }
0x1b0: {  	v7, _, _ =	vpop (xrf0);
	[tilespmem:s20], [sflag:$0x2] =	stream.linear.gather [hbm4b:s13+s1], $0x80, $0x38;
	[tilespmem:$0x10400] =	vst v63  }
0x1b1: {  	(v2sf) =	vpush v7, $0xF;
	s17 =	sshll.u32 s0, $0x4;
	s16 =	sshll.u32 s24, $0x4;
	s0 =	spop (v2sf)  }
0x1b2: {  	s24 =	sand.u32 $0x1FFFFFF0, s17;
	s28 =	sand.u32 $0x1FFFFFF0, s16;
	s17 =	spop (v2sf)  }
0x1b3: {  	(v2sf) =	vpush v8, $0xF;
	[tilespmem:s10], [sflag:$0x1] =	stream.linear.gather [hbm4b:s12+s1], $0x80, $0x38;
	[tilespmem:$0x10400] =	vst v63  }
0x1b4: {  	s9 =	sshll.u32 s0, $0x4;
	s28 =	sadd.s32 s3, s28;
	s0 =	spop (v2sf)  }
0x1b5: {  	s9 =	sand.u32 $0x1FFFFFF0, s9;
	s16 =	sshll.u32 s17, $0x4;
	s17 =	sshll.u32 s0, $0x4  }
0x1b6: {  	s29 =	sadd.s32 s4, s9;
	s9 =	sand.u32 $0x1FFFFFF0, s17;
	s0 =	spop (v2sf)  }
0x1b7: {  	[tilespmem:s8], [sflag:$0x2] =	stream.linear.gather [hbm4b:s29+s1], $0x80, $0x38;
	[tilespmem:$0x10400] =	vst v63  }
0x1b8: {  	s17 =	sand.u32 $0x1FFFFFF0, s26;
	s26 =	sshll.u32 s0, $0x4;
	s30 =	spop (v2sf)  }
0x1b9: {  	s16 =	sand.u32 $0x1FFFFFF0, s16;
	(v2sf) =	vpush v4, $0xF;
	s13 =	sand.u32 $0x1FFFFFF0, s26;
	s0 =	spop (v2sf)  }
0x1ba: {  	s26 =	sshll.u32 s30, $0x4;
	s20 =	sshll.u32 s0, $0x4;
	s0 =	spop (v2sf)  }
0x1bb: {  	s30 =	sand.u32 $0x1FFFFFF0, s26;
	s13 =	sadd.s32 s3, s13;
	s31 =	spop (v2sf)  }
0x1bc: {  	v60, _, _ =	vpop (xrf0);
	s26 =	sshll.u32 s0, $0x4;
	s0 =	sadd.s32 $0x8680, s18;
	s10 =	sshll.u32 s31, $0x4  }
0x1bd: {  	(v2sf) =	vpush v60, $0xF;
	s31 =	smov.u32 s2;
	s2 =	sadd.s32 s4, s25;
	s25 =	rddreg [dreg:$0x19]  }
0x1be: {  	s12 =	spop (v2sf);
	s8 =	sand.u32 $0x1FFFFFF0, s10;
	s10 =	rddreg [dreg:$0x1d]  }
0x1bf: {  	v16 =	vsel vm11, $0x0, v1;
	v7, _, _ =	vpop (xrf0);
	[tilespmem:s10], [sflag:$0x1] =	stream.linear.gather [hbm4b:s28+s1], $0x80, $0x38;
	[tilespmem:$0x10400] =	vst v63  }
0x1c0: {  	(xrf0) =	vadd.scan.msk.s32 $0xffff, v16;
	(v2sf) =	vpush v7, $0xF;
	s29 =	spop (v2sf);
	s28 =	smov.u32 s11;
	s11 =	sshll.u32 s12, $0x4  }
0x1c1: {  	v17 =	vsel vm12, $0x0, v1;
	[tilespmem:s25], [sflag:$0x2] =	stream.linear.gather [hbm4b:s2+s1], $0x80, $0x38;
	[tilespmem:$0x10400] =	vst v63  }
0x1c2: {  	v18 =	vsel vm13, $0x0, v1;
	(xrf0) =	vadd.scan.msk.s32 $0xffff, v17;
	s10 =	sand.u32 $0x1FFFFFF0, s11;
	s25 =	rddreg [dreg:$0x17];
	s12 =	spop (v2sf)  }
0x1c3: {  	(xrf0) =	vadd.scan.msk.s32 $0xffff, v18;
	s2 =	sadd.s32 s4, s24;
	s24 =	rddreg [dreg:$0x15];
	s12 =	sshll.u32 s12, $0x4  }
0x1c4: {  	v52 =	vsel vm14, $0x0, v1;
	[tilespmem:s25], [sflag:$0x1] =	stream.linear.gather [hbm4b:s13+s1], $0x80, $0x38;
	[tilespmem:$0x10400] =	vst v63  }
0x1c5: {  	(xrf0) =	vadd.scan.msk.s32 $0xffff, v52;
	s25 =	sshll.u32 s29, $0x4;
	s29 =	rddreg [dreg:$0x1e];
	s12 =	sand.u32 $0x1FFFFFF0, s12  }
0x1c6: {  	[tilespmem:s24], [sflag:$0x2] =	stream.linear.gather [hbm4b:s2+s1], $0x80, $0x38;
	[tilespmem:$0x10400] =	vst v63  }
0x1c7: {  	v1 =	vsel vm15, $0x0, v1;
	v61, _, _ =	vpop (xrf0);
	(xrf0) =	vadd.scan.msk.s32 $0xffff, v0;
	s11 =	sand.u32 $0x1FFFFFF0, s25;
	s25 =	rddreg [dreg:$0x13];
	s12 =	sadd.s32 s3, s12  }
0x1c8: {  	v8, _, _ =	vpop (xrf0);
	(xrf0) =	vadd.scan.msk.s32 $0xffff, v1;
	s2 =	sadd.s32 s3, s30;
	s30 =	sld [smem:$0x7F4];
	s13 =	spop (v2sf)  }
0x1c9: {  	[tilespmem:s25], [sflag:$0x1] =	stream.linear.gather [hbm4b:s2+s1], $0x80, $0x38;
	[tilespmem:$0x10400] =	vst v63  }
0x1ca: {  	v62, _, _ =	vpop (xrf0);
	(xrf0) =	vadd.scan.msk.s32 $0xffff, v3;
	s11 =	sadd.s32 s4, s11;
	s13 =	sshll.u32 s13, $0x4;
	s2 =	sand.u32 $0x1FFFFFF0, s26  }
0x1cb: {  	[tilespmem:s23], [sflag:$0x2] =	stream.linear.gather [hbm4b:s11+s1], $0x80, $0x38;
	[tilespmem:$0x10400] =	vst v63  }
0x1cc: {  	v63, _, _ =	vpop (xrf0);
	(v2sf) =	vpush v61, $0xF;
	s26 =	rddreg [dreg:$0x10];
	s2 =	sadd.s32 s3, s2;
	s25 =	spop (v2sf)  }
.Ltmp2:
0x1cd: {  	v6, _, _ =	vpop (xrf0);
	(v2sf) =	vpush v8, $0xF;
	s23 =	sshll.u32 s25, $0x4;
	s25 =	rddreg [dreg:$0x1b];
	(pc) =	sbr.rel @p0 .LBB2_6-.Ltmp2, $4  }
0x1ce: {  	v4, _, _ =	vpop (xrf0);
	(v2sf) =	vpush v5, $0xF;
	[tilespmem:s25], [sflag:$0x1] =	stream.linear.gather [hbm4b:s2+s1], $0x80, $0x38;
	[tilespmem:$0x10400] =	vst v63  }
0x1cf: {  	v3, _, _ =	vpop (xrf0);
	(v2sf) =	vpush v62, $0xF;
	s13 =	sand.u32 $0x1FFFFFF0, s13;
	s24 =	spop (v2sf);
	s2 =	sadd.s32 s4, s16  }
0x1d0: {  	v1, _, _ =	vpop (xrf0);
	(v2sf) =	vpush v2, $0xF;
	[tilespmem:s0], [sflag:$0x2] =	stream.linear.gather [hbm4b:s2+s1], $0x80, $0x38;
	[tilespmem:$0x10400] =	vst v63  }
0x1d1: {  	v0, _, _ =	vpop (xrf0);
	s16 =	sand.u32 $0x1FFFFFF0, s23;
	s11 =	sshll.u32 s24, $0x4;
	(v2sf) =	vpush v63, $0xF;
	s0 =	rddreg [dreg:$0xe]  }
0x1d2: {  	[tilespmem:s0], [sflag:$0x1] =	stream.linear.gather [hbm4b:s12+s1], $0x80, $0x38;
	[tilespmem:$0x10400] =	vst v63  }
0x1d3: {  	s21 =	sadd.s32 s4, s9;
	s2 =	rddreg [dreg:$0xa]  }
0x1d4: {  	[tilespmem:s2], [sflag:$0x2] =	stream.linear.gather [hbm4b:s21+s1], $0x80, $0x38;
	[tilespmem:$0x10400] =	vst v63  }
0x1d5: {  	s22 =	sadd.s32 s3, s13;
	s23 =	rddreg [dreg:$0x8];
	s24 =	sand.u32 $0x1FFFFFF0, s20  }
0x1d6: {  	[tilespmem:s23], [sflag:$0x1] =	stream.linear.gather [hbm4b:s22+s1], $0x80, $0x38;
	[tilespmem:$0x10400] =	vst v63  }
0x1d7: {  	s25 =	sadd.s32 $0x8780, s18;
	s0 =	sadd.s32 s4, s24  }
0x1d8: {  	[tilespmem:s25], [sflag:$0x2] =	stream.linear.gather [hbm4b:s0+s1], $0x80, $0x38;
	[tilespmem:$0x10400] =	vst v63  }
0x1d9: {  	s2 =	sadd.s32 s3, s16  }
0x1da: {  	[tilespmem:s30], [sflag:$0x1] =	stream.linear.gather [hbm4b:s2+s1], $0x80, $0x38;
	[tilespmem:$0x10400] =	vst v63  }
0x1db: {  	s8 =	sadd.s32 s4, s8;
	s9 =	sand.u32 $0x1FFFFFF0, s11  }
0x1dc: {  	[tilespmem:s14], [sflag:$0x2] =	stream.linear.gather [hbm4b:s8+s1], $0x80, $0x38;
	[tilespmem:$0x10400] =	vst v63  }
0x1dd: {  	s0 =	sadd.s32 s3, s9;
	s11 =	spop (v2sf)  }
0x1de: {  	[tilespmem:s29], [sflag:$0x1] =	stream.linear.gather [hbm4b:s0+s1], $0x80, $0x38;
	[tilespmem:$0x10400] =	vst v63  }
0x1df: {  	s0 =	sshll.u32 s11, $0x4  }
0x1e0: {  	s10 =	sadd.s32 s4, s10;
	s0 =	sand.u32 $0x1FFFFFF0, s0  }
0x1e1: {  	[tilespmem:s28], [sflag:$0x2] =	stream.linear.gather [hbm4b:s10+s1], $0x80, $0x38;
	[tilespmem:$0x10400] =	vst v63  }
0x1e2: {  	s12 =	spop (v2sf);
	s0 =	sadd.s32 s3, s0  }
0x1e3: {  	(v2sf) =	vpush v6, $0xF;
	[tilespmem:s26], [sflag:$0x1] =	stream.linear.gather [hbm4b:s0+s1], $0x80, $0x38;
	[tilespmem:$0x10400] =	vst v63  }
0x1e4: {  	s0 =	sshll.u32 s12, $0x4  }
0x1e5: {  	s13 =	spop (v2sf);
	s0 =	sand.u32 $0x1FFFFFF0, s0  }
0x1e6: {  	s14 =	spop (v2sf);
	s0 =	sadd.s32 s4, s0  }
0x1e7: {  	[tilespmem:s7], [sflag:$0x2] =	stream.linear.gather [hbm4b:s0+s1], $0x80, $0x38;
	[tilespmem:$0x10400] =	vst v63  }
0x1e8: {  	s7 =	sshll.u32 s14, $0x4  }
0x1e9: {  	s7 =	sand.u32 $0x1FFFFFF0, s7  }
0x1ea: {  	(v2sf) =	vpush v4, $0xF;
	s16 =	spop (v2sf);
	s7 =	sadd.s32 s3, s7  }
0x1eb: {  	[tilespmem:s15], [sflag:$0x1] =	stream.linear.gather [hbm4b:s7+s1], $0x80, $0x38;
	[tilespmem:$0x10400] =	vst v63  }
0x1ec: {  	s15 =	sadd.s32 s4, s17;
	s17 =	spop (v2sf)  }
0x1ed: {  	s7 =	sshll.u32 s17, $0x4  }
0x1ee: {  	(v2sf) =	vpush v3, $0xF;
	[tilespmem:s6], [sflag:$0x2] =	stream.linear.gather [hbm4b:s15+s1], $0x80, $0x38;
	[tilespmem:$0x10400] =	vst v63  }
0x1ef: {  	s0 =	sshll.u32 s13, $0x4;
	s7 =	sand.u32 $0x1FFFFFF0, s7  }
0x1f0: {  	s0 =	sand.u32 $0x1FFFFFF0, s0;
	s7 =	sadd.s32 s3, s7  }
0x1f1: {  	[tilespmem:s5], [sflag:$0x1] =	stream.linear.gather [hbm4b:s7+s1], $0x80, $0x38;
	[tilespmem:$0x10400] =	vst v63  }
0x1f2: {  	s19 =	rddreg [dreg:$0xc];
	s0 =	sadd.s32 s4, s0;
	s20 =	spop (v2sf)  }
0x1f3: {  	[tilespmem:s19], [sflag:$0x2] =	stream.linear.gather [hbm4b:s0+s1], $0x80, $0x38;
	[tilespmem:$0x10400] =	vst v63  }
0x1f4: {  	(v2sf) =	vpush v1, $0xF;
	s0 =	sshll.u32 s20, $0x4  }
0x1f5: {  	s0 =	sand.u32 $0x1FFFFFF0, s0  }
0x1f6: {  	s21 =	rddreg [dreg:$0x6];
	s22 =	sshll.u32 s16, $0x4;
	s0 =	sadd.s32 s3, s0  }
0x1f7: {  	(v2sf) =	vpush v0, $0xF;
	[tilespmem:s21], [sflag:$0x1] =	stream.linear.gather [hbm4b:s0+s1], $0x80, $0x38;
	[tilespmem:$0x10400] =	vst v63  }
0x1f8: {  	s0 =	sand.u32 $0x1FFFFFF0, s22  }
0x1f9: {  	s23 =	rddreg [dreg:$0x4];
	s24 =	spop (v2sf);
	s0 =	sadd.s32 s4, s0  }
0x1fa: {  	[tilespmem:s23], [sflag:$0x2] =	stream.linear.gather [hbm4b:s0+s1], $0x80, $0x38;
	[tilespmem:$0x10400] =	vst v63  }
0x1fb: {  	s0 =	sshll.u32 s24, $0x4  }
0x1fc: {  	s0 =	sand.u32 $0x1FFFFFF0, s0  }
0x1fd: {  	s25 =	spop (v2sf);
	s0 =	sadd.s32 s3, s0  }
0x1fe: {  	[tilespmem:s31], [sflag:$0x1] =	stream.linear.gather [hbm4b:s0+s1], $0x80, $0x38;
	[tilespmem:$0x10400] =	vst v63  }
0x1ff: {  	s0 =	sshll.u32 s25, $0x4  }
0x200: {  	s0 =	sand.u32 $0x1FFFFFF0, s0  }
0x201: {  	s26 =	sadd.s32 $0x8B00, s18;
	s0 =	sadd.s32 s4, s0  }
0x202: {  	[tilespmem:s26], [sflag:$0x2] =	stream.linear.gather [hbm4b:s0+s1], $0x80, $0x38;
	[tilespmem:$0x10400] =	vst v63  }
0x203: {  	s28 =	spop (v2sf)  }
0x204: {  	s0 =	sshll.u32 s28, $0x4  }
0x205: {  	s0 =	sand.u32 $0x1FFFFFF0, s0  }
0x206: {  	s29 =	sadd.s32 $0xB80, s18;
	s30 =	spop (v2sf);
	s0 =	sadd.s32 s3, s0  }
0x207: {  	[tilespmem:s29], [sflag:$0x1] =	stream.linear.gather [hbm4b:s0+s1], $0x80, $0x38;
	[tilespmem:$0x10400] =	vst v63  }
0x208: {  	s0 =	sshll.u32 s30, $0x4  }
0x209: {  	s0 =	sand.u32 $0x1FFFFFF0, s0  }
0x20a: {  	s2 =	simm.s32 $0x1;
	s31 =	sadd.s32 $0x8B80, s18;
	s0 =	sadd.s32 s4, s0  }
0x20b: {  	[tilespmem:s31], [sflag:$0x2] =	stream.linear.gather [hbm4b:s0+s1], $0x80, $0x38;
	[tilespmem:$0x10400] =	vst v63  }
0x20c: {  	_ =	swait.ge [sflag:s2], $0x80  }
0x20d: {  	[sflag:s2] =	ssyncset.done $0x0  }
0x20e: {  	s5 =	simm.s32 $0x2;
	[sflag:s2] =	ssyncadd.s32 $0xFFFFFF80  }
0x20f: {  	_ =	swait.ge [sflag:s5], $0x80  }
0x210: {  	s0 =	simm.s32 $0xFF;
	[sflag:s5] =	ssyncset.done $0x0  }
.LBB2_8:
0x211: {  	p0 =	sne.s32 s0, $0x1;
	s0 =	sadd.s32 $0xFFFFFFFF, s0;
	[sflag:s5] =	ssyncadd.s32 $0xFFFFFF80  }
.Ltmp3:
0x212: {  	_ =	swait.ge [sflag:s2], $0x80;
	(pc) =	sbr.rel @p0 .LBB2_8-.Ltmp3, $4  }
0x213: {  	[sflag:s2] =	ssyncset.done $0x0  }
0x214: {  	[sflag:s2] =	ssyncadd.s32 $0xFFFFFF80  }
0x215: {  	_ =	swait.ge [sflag:s5], $0x80  }
0x216: {  	[sflag:s5] =	ssyncset.done $0x0  }
0x217: {  	s0 =	sld [smem:$0x7FB];
	_ =	sdelay $0x1  }
0x218: {  	[sflag:s5] =	ssyncadd.s32 $0xFFFFFF80;
	s2 =	simm.s32 $0x400;
	s5 =	simm.s32 $0x3  }
0x219: {  	[hbm4b:s0+s1] =	stream.linear.scatter [tilespmem:s2], [sflag:$0x3], $0x8000, $0x38;
	[tilespmem:$0x10400] =	vst v63  }
0x21a: {  	_ =	swait.ge [sflag:s5], $0x8000  }
0x21b: {  	s28 =	sld [smem:$0x7FC]  }
0x21c: {  	[sflag:s5] =	ssyncset.done $0x0  }
0x21d: {  	s29 =	simm.s32 $0x8400;
	[sflag:s5] =	ssyncadd.s32 $0xFFFF8000  }
0x21e: {  	[hbm4b:s28+s1] =	stream.linear.scatter [tilespmem:s29], [sflag:$0x3], $0x8000, $0x38;
	[tilespmem:$0x10400] =	vst v63  }
0x21f: {  	_ =	swait.ge [sflag:s5], $0x8000  }
0x220: {  	s30 =	sld [smem:$0x7F6]  }
0x221: {  	s31 =	sld [smem:$0x7FD];
	_ =	sdelay $0x1  }
0x222: {  	s2 =	sadd.s32 $0x1, s30  }
0x223: {  	p0 =	sne.s32 s2, s31  }
.Ltmp4:
0x224: {  	_ = 	snop;
	(pc) =	sbr.rel @p0 .LBB2_1-.Ltmp4, $3  }
0x225: {  	_ =	sdelay $0x1  }
0x226: {  	[sflag:s5] =	ssyncset.done $0x0  }
0x227: {  	[sflag:s5] =	ssyncadd.s32 $0xFFFF8000  }
0x228: {  	_ =	sfence.sel $0x180000  }
0x229: {  	[bflag:$0x0] =	sbarrier.arrive $0xFFFF  }
0x22a: {  	_ =	strace $0x90000047  }
0x22b: {  	s0 =	stileid.u32;
	[bflag:$0x2] =	sbarrier.arrive $0xFFFF  }
0x22c: {  	p0 =	sne.s32 s0, $0x0;
	s0 =	rddreg [dreg:$0x3]  }
0x22d: {  	s0 =	sadd.s32 @!p0 $0x100000, s0  }
0x22e: {  	[sflag:s0] =	ssyncadd.tile.s32 @!p0 $0x1;
	_ =	shalt  }
.Lfunc_end2:
_tile_overlayer_lowered:
.L_overlay_start_2:
0x22f: {  	(tag) =	ssettag $0x2  }
0x230: {  	s0 =	rddreg [dreg:$0x0];
	s2 =	stileid.u32  }
0x231: {  	s1 =	rddreg [dreg:$0x1];
	p0 =	sne.s32 s2, $0x0  }
0x232: {  	s3 =	rddreg [dreg:$0x2];
	[bflag:$0x3] =	sbarrier.arrive $0xFFFF;
	s2 =	simm.s32 @!p0 $0x1C03  }
0x233: {  	[timem:s3], [sflag:s2] =	dma.local @!p0 [hbm:s0], s1  }
0x234: {  	s0 =	simm.s32 @!p0 $0x3  }
0x235: {  	_ =	swait.ge @!p0 [sflag:s0], s1  }
0x236: {  	s1 =	ssub.s32 @!p0 $0x0, s1;
	[sflag:s0] =	ssyncset.done @!p0 $0x0  }
0x237: {  	[sflag:s0] =	ssyncadd.s32 @!p0 s1  }
0x238: {  	[bflag:$0x3] =	sbarrier.arrive $0xFFFF  }
0x239: {  	_ =	shalt  }

</sc_bundles>
